<compile_context>
chip_gen: v7x
topology: tpu7x:2x2x1
jax: 0.10.2.dev20260603
libtpu: 0.0.44.dev20260713+nightly
codegen_flags: <defaults>
</compile_context>

<pallas_src>
import functools

import jax
import jax.numpy as jnp
from jax import lax
from jax.experimental import pallas as pl
from jax.experimental.pallas import tpu as pltpu
from jax.experimental.pallas import tpu_sc as plsc

_NC = 2
_NS = 16
_NW = _NC * _NS
_CH = 80
_NBUF = 3


def _prep(x, V, comp, loop_w, b):
    N, D = x.shape
    BLK = 1000
    nb = N // BLK

    def body(comp_ref, x_ref, V_ref, loop_ref, b_ref, out_ref):
        r = pl.program_id(1)
        rc = jnp.minimum(r, 3)
        c0 = comp_ref[rc, 0]
        c1 = comp_ref[rc, 1]
        Wm = c0 * V_ref[0] + c1 * V_ref[1]
        Wm = jnp.where(r < 4, Wm, loop_ref[...])
        y = jnp.dot(x_ref[...], Wm, preferred_element_type=jnp.float32)
        y = y + jnp.where(r == 4, 1.0, 0.0) * b_ref[...]
        y = jnp.where(r == 5, jnp.zeros_like(y), y)
        out_ref[...] = y[None]

    return pl.pallas_call(
        body,
        grid=(nb, 6),
        in_specs=[
            pl.BlockSpec(memory_space=pltpu.SMEM),
            pl.BlockSpec((BLK, D), lambda bb, rr: (bb, 0)),
            pl.BlockSpec((2, D, D), lambda bb, rr: (0, 0, 0)),
            pl.BlockSpec((D, D), lambda bb, rr: (0, 0)),
            pl.BlockSpec((1, D), lambda bb, rr: (0, 0)),
        ],
        out_specs=pl.BlockSpec((1, BLK, D), lambda bb, rr: (rr, bb, 0)),
        out_shape=jax.ShapeDtypeStruct((6, N, D), jnp.float32),
    )(comp, x, V, loop_w, b.reshape(1, D))


def _gather_idx(edge_types, src, dst, N):
    E = src.shape[0]
    rows = E // 128
    et2 = edge_types.reshape(rows, 128)
    s2 = src.reshape(rows, 128)
    d2 = dst.reshape(rows, 128)

    def body(a_ref, b_ref, c_ref, o_ref):
        o_ref[...] = (a_ref[...] * N + b_ref[...]) | (c_ref[...] << 16)

    return pl.pallas_call(
        body,
        out_shape=jax.ShapeDtypeStruct((rows, 128), jnp.int32),
    )(et2, s2, d2)


def _prep_from_parts(parts, V, comp, loop_w, b):
    _, N, D = parts.shape
    BLK = 1000
    nb = N // BLK

    def body(comp_ref, p_ref, V_ref, loop_ref, b_ref, out_ref):
        r = pl.program_id(1)
        x = jnp.maximum(p_ref[0] + p_ref[1], 0.0)
        rc = jnp.minimum(r, 3)
        c0 = comp_ref[rc, 0]
        c1 = comp_ref[rc, 1]
        Wm = c0 * V_ref[0] + c1 * V_ref[1]
        Wm = jnp.where(r < 4, Wm, loop_ref[...])
        y = jnp.dot(x, Wm, preferred_element_type=jnp.float32)
        y = y + jnp.where(r == 4, 1.0, 0.0) * b_ref[...]
        y = jnp.where(r == 5, jnp.zeros_like(y), y)
        out_ref[...] = y[None]

    return pl.pallas_call(
        body,
        grid=(nb, 6),
        in_specs=[
            pl.BlockSpec(memory_space=pltpu.SMEM),
            pl.BlockSpec((2, BLK, D), lambda bb, rr: (0, bb, 0)),
            pl.BlockSpec((2, D, D), lambda bb, rr: (0, 0, 0)),
            pl.BlockSpec((D, D), lambda bb, rr: (0, 0)),
            pl.BlockSpec((1, D), lambda bb, rr: (0, 0)),
        ],
        out_specs=pl.BlockSpec((1, BLK, D), lambda bb, rr: (rr, bb, 0)),
        out_shape=jax.ShapeDtypeStruct((6, N, D), jnp.float32),
    )(comp, parts, V, loop_w, b.reshape(1, D))


def _final(parts, pred_w, pred_b):
    _, N, D = parts.shape
    BLK = 1000
    nb = N // BLK

    def body(pb_ref, p_ref, pw_ref, o_ref):
        h = jnp.maximum(p_ref[0] + p_ref[1], 0.0)
        lg = jnp.sum(h * pw_ref[...], axis=1, keepdims=True) + pb_ref[0]
        o_ref[...] = jnp.broadcast_to(jax.nn.sigmoid(lg), (BLK, D))

    return pl.pallas_call(
        body,
        grid=(nb,),
        in_specs=[
            pl.BlockSpec(memory_space=pltpu.SMEM),
            pl.BlockSpec((2, BLK, D), lambda bb: (0, bb, 0)),
            pl.BlockSpec((1, D), lambda bb: (0, 0)),
        ],
        out_specs=pl.BlockSpec((BLK, D), lambda bb: (bb, 0)),
        out_shape=jax.ShapeDtypeStruct((N, D), jnp.float32),
    )(pred_b, parts, pred_w.reshape(1, D))


def _sc_layer(table_flat, iv_r, N, D):
    CH = _CH
    NCH = iv_r.shape[1] // CH
    NBLK8 = N // 8
    base_blocks = NBLK8 // _NS
    extra = NBLK8 - base_blocks * _NS
    MAIN = base_blocks * 8

    mesh = plsc.VectorSubcoreMesh(
        core_axis_name="c", subcore_axis_name="s",
        num_cores=_NC, num_subcores=_NS)

    NV = CH // 16

    @functools.partial(
        pl.kernel,
        out_type=jax.ShapeDtypeStruct((_NC, N, D), jnp.float32),
        mesh=mesh,
        scratch_types=[
            pltpu.VMEM((NCH * CH,), jnp.int32),
            [pltpu.VMEM((1, CH), jnp.int32) for _ in range(_NBUF)],
            [pltpu.VMEM((1, CH), jnp.int32) for _ in range(_NBUF)],
            [pltpu.VMEM((CH, D), jnp.float32) for _ in range(_NBUF)],
            pltpu.VMEM_SHARED((N, D), jnp.float32),
            [pltpu.SemaphoreType.DMA for _ in range(2 * _NBUF)],
        ],
    )
    def k(table_hbm, iv_hbm, out_hbm, iv, gx, dx, rows, acc, sems):
        c = lax.axis_index("c")
        s = lax.axis_index("s")
        w = c * _NS + s
        row0 = 8 * (s * base_blocks + jnp.minimum(s, extra))
        tbase = (4 + c) * N
        pltpu.sync_copy(table_hbm.at[pl.ds(tbase + row0, MAIN), :],
                        acc.at[pl.ds(row0, MAIN), :])

        @pl.when(s < extra)
        def _():
            pltpu.sync_copy(table_hbm.at[pl.ds(tbase + row0 + MAIN, 8), :],
                            acc.at[pl.ds(row0 + MAIN, 8), :])

        pltpu.sync_copy(iv_hbm.at[w], iv)
        plsc.subcore_barrier()

        def unpack_lo(i, dref):
            for j in range(NV):
                dref[0, pl.ds(j * 16, 16)] = iv[pl.ds(i * CH + j * 16, 16)] & 0xFFFF

        def unpack_hi(i, dref):
            for j in range(NV):
                dref[0, pl.ds(j * 16, 16)] = iv[pl.ds(i * CH + j * 16, 16)] >> 16

        def gather(b):
            return pltpu.make_async_copy(
                table_hbm.at[gx[b].at[0]], rows[b], sems[b])

        def scatter(b):
            return pltpu.make_async_copy(
                rows[b], acc.at[dx[b].at[0]], sems[_NBUF + b])

        for b in range(_NBUF - 1):
            unpack_lo(b, gx[b])
            gather(b).start()

        LA = _NBUF - 1

        def body(g, carry):
            for b in range(_NBUF):
                k = g * _NBUF + b
                b2 = (b + LA) % _NBUF

                @pl.when(k < NCH)
                def _():
                    gather(b).wait()
                    unpack_hi(k, dx[b])
                    pltpu.async_copy(rows[b], acc.at[dx[b].at[0]],
                                     sems[_NBUF + b], add=True)

                    @pl.when(k >= 1)
                    def _():
                        scatter(b2).wait()

                    @pl.when(k + LA < NCH)
                    def _():
                        unpack_lo(k + LA, gx[b2])
                        gather(b2).start()
            return carry

        lax.fori_loop(0, (NCH + _NBUF - 1) // _NBUF, body, 0)
        scatter((NCH - 1) % _NBUF).wait()
        plsc.subcore_barrier()
        pltpu.sync_copy(acc.at[pl.ds(row0, MAIN), :],
                        out_hbm.at[c, pl.ds(row0, MAIN), :])

        @pl.when(s < extra)
        def _():
            pltpu.sync_copy(acc.at[pl.ds(row0 + MAIN, 8), :],
                            out_hbm.at[c, pl.ds(row0 + MAIN, 8), :])

    return k(table_flat, iv_r)


def kernel(features, edge_index, edge_types, V1, comp1, loop_w1, b1,
           V2, comp2, loop_w2, b2, pred_w, pred_b):
    N, D = features.shape
    E = edge_index.shape[1]
    src = edge_index[0]
    dst = edge_index[1]

    epw = E // _NW
    nch = (epw + _CH - 1) // _CH
    pad = nch * _CH - epw
    iv = _gather_idx(edge_types, src, dst, N).reshape(_NW, epw)
    iv_r = jnp.pad(iv, ((0, 0), (0, pad)), constant_values=5 * N)

    table1 = _prep(features, V1, comp1, loop_w1, b1).reshape(6 * N, D)
    parts1 = _sc_layer(table1, iv_r, N, D)

    table2 = _prep_from_parts(parts1, V2, comp2, loop_w2, b2).reshape(6 * N, D)
    parts2 = _sc_layer(table2, iv_r, N, D)

    out = _final(parts2, pred_w, pred_b)
    return out[:, 0]

# --- scband reference (transcript-rebuilt; emitter-appended) ---
"""Pipeline reference for scband-rgcnmodel2-13804024889642 (READ-ONLY COPY).

The authoritative reference and input builder live on the scoring server;
editing this copy changes nothing except your own understanding.
"""

import jax, jax.numpy as jnp
import numpy as np

N = 10000
E = 320000
D_IN = 128
D_H = 128
D_OUT = 128
R = 4
NB = 2


def setup_inputs(seed: int = 0) -> dict:
    key = jax.random.key(seed)
    ks = jax.random.split(key, 14)
    features = jax.random.normal(ks[0], (N, D_IN), dtype=jnp.float32)
    edge_index = jax.random.randint(ks[1], (2, E), 0, N, dtype=jnp.int32)
    edge_types = jax.random.randint(ks[2], (E,), 0, R, dtype=jnp.int32)
    V1 = jax.random.normal(ks[3], (NB, D_IN, D_H), dtype=jnp.float32) * 0.05
    comp1 = jax.random.normal(ks[4], (R, NB), dtype=jnp.float32) * 0.5
    loop_w1 = jax.random.normal(ks[5], (D_IN, D_H), dtype=jnp.float32) * 0.05
    b1 = jnp.zeros((D_H,), dtype=jnp.float32)
    V2 = jax.random.normal(ks[6], (NB, D_H, D_OUT), dtype=jnp.float32) * 0.05
    comp2 = jax.random.normal(ks[7], (R, NB), dtype=jnp.float32) * 0.5
    loop_w2 = jax.random.normal(ks[8], (D_H, D_OUT), dtype=jnp.float32) * 0.05
    b2 = jnp.zeros((D_OUT,), dtype=jnp.float32)
    pred_w = jax.random.normal(ks[9], (D_OUT, 1), dtype=jnp.float32) * 0.05
    pred_b = jnp.zeros((1,), dtype=jnp.float32)
    return {
        "features": features,
        "edge_index": edge_index,
        "edge_types": edge_types,
        "V1": V1, "comp1": comp1, "loop_w1": loop_w1, "b1": b1,
        "V2": V2, "comp2": comp2, "loop_w2": loop_w2, "b2": b2,
        "pred_w": pred_w, "pred_b": pred_b,
    }


def _rgcn_layer(x, src, dst, etype, V, comp, loop_w, bias):
    # basis-decomposed relation weights: W_r = sum_b comp[r,b] * V_b
    W = jnp.einsum('rb,bio->rio', comp, V)            # [R, in, out]
    xw = jnp.einsum('ni,rio->rno', x, W)              # [R, N, out]
    msg = xw[etype, src]                              # gather per-edge transformed src feats
    agg = jax.ops.segment_sum(msg, dst, num_segments=x.shape[0])
    return agg + x @ loop_w + bias                    # DGL default self_loop=True, bias=True


def reference(features, edge_index, edge_types, V1, comp1, loop_w1, b1, V2, comp2, loop_w2, b2, pred_w, pred_b):
    src = edge_index[0]
    dst = edge_index[1]
    h = _rgcn_layer(features, src, dst, edge_types, V1, comp1, loop_w1, b1)
    h = jax.nn.relu(h)
    # dropout p=0.0 -> identity
    h = _rgcn_layer(h, src, dst, edge_types, V2, comp2, loop_w2, b2)
    h = jax.nn.relu(h)
    logit = (h @ pred_w + pred_b)[:, 0]
    return jax.nn.sigmoid(logit)

if __name__ == "__main__":
    import jax
    _d = setup_inputs()
    print(jax.jit(kernel)(*tuple(_d.values())))

</pallas_src>

<mosaic_0001>
#map = affine_map<(d0, d1) -> (0, 0)>
#map1 = affine_map<(d0, d1) -> (0, 0, 0)>
module attributes {stable_mosaic.version = 14 : i64} {
  func.func @k(%arg0: i32, %arg1: i32, %arg2: memref<60000x128xf32, #tpu.memory_space<hbm>>, %arg3: memref<32x10000xi32, #tpu.memory_space<hbm>>, %arg4: memref<2x10000x128xf32, #tpu.memory_space<hbm>>, %arg5: memref<10000xi32, #tpu.memory_space<vmem>>, %arg6: memref<1x80xi32, #tpu.memory_space<vmem>>, %arg7: memref<1x80xi32, #tpu.memory_space<vmem>>, %arg8: memref<1x80xi32, #tpu.memory_space<vmem>>, %arg9: memref<1x80xi32, #tpu.memory_space<vmem>>, %arg10: memref<1x80xi32, #tpu.memory_space<vmem>>, %arg11: memref<1x80xi32, #tpu.memory_space<vmem>>, %arg12: memref<80x128xf32, #tpu.memory_space<vmem>>, %arg13: memref<80x128xf32, #tpu.memory_space<vmem>>, %arg14: memref<80x128xf32, #tpu.memory_space<vmem>>, %arg15: memref<10000x128xf32, #tpu.memory_space<vmem_shared>>, %arg16: memref<!tpu.dma_semaphore, #tpu.memory_space<semaphore_mem>>, %arg17: memref<!tpu.dma_semaphore, #tpu.memory_space<semaphore_mem>>, %arg18: memref<!tpu.dma_semaphore, #tpu.memory_space<semaphore_mem>>, %arg19: memref<!tpu.dma_semaphore, #tpu.memory_space<semaphore_mem>>, %arg20: memref<!tpu.dma_semaphore, #tpu.memory_space<semaphore_mem>>, %arg21: memref<!tpu.dma_semaphore, #tpu.memory_space<semaphore_mem>>) attributes {dimension_semantics = [#tpu.dimension_semantics<core_parallel>, #tpu.dimension_semantics<subcore_parallel>], iteration_bounds = array<i64: 2, 16>, scalar_prefetch = 0 : i64, scratch_operands = 17 : i64, tpu.core_type = #tpu.core_type<sc_vector_subcore>, window_params = [{transform_indices = #map}, {transform_indices = #map}, {transform_indices = #map1}]} {
    %mul3A = arith.constant 16 : i32
    %mul3A_0 = arith.muli %arg0, %mul3A : i32
    %add3A = arith.addi %mul3A_0, %arg1 : i32
    %mul3A_1 = arith.constant 78 : i32
    %mul3A_2 = arith.muli %arg1, %mul3A_1 : i32
    %min3A = arith.constant 2 : i32
    %min3A_3 = arith.minsi %arg1, %min3A : i32
    %add3A_4 = arith.addi %mul3A_2, %min3A_3 : i32
    %mul3A_5 = arith.constant 8 : i32
    %mul3A_6 = arith.muli %mul3A_5, %add3A_4 : i32
    %add3A_7 = arith.constant 4 : i32
    %add3A_8 = arith.addi %add3A_7, %arg0 : i32
    %mul3A_9 = arith.constant 10000 : i32
    %mul3A_10 = arith.muli %add3A_8, %mul3A_9 : i32
    %add3A_11 = arith.addi %mul3A_10, %mul3A_6 : i32
    "tpu.region"() ({
      %run_scoped3A = tpu.sem_alloc : memref<!tpu.dma_semaphore, #tpu.memory_space<semaphore_mem>>
      %dma_start3A_161 = arith.constant 0 : i32
      %dma_start3A_162 = tpu.memref_slice %arg15[%mul3A_6, %dma_start3A_161] : memref<10000x128xf32, #tpu.memory_space<vmem_shared>> -> memref<624x128xf32, #tpu.memory_space<vmem_shared>>
      %dma_start3A_163 = arith.constant 0 : i32
      %dma_start3A_164 = tpu.memref_slice %arg2[%add3A_11, %dma_start3A_163] : memref<60000x128xf32, #tpu.memory_space<hbm>> -> memref<624x128xf32, #tpu.memory_space<hbm>>
      tpu.enqueue_dma source(%dma_start3A_164 : memref<624x128xf32, #tpu.memory_space<hbm>>) target(%dma_start3A_162 : memref<624x128xf32, #tpu.memory_space<vmem_shared>>) target_semaphore(%run_scoped3A : memref<!tpu.dma_semaphore, #tpu.memory_space<semaphore_mem>>)
      %dma_wait3A_165 = arith.constant 0 : i32
      %dma_wait3A_166 = tpu.memref_slice %arg15[%mul3A_6, %dma_wait3A_165] : memref<10000x128xf32, #tpu.memory_space<vmem_shared>> -> memref<624x128xf32, #tpu.memory_space<vmem_shared>>
      %dma_wait3A_167 = arith.constant 0 : i32
      %dma_wait3A_168 = tpu.memref_slice %arg2[%add3A_11, %dma_wait3A_167] : memref<60000x128xf32, #tpu.memory_space<hbm>> -> memref<624x128xf32, #tpu.memory_space<hbm>>
      tpu.wait_dma2 semaphore(%run_scoped3A : memref<!tpu.dma_semaphore, #tpu.memory_space<semaphore_mem>>) src(%dma_wait3A_168 : memref<624x128xf32, #tpu.memory_space<hbm>>) dst(%dma_wait3A_166 : memref<624x128xf32, #tpu.memory_space<vmem_shared>>)
      tpu.yield
    }) : () -> ()
    %lt3A = arith.constant 2 : i32
    %lt3A_12 = arith.cmpi slt, %arg1, %lt3A : i32
    %convert_element_type3A = arith.extui %lt3A_12 : i1 to i32
    %cond3A = arith.constant 0 : i32
    %cond3A_13 = arith.cmpi ne, %convert_element_type3A, %cond3A : i32
    scf.if %cond3A_13 {
      %add3A_161 = arith.addi %mul3A_10, %mul3A_6 : i32
      %add3A_162 = arith.constant 624 : i32
      %add3A_163 = arith.addi %add3A_161, %add3A_162 : i32
      %add3A_164 = arith.constant 624 : i32
      %add3A_165 = arith.addi %mul3A_6, %add3A_164 : i32
      "tpu.region"() ({
        %run_scoped3A = tpu.sem_alloc : memref<!tpu.dma_semaphore, #tpu.memory_space<semaphore_mem>>
        %dma_start3A_166 = arith.constant 0 : i32
        %dma_start3A_167 = tpu.memref_slice %arg15[%add3A_165, %dma_start3A_166] : memref<10000x128xf32, #tpu.memory_space<vmem_shared>> -> memref<8x128xf32, #tpu.memory_space<vmem_shared>>
        %dma_start3A_168 = arith.constant 0 : i32
        %dma_start3A_169 = tpu.memref_slice %arg2[%add3A_163, %dma_start3A_168] : memref<60000x128xf32, #tpu.memory_space<hbm>> -> memref<8x128xf32, #tpu.memory_space<hbm>>
        tpu.enqueue_dma source(%dma_start3A_169 : memref<8x128xf32, #tpu.memory_space<hbm>>) target(%dma_start3A_167 : memref<8x128xf32, #tpu.memory_space<vmem_shared>>) target_semaphore(%run_scoped3A : memref<!tpu.dma_semaphore, #tpu.memory_space<semaphore_mem>>)
        %dma_wait3A_170 = arith.constant 0 : i32
        %dma_wait3A_171 = tpu.memref_slice %arg15[%add3A_165, %dma_wait3A_170] : memref<10000x128xf32, #tpu.memory_space<vmem_shared>> -> memref<8x128xf32, #tpu.memory_space<vmem_shared>>
        %dma_wait3A_172 = arith.constant 0 : i32
        %dma_wait3A_173 = tpu.memref_slice %arg2[%add3A_163, %dma_wait3A_172] : memref<60000x128xf32, #tpu.memory_space<hbm>> -> memref<8x128xf32, #tpu.memory_space<hbm>>
        tpu.wait_dma2 semaphore(%run_scoped3A : memref<!tpu.dma_semaphore, #tpu.memory_space<semaphore_mem>>) src(%dma_wait3A_173 : memref<8x128xf32, #tpu.memory_space<hbm>>) dst(%dma_wait3A_171 : memref<8x128xf32, #tpu.memory_space<vmem_shared>>)
        tpu.yield
      }) : () -> ()
    } else {
    }
    "tpu.region"() ({
      %run_scoped3A = tpu.sem_alloc : memref<!tpu.dma_semaphore, #tpu.memory_space<semaphore_mem>>
      %dma_start3A_161 = arith.constant 0 : i32
      %dma_start3A_162 = tpu.memref_slice %arg3[%add3A, %dma_start3A_161] : memref<32x10000xi32, #tpu.memory_space<hbm>> -> memref<1x10000xi32, #tpu.memory_space<hbm>>
      %dma_start3A_163 = tpu.memref_squeeze %dma_start3A_162 : memref<1x10000xi32, #tpu.memory_space<hbm>> -> memref<10000xi32, #tpu.memory_space<hbm>>
      %dma_start3A_164 = arith.constant 0 : i32
      %dma_start3A_165 = tpu.memref_slice %arg3[%add3A, %dma_start3A_164] : memref<32x10000xi32, #tpu.memory_space<hbm>> -> memref<1x10000xi32, #tpu.memory_space<hbm>>
      %dma_start3A_166 = tpu.memref_squeeze %dma_start3A_165 : memref<1x10000xi32, #tpu.memory_space<hbm>> -> memref<10000xi32, #tpu.memory_space<hbm>>
      tpu.enqueue_dma source(%dma_start3A_166 : memref<10000xi32, #tpu.memory_space<hbm>>) target(%arg5 : memref<10000xi32, #tpu.memory_space<vmem>>) target_semaphore(%run_scoped3A : memref<!tpu.dma_semaphore, #tpu.memory_space<semaphore_mem>>)
      %dma_wait3A_167 = arith.constant 0 : i32
      %dma_wait3A_168 = tpu.memref_slice %arg3[%add3A, %dma_wait3A_167] : memref<32x10000xi32, #tpu.memory_space<hbm>> -> memref<1x10000xi32, #tpu.memory_space<hbm>>
      %dma_wait3A_169 = tpu.memref_squeeze %dma_wait3A_168 : memref<1x10000xi32, #tpu.memory_space<hbm>> -> memref<10000xi32, #tpu.memory_space<hbm>>
      %dma_wait3A_170 = arith.constant 0 : i32
      %dma_wait3A_171 = tpu.memref_slice %arg3[%add3A, %dma_wait3A_170] : memref<32x10000xi32, #tpu.memory_space<hbm>> -> memref<1x10000xi32, #tpu.memory_space<hbm>>
      %dma_wait3A_172 = tpu.memref_squeeze %dma_wait3A_171 : memref<1x10000xi32, #tpu.memory_space<hbm>> -> memref<10000xi32, #tpu.memory_space<hbm>>
      tpu.wait_dma2 semaphore(%run_scoped3A : memref<!tpu.dma_semaphore, #tpu.memory_space<semaphore_mem>>) src(%dma_wait3A_172 : memref<10000xi32, #tpu.memory_space<hbm>>) dst(%arg5 : memref<10000xi32, #tpu.memory_space<vmem>>)
      tpu.yield
    }) : () -> ()
    %barrier3A = arith.constant 0 : index
    tpu.barrier barrier_id(%barrier3A)
    %get3A = arith.constant 0 : index
    %get3A_14 = tpu.vector_load %arg5[%get3A] {strides = array<i32>} : memref<10000xi32, #tpu.memory_space<vmem>>, vector<16xi32>,
    %get3A_15 = vector.shape_cast %get3A_14 : vector<16xi32> to vector<16xi32>
    %and3A = arith.constant 65535 : i32
    %and3A_16 = vector.broadcast %and3A : i32 to vector<16xi32>
    %and3A_17 = arith.andi %get3A_15, %and3A_16 : vector<16xi32>
    %swap3A = arith.constant 0 : i32
    %swap3A_18 = arith.index_cast %swap3A : i32 to index
    %swap3A_19 = arith.constant 0 : index
    %swap3A_20 = tpu.vector_load %arg6[%swap3A_18, %swap3A_19] {strides = array<i32>} : memref<1x80xi32, #tpu.memory_space<vmem>>, vector<1x16xi32>,
    %swap3A_21 = vector.shape_cast %swap3A_20 : vector<1x16xi32> to vector<16xi32>
    %swap3A_22 = vector.shape_cast %and3A_17 : vector<16xi32> to vector<1x16xi32>
    tpu.vector_store %arg6[%swap3A_18, %swap3A_19], %swap3A_22 {strides = array<i32>} : memref<1x80xi32, #tpu.memory_space<vmem>>, vector<1x16xi32>,
    %get3A_23 = arith.constant 16 : index
    %get3A_24 = tpu.vector_load %arg5[%get3A_23] {strides = array<i32>} : memref<10000xi32, #tpu.memory_space<vmem>>, vector<16xi32>,
    %get3A_25 = vector.shape_cast %get3A_24 : vector<16xi32> to vector<16xi32>
    %and3A_26 = arith.constant 65535 : i32
    %and3A_27 = vector.broadcast %and3A_26 : i32 to vector<16xi32>
    %and3A_28 = arith.andi %get3A_25, %and3A_27 : vector<16xi32>
    %swap3A_29 = arith.constant 0 : i32
    %swap3A_30 = arith.index_cast %swap3A_29 : i32 to index
    %swap3A_31 = arith.constant 16 : index
    %swap3A_32 = tpu.vector_load %arg6[%swap3A_30, %swap3A_31] {strides = array<i32>} : memref<1x80xi32, #tpu.memory_space<vmem>>, vector<1x16xi32>,
    %swap3A_33 = vector.shape_cast %swap3A_32 : vector<1x16xi32> to vector<16xi32>
    %swap3A_34 = vector.shape_cast %and3A_28 : vector<16xi32> to vector<1x16xi32>
    tpu.vector_store %arg6[%swap3A_30, %swap3A_31], %swap3A_34 {strides = array<i32>} : memref<1x80xi32, #tpu.memory_space<vmem>>, vector<1x16xi32>,
    %get3A_35 = arith.constant 32 : index
    %get3A_36 = tpu.vector_load %arg5[%get3A_35] {strides = array<i32>} : memref<10000xi32, #tpu.memory_space<vmem>>, vector<16xi32>,
    %get3A_37 = vector.shape_cast %get3A_36 : vector<16xi32> to vector<16xi32>
    %and3A_38 = arith.constant 65535 : i32
    %and3A_39 = vector.broadcast %and3A_38 : i32 to vector<16xi32>
    %and3A_40 = arith.andi %get3A_37, %and3A_39 : vector<16xi32>
    %swap3A_41 = arith.constant 0 : i32
    %swap3A_42 = arith.index_cast %swap3A_41 : i32 to index
    %swap3A_43 = arith.constant 32 : index
    %swap3A_44 = tpu.vector_load %arg6[%swap3A_42, %swap3A_43] {strides = array<i32>} : memref<1x80xi32, #tpu.memory_space<vmem>>, vector<1x16xi32>,
    %swap3A_45 = vector.shape_cast %swap3A_44 : vector<1x16xi32> to vector<16xi32>
    %swap3A_46 = vector.shape_cast %and3A_40 : vector<16xi32> to vector<1x16xi32>
    tpu.vector_store %arg6[%swap3A_42, %swap3A_43], %swap3A_46 {strides = array<i32>} : memref<1x80xi32, #tpu.memory_space<vmem>>, vector<1x16xi32>,
    %get3A_47 = arith.constant 48 : index
    %get3A_48 = tpu.vector_load %arg5[%get3A_47] {strides = array<i32>} : memref<10000xi32, #tpu.memory_space<vmem>>, vector<16xi32>,
    %get3A_49 = vector.shape_cast %get3A_48 : vector<16xi32> to vector<16xi32>
    %and3A_50 = arith.constant 65535 : i32
    %and3A_51 = vector.broadcast %and3A_50 : i32 to vector<16xi32>
    %and3A_52 = arith.andi %get3A_49, %and3A_51 : vector<16xi32>
    %swap3A_53 = arith.constant 0 : i32
    %swap3A_54 = arith.index_cast %swap3A_53 : i32 to index
    %swap3A_55 = arith.constant 48 : index
    %swap3A_56 = tpu.vector_load %arg6[%swap3A_54, %swap3A_55] {strides = array<i32>} : memref<1x80xi32, #tpu.memory_space<vmem>>, vector<1x16xi32>,
    %swap3A_57 = vector.shape_cast %swap3A_56 : vector<1x16xi32> to vector<16xi32>
    %swap3A_58 = vector.shape_cast %and3A_52 : vector<16xi32> to vector<1x16xi32>
    tpu.vector_store %arg6[%swap3A_54, %swap3A_55], %swap3A_58 {strides = array<i32>} : memref<1x80xi32, #tpu.memory_space<vmem>>, vector<1x16xi32>,
    %get3A_59 = arith.constant 64 : index
    %get3A_60 = tpu.vector_load %arg5[%get3A_59] {strides = array<i32>} : memref<10000xi32, #tpu.memory_space<vmem>>, vector<16xi32>,
    %get3A_61 = vector.shape_cast %get3A_60 : vector<16xi32> to vector<16xi32>
    %and3A_62 = arith.constant 65535 : i32
    %and3A_63 = vector.broadcast %and3A_62 : i32 to vector<16xi32>
    %and3A_64 = arith.andi %get3A_61, %and3A_63 : vector<16xi32>
    %swap3A_65 = arith.constant 0 : i32
    %swap3A_66 = arith.index_cast %swap3A_65 : i32 to index
    %swap3A_67 = arith.constant 64 : index
    %swap3A_68 = tpu.vector_load %arg6[%swap3A_66, %swap3A_67] {strides = array<i32>} : memref<1x80xi32, #tpu.memory_space<vmem>>, vector<1x16xi32>,
    %swap3A_69 = vector.shape_cast %swap3A_68 : vector<1x16xi32> to vector<16xi32>
    %swap3A_70 = vector.shape_cast %and3A_64 : vector<16xi32> to vector<1x16xi32>
    tpu.vector_store %arg6[%swap3A_66, %swap3A_67], %swap3A_70 {strides = array<i32>} : memref<1x80xi32, #tpu.memory_space<vmem>>, vector<1x16xi32>,
    %dma_start3A = arith.constant 0 : i32
    %dma_start3A_71 = arith.constant 0 : i32
    %dma_start3A_72 = tpu.memref_slice %arg6[%dma_start3A, %dma_start3A_71] : memref<1x80xi32, #tpu.memory_space<vmem>> -> memref<1x80xi32, #tpu.memory_space<vmem>>
    %dma_start3A_73 = tpu.memref_squeeze %dma_start3A_72 : memref<1x80xi32, #tpu.memory_space<vmem>> -> memref<80xi32, #tpu.memory_space<vmem>>
    %dma_start3A_74 = arith.constant 0 : i32
    %dma_start3A_75 = arith.constant 0 : i32
    %dma_start3A_76 = tpu.memref_slice %arg2[%dma_start3A_74, %dma_start3A_75] : memref<60000x128xf32, #tpu.memory_space<hbm>> -> memref<60000x128xf32, #tpu.memory_space<hbm>>
    tpu.enqueue_indirect_dma source(%dma_start3A_76 : memref<60000x128xf32, #tpu.memory_space<hbm>>) target(%arg12 : memref<80x128xf32, #tpu.memory_space<vmem>>) offsets(%dma_start3A_73 : memref<80xi32, #tpu.memory_space<vmem>>) semaphore(%arg16 : memref<!tpu.dma_semaphore, #tpu.memory_space<semaphore_mem>>)
    %get3A_77 = arith.constant 80 : index
    %get3A_78 = tpu.vector_load %arg5[%get3A_77] {strides = array<i32>} : memref<10000xi32, #tpu.memory_space<vmem>>, vector<16xi32>,
    %get3A_79 = vector.shape_cast %get3A_78 : vector<16xi32> to vector<16xi32>
    %and3A_80 = arith.constant 65535 : i32
    %and3A_81 = vector.broadcast %and3A_80 : i32 to vector<16xi32>
    %and3A_82 = arith.andi %get3A_79, %and3A_81 : vector<16xi32>
    %swap3A_83 = arith.constant 0 : i32
    %swap3A_84 = arith.index_cast %swap3A_83 : i32 to index
    %swap3A_85 = arith.constant 0 : index
    %swap3A_86 = tpu.vector_load %arg7[%swap3A_84, %swap3A_85] {strides = array<i32>} : memref<1x80xi32, #tpu.memory_space<vmem>>, vector<1x16xi32>,
    %swap3A_87 = vector.shape_cast %swap3A_86 : vector<1x16xi32> to vector<16xi32>
    %swap3A_88 = vector.shape_cast %and3A_82 : vector<16xi32> to vector<1x16xi32>
    tpu.vector_store %arg7[%swap3A_84, %swap3A_85], %swap3A_88 {strides = array<i32>} : memref<1x80xi32, #tpu.memory_space<vmem>>, vector<1x16xi32>,
    %get3A_89 = arith.constant 96 : index
    %get3A_90 = tpu.vector_load %arg5[%get3A_89] {strides = array<i32>} : memref<10000xi32, #tpu.memory_space<vmem>>, vector<16xi32>,
    %get3A_91 = vector.shape_cast %get3A_90 : vector<16xi32> to vector<16xi32>
    %and3A_92 = arith.constant 65535 : i32
    %and3A_93 = vector.broadcast %and3A_92 : i32 to vector<16xi32>
    %and3A_94 = arith.andi %get3A_91, %and3A_93 : vector<16xi32>
    %swap3A_95 = arith.constant 0 : i32
    %swap3A_96 = arith.index_cast %swap3A_95 : i32 to index
    %swap3A_97 = arith.constant 16 : index
    %swap3A_98 = tpu.vector_load %arg7[%swap3A_96, %swap3A_97] {strides = array<i32>} : memref<1x80xi32, #tpu.memory_space<vmem>>, vector<1x16xi32>,
    %swap3A_99 = vector.shape_cast %swap3A_98 : vector<1x16xi32> to vector<16xi32>
    %swap3A_100 = vector.shape_cast %and3A_94 : vector<16xi32> to vector<1x16xi32>
    tpu.vector_store %arg7[%swap3A_96, %swap3A_97], %swap3A_100 {strides = array<i32>} : memref<1x80xi32, #tpu.memory_space<vmem>>, vector<1x16xi32>,
    %get3A_101 = arith.constant 112 : index
    %get3A_102 = tpu.vector_load %arg5[%get3A_101] {strides = array<i32>} : memref<10000xi32, #tpu.memory_space<vmem>>, vector<16xi32>,
    %get3A_103 = vector.shape_cast %get3A_102 : vector<16xi32> to vector<16xi32>
    %and3A_104 = arith.constant 65535 : i32
    %and3A_105 = vector.broadcast %and3A_104 : i32 to vector<16xi32>
    %and3A_106 = arith.andi %get3A_103, %and3A_105 : vector<16xi32>
    %swap3A_107 = arith.constant 0 : i32
    %swap3A_108 = arith.index_cast %swap3A_107 : i32 to index
    %swap3A_109 = arith.constant 32 : index
    %swap3A_110 = tpu.vector_load %arg7[%swap3A_108, %swap3A_109] {strides = array<i32>} : memref<1x80xi32, #tpu.memory_space<vmem>>, vector<1x16xi32>,
    %swap3A_111 = vector.shape_cast %swap3A_110 : vector<1x16xi32> to vector<16xi32>
    %swap3A_112 = vector.shape_cast %and3A_106 : vector<16xi32> to vector<1x16xi32>
    tpu.vector_store %arg7[%swap3A_108, %swap3A_109], %swap3A_112 {strides = array<i32>} : memref<1x80xi32, #tpu.memory_space<vmem>>, vector<1x16xi32>,
    %get3A_113 = arith.constant 128 : index
    %get3A_114 = tpu.vector_load %arg5[%get3A_113] {strides = array<i32>} : memref<10000xi32, #tpu.memory_space<vmem>>, vector<16xi32>,
    %get3A_115 = vector.shape_cast %get3A_114 : vector<16xi32> to vector<16xi32>
    %and3A_116 = arith.constant 65535 : i32
    %and3A_117 = vector.broadcast %and3A_116 : i32 to vector<16xi32>
    %and3A_118 = arith.andi %get3A_115, %and3A_117 : vector<16xi32>
    %swap3A_119 = arith.constant 0 : i32
    %swap3A_120 = arith.index_cast %swap3A_119 : i32 to index
    %swap3A_121 = arith.constant 48 : index
    %swap3A_122 = tpu.vector_load %arg7[%swap3A_120, %swap3A_121] {strides = array<i32>} : memref<1x80xi32, #tpu.memory_space<vmem>>, vector<1x16xi32>,
    %swap3A_123 = vector.shape_cast %swap3A_122 : vector<1x16xi32> to vector<16xi32>
    %swap3A_124 = vector.shape_cast %and3A_118 : vector<16xi32> to vector<1x16xi32>
    tpu.vector_store %arg7[%swap3A_120, %swap3A_121], %swap3A_124 {strides = array<i32>} : memref<1x80xi32, #tpu.memory_space<vmem>>, vector<1x16xi32>,
    %get3A_125 = arith.constant 144 : index
    %get3A_126 = tpu.vector_load %arg5[%get3A_125] {strides = array<i32>} : memref<10000xi32, #tpu.memory_space<vmem>>, vector<16xi32>,
    %get3A_127 = vector.shape_cast %get3A_126 : vector<16xi32> to vector<16xi32>
    %and3A_128 = arith.constant 65535 : i32
    %and3A_129 = vector.broadcast %and3A_128 : i32 to vector<16xi32>
    %and3A_130 = arith.andi %get3A_127, %and3A_129 : vector<16xi32>
    %swap3A_131 = arith.constant 0 : i32
    %swap3A_132 = arith.index_cast %swap3A_131 : i32 to index
    %swap3A_133 = arith.constant 64 : index
    %swap3A_134 = tpu.vector_load %arg7[%swap3A_132, %swap3A_133] {strides = array<i32>} : memref<1x80xi32, #tpu.memory_space<vmem>>, vector<1x16xi32>,
    %swap3A_135 = vector.shape_cast %swap3A_134 : vector<1x16xi32> to vector<16xi32>
    %swap3A_136 = vector.shape_cast %and3A_130 : vector<16xi32> to vector<1x16xi32>
    tpu.vector_store %arg7[%swap3A_132, %swap3A_133], %swap3A_136 {strides = array<i32>} : memref<1x80xi32, #tpu.memory_space<vmem>>, vector<1x16xi32>,
    %dma_start3A_137 = arith.constant 0 : i32
    %dma_start3A_138 = arith.constant 0 : i32
    %dma_start3A_139 = tpu.memref_slice %arg7[%dma_start3A_137, %dma_start3A_138] : memref<1x80xi32, #tpu.memory_space<vmem>> -> memref<1x80xi32, #tpu.memory_space<vmem>>
    %dma_start3A_140 = tpu.memref_squeeze %dma_start3A_139 : memref<1x80xi32, #tpu.memory_space<vmem>> -> memref<80xi32, #tpu.memory_space<vmem>>
    %dma_start3A_141 = arith.constant 0 : i32
    %dma_start3A_142 = arith.constant 0 : i32
    %dma_start3A_143 = tpu.memref_slice %arg2[%dma_start3A_141, %dma_start3A_142] : memref<60000x128xf32, #tpu.memory_space<hbm>> -> memref<60000x128xf32, #tpu.memory_space<hbm>>
    tpu.enqueue_indirect_dma source(%dma_start3A_143 : memref<60000x128xf32, #tpu.memory_space<hbm>>) target(%arg13 : memref<80x128xf32, #tpu.memory_space<vmem>>) offsets(%dma_start3A_140 : memref<80xi32, #tpu.memory_space<vmem>>) semaphore(%arg17 : memref<!tpu.dma_semaphore, #tpu.memory_space<semaphore_mem>>)
    %scan3A = arith.constant 0 : i32
    %scan3A_144 = arith.constant 0 : i32
    %scan3A_145 = arith.constant 42 : i32
    %scan3A_146 = arith.addi %scan3A_144, %scan3A_145 : i32
    %scan3A_147 = arith.constant 1 : i32
    scf.for %scan3A_161 = %scan3A_144 to %scan3A_146 step %scan3A_147  : i32 {
      %mul3A_162 = arith.constant 3 : i32
      %mul3A_163 = arith.muli %scan3A_161, %mul3A_162 : i32
      %add3A_164 = arith.constant 0 : i32
      %add3A_165 = arith.addi %mul3A_163, %add3A_164 : i32
      %lt3A_166 = arith.constant 125 : i32
      %lt3A_167 = arith.cmpi slt, %add3A_165, %lt3A_166 : i32
      %convert_element_type3A_168 = arith.extui %lt3A_167 : i1 to i32
      %cond3A_169 = arith.constant 0 : i32
      %cond3A_170 = arith.cmpi ne, %convert_element_type3A_168, %cond3A_169 : i32
      scf.if %cond3A_170 {
        %dma_wait3A_189 = arith.constant 0 : i32
        %dma_wait3A_190 = arith.constant 0 : i32
        %dma_wait3A_191 = tpu.memref_slice %arg6[%dma_wait3A_189, %dma_wait3A_190] : memref<1x80xi32, #tpu.memory_space<vmem>> -> memref<1x80xi32, #tpu.memory_space<vmem>>
        %dma_wait3A_192 = tpu.memref_squeeze %dma_wait3A_191 : memref<1x80xi32, #tpu.memory_space<vmem>> -> memref<80xi32, #tpu.memory_space<vmem>>
        %dma_wait3A_193 = arith.constant 0 : i32
        %dma_wait3A_194 = arith.constant 0 : i32
        %dma_wait3A_195 = tpu.memref_slice %arg2[%dma_wait3A_193, %dma_wait3A_194] : memref<60000x128xf32, #tpu.memory_space<hbm>> -> memref<60000x128xf32, #tpu.memory_space<hbm>>
        tpu.wait_indirect_dma semaphore(%arg16 : memref<!tpu.dma_semaphore, #tpu.memory_space<semaphore_mem>>) src(%dma_wait3A_195 : memref<60000x128xf32, #tpu.memory_space<hbm>>) dst(%arg12 : memref<80x128xf32, #tpu.memory_space<vmem>>)
        %mul3A_196 = arith.constant 80 : i32
        %mul3A_197 = arith.muli %add3A_165, %mul3A_196 : i32
        %add3A_198 = arith.constant 0 : i32
        %add3A_199 = arith.addi %mul3A_197, %add3A_198 : i32
        %get3A_200 = arith.index_cast %add3A_199 : i32 to index
        %get3A_201 = tpu.vector_load %arg5[%get3A_200] {strides = array<i32>} : memref<10000xi32, #tpu.memory_space<vmem>>, vector<16xi32>,
        %get3A_202 = vector.shape_cast %get3A_201 : vector<16xi32> to vector<16xi32>
        %shift_right_arithmetic3A = arith.constant 16 : i32
        %shift_right_arithmetic3A_203 = vector.broadcast %shift_right_arithmetic3A : i32 to vector<16xi32>
        %shift_right_arithmetic3A_204 = arith.shrsi %get3A_202, %shift_right_arithmetic3A_203 : vector<16xi32>
        %swap3A_205 = arith.constant 0 : i32
        %swap3A_206 = arith.index_cast %swap3A_205 : i32 to index
        %swap3A_207 = arith.constant 0 : index
        %swap3A_208 = tpu.vector_load %arg9[%swap3A_206, %swap3A_207] {strides = array<i32>} : memref<1x80xi32, #tpu.memory_space<vmem>>, vector<1x16xi32>,
        %swap3A_209 = vector.shape_cast %swap3A_208 : vector<1x16xi32> to vector<16xi32>
        %swap3A_210 = vector.shape_cast %shift_right_arithmetic3A_204 : vector<16xi32> to vector<1x16xi32>
        tpu.vector_store %arg9[%swap3A_206, %swap3A_207], %swap3A_210 {strides = array<i32>} : memref<1x80xi32, #tpu.memory_space<vmem>>, vector<1x16xi32>,
        %mul3A_211 = arith.constant 80 : i32
        %mul3A_212 = arith.muli %add3A_165, %mul3A_211 : i32
        %add3A_213 = arith.constant 16 : i32
        %add3A_214 = arith.addi %mul3A_212, %add3A_213 : i32
        %get3A_215 = arith.index_cast %add3A_214 : i32 to index
        %get3A_216 = tpu.vector_load %arg5[%get3A_215] {strides = array<i32>} : memref<10000xi32, #tpu.memory_space<vmem>>, vector<16xi32>,
        %get3A_217 = vector.shape_cast %get3A_216 : vector<16xi32> to vector<16xi32>
        %shift_right_arithmetic3A_218 = arith.constant 16 : i32
        %shift_right_arithmetic3A_219 = vector.broadcast %shift_right_arithmetic3A_218 : i32 to vector<16xi32>
        %shift_right_arithmetic3A_220 = arith.shrsi %get3A_217, %shift_right_arithmetic3A_219 : vector<16xi32>
        %swap3A_221 = arith.constant 0 : i32
        %swap3A_222 = arith.index_cast %swap3A_221 : i32 to index
        %swap3A_223 = arith.constant 16 : index
        %swap3A_224 = tpu.vector_load %arg9[%swap3A_222, %swap3A_223] {strides = array<i32>} : memref<1x80xi32, #tpu.memory_space<vmem>>, vector<1x16xi32>,
        %swap3A_225 = vector.shape_cast %swap3A_224 : vector<1x16xi32> to vector<16xi32>
        %swap3A_226 = vector.shape_cast %shift_right_arithmetic3A_220 : vector<16xi32> to vector<1x16xi32>
        tpu.vector_store %arg9[%swap3A_222, %swap3A_223], %swap3A_226 {strides = array<i32>} : memref<1x80xi32, #tpu.memory_space<vmem>>, vector<1x16xi32>,
        %mul3A_227 = arith.constant 80 : i32
        %mul3A_228 = arith.muli %add3A_165, %mul3A_227 : i32
        %add3A_229 = arith.constant 32 : i32
        %add3A_230 = arith.addi %mul3A_228, %add3A_229 : i32
        %get3A_231 = arith.index_cast %add3A_230 : i32 to index
        %get3A_232 = tpu.vector_load %arg5[%get3A_231] {strides = array<i32>} : memref<10000xi32, #tpu.memory_space<vmem>>, vector<16xi32>,
        %get3A_233 = vector.shape_cast %get3A_232 : vector<16xi32> to vector<16xi32>
        %shift_right_arithmetic3A_234 = arith.constant 16 : i32
        %shift_right_arithmetic3A_235 = vector.broadcast %shift_right_arithmetic3A_234 : i32 to vector<16xi32>
        %shift_right_arithmetic3A_236 = arith.shrsi %get3A_233, %shift_right_arithmetic3A_235 : vector<16xi32>
        %swap3A_237 = arith.constant 0 : i32
        %swap3A_238 = arith.index_cast %swap3A_237 : i32 to index
        %swap3A_239 = arith.constant 32 : index
        %swap3A_240 = tpu.vector_load %arg9[%swap3A_238, %swap3A_239] {strides = array<i32>} : memref<1x80xi32, #tpu.memory_space<vmem>>, vector<1x16xi32>,
        %swap3A_241 = vector.shape_cast %swap3A_240 : vector<1x16xi32> to vector<16xi32>
        %swap3A_242 = vector.shape_cast %shift_right_arithmetic3A_236 : vector<16xi32> to vector<1x16xi32>
        tpu.vector_store %arg9[%swap3A_238, %swap3A_239], %swap3A_242 {strides = array<i32>} : memref<1x80xi32, #tpu.memory_space<vmem>>, vector<1x16xi32>,
        %mul3A_243 = arith.constant 80 : i32
        %mul3A_244 = arith.muli %add3A_165, %mul3A_243 : i32
        %add3A_245 = arith.constant 48 : i32
        %add3A_246 = arith.addi %mul3A_244, %add3A_245 : i32
        %get3A_247 = arith.index_cast %add3A_246 : i32 to index
        %get3A_248 = tpu.vector_load %arg5[%get3A_247] {strides = array<i32>} : memref<10000xi32, #tpu.memory_space<vmem>>, vector<16xi32>,
        %get3A_249 = vector.shape_cast %get3A_248 : vector<16xi32> to vector<16xi32>
        %shift_right_arithmetic3A_250 = arith.constant 16 : i32
        %shift_right_arithmetic3A_251 = vector.broadcast %shift_right_arithmetic3A_250 : i32 to vector<16xi32>
        %shift_right_arithmetic3A_252 = arith.shrsi %get3A_249, %shift_right_arithmetic3A_251 : vector<16xi32>
        %swap3A_253 = arith.constant 0 : i32
        %swap3A_254 = arith.index_cast %swap3A_253 : i32 to index
        %swap3A_255 = arith.constant 48 : index
        %swap3A_256 = tpu.vector_load %arg9[%swap3A_254, %swap3A_255] {strides = array<i32>} : memref<1x80xi32, #tpu.memory_space<vmem>>, vector<1x16xi32>,
        %swap3A_257 = vector.shape_cast %swap3A_256 : vector<1x16xi32> to vector<16xi32>
        %swap3A_258 = vector.shape_cast %shift_right_arithmetic3A_252 : vector<16xi32> to vector<1x16xi32>
        tpu.vector_store %arg9[%swap3A_254, %swap3A_255], %swap3A_258 {strides = array<i32>} : memref<1x80xi32, #tpu.memory_space<vmem>>, vector<1x16xi32>,
        %mul3A_259 = arith.constant 80 : i32
        %mul3A_260 = arith.muli %add3A_165, %mul3A_259 : i32
        %add3A_261 = arith.constant 64 : i32
        %add3A_262 = arith.addi %mul3A_260, %add3A_261 : i32
        %get3A_263 = arith.index_cast %add3A_262 : i32 to index
        %get3A_264 = tpu.vector_load %arg5[%get3A_263] {strides = array<i32>} : memref<10000xi32, #tpu.memory_space<vmem>>, vector<16xi32>,
        %get3A_265 = vector.shape_cast %get3A_264 : vector<16xi32> to vector<16xi32>
        %shift_right_arithmetic3A_266 = arith.constant 16 : i32
        %shift_right_arithmetic3A_267 = vector.broadcast %shift_right_arithmetic3A_266 : i32 to vector<16xi32>
        %shift_right_arithmetic3A_268 = arith.shrsi %get3A_265, %shift_right_arithmetic3A_267 : vector<16xi32>
        %swap3A_269 = arith.constant 0 : i32
        %swap3A_270 = arith.index_cast %swap3A_269 : i32 to index
        %swap3A_271 = arith.constant 64 : index
        %swap3A_272 = tpu.vector_load %arg9[%swap3A_270, %swap3A_271] {strides = array<i32>} : memref<1x80xi32, #tpu.memory_space<vmem>>, vector<1x16xi32>,
        %swap3A_273 = vector.shape_cast %swap3A_272 : vector<1x16xi32> to vector<16xi32>
        %swap3A_274 = vector.shape_cast %shift_right_arithmetic3A_268 : vector<16xi32> to vector<1x16xi32>
        tpu.vector_store %arg9[%swap3A_270, %swap3A_271], %swap3A_274 {strides = array<i32>} : memref<1x80xi32, #tpu.memory_space<vmem>>, vector<1x16xi32>,
        %dma_start3A_275 = arith.constant 0 : i32
        %dma_start3A_276 = arith.constant 0 : i32
        %dma_start3A_277 = tpu.memref_slice %arg9[%dma_start3A_275, %dma_start3A_276] : memref<1x80xi32, #tpu.memory_space<vmem>> -> memref<1x80xi32, #tpu.memory_space<vmem>>
        %dma_start3A_278 = tpu.memref_squeeze %dma_start3A_277 : memref<1x80xi32, #tpu.memory_space<vmem>> -> memref<80xi32, #tpu.memory_space<vmem>>
        %dma_start3A_279 = arith.constant 0 : i32
        %dma_start3A_280 = arith.constant 0 : i32
        %dma_start3A_281 = tpu.memref_slice %arg15[%dma_start3A_279, %dma_start3A_280] : memref<10000x128xf32, #tpu.memory_space<vmem_shared>> -> memref<10000x128xf32, #tpu.memory_space<vmem_shared>>
        tpu.enqueue_indirect_dma source(%arg12 : memref<80x128xf32, #tpu.memory_space<vmem>>) target(%dma_start3A_281 : memref<10000x128xf32, #tpu.memory_space<vmem_shared>>) offsets(%dma_start3A_278 : memref<80xi32, #tpu.memory_space<vmem>>) semaphore(%arg19 : memref<!tpu.dma_semaphore, #tpu.memory_space<semaphore_mem>>) {add = true}
        %ge3A = arith.constant 1 : i32
        %ge3A_282 = arith.cmpi sge, %add3A_165, %ge3A : i32
        %convert_element_type3A_283 = arith.extui %ge3A_282 : i1 to i32
        %cond3A_284 = arith.constant 0 : i32
        %cond3A_285 = arith.cmpi ne, %convert_element_type3A_283, %cond3A_284 : i32
        scf.if %cond3A_285 {
          %dma_wait3A_293 = arith.constant 0 : i32
          %dma_wait3A_294 = arith.constant 0 : i32
          %dma_wait3A_295 = tpu.memref_slice %arg11[%dma_wait3A_293, %dma_wait3A_294] : memref<1x80xi32, #tpu.memory_space<vmem>> -> memref<1x80xi32, #tpu.memory_space<vmem>>
          %dma_wait3A_296 = tpu.memref_squeeze %dma_wait3A_295 : memref<1x80xi32, #tpu.memory_space<vmem>> -> memref<80xi32, #tpu.memory_space<vmem>>
          %dma_wait3A_297 = arith.constant 0 : i32
          %dma_wait3A_298 = arith.constant 0 : i32
          %dma_wait3A_299 = tpu.memref_slice %arg15[%dma_wait3A_297, %dma_wait3A_298] : memref<10000x128xf32, #tpu.memory_space<vmem_shared>> -> memref<10000x128xf32, #tpu.memory_space<vmem_shared>>
          tpu.wait_indirect_dma semaphore(%arg21 : memref<!tpu.dma_semaphore, #tpu.memory_space<semaphore_mem>>) src(%arg14 : memref<80x128xf32, #tpu.memory_space<vmem>>) dst(%dma_wait3A_299 : memref<10000x128xf32, #tpu.memory_space<vmem_shared>>)
        } else {
        }
        %add3A_286 = arith.constant 2 : i32
        %add3A_287 = arith.addi %add3A_165, %add3A_286 : i32
        %lt3A_288 = arith.constant 125 : i32
        %lt3A_289 = arith.cmpi slt, %add3A_287, %lt3A_288 : i32
        %convert_element_type3A_290 = arith.extui %lt3A_289 : i1 to i32
        %cond3A_291 = arith.constant 0 : i32
        %cond3A_292 = arith.cmpi ne, %convert_element_type3A_290, %cond3A_291 : i32
        scf.if %cond3A_292 {
          %add3A_293 = arith.constant 2 : i32
          %add3A_294 = arith.addi %add3A_165, %add3A_293 : i32
          %mul3A_295 = arith.constant 80 : i32
          %mul3A_296 = arith.muli %add3A_294, %mul3A_295 : i32
          %add3A_297 = arith.constant 0 : i32
          %add3A_298 = arith.addi %mul3A_296, %add3A_297 : i32
          %get3A_299 = arith.index_cast %add3A_298 : i32 to index
          %get3A_300 = tpu.vector_load %arg5[%get3A_299] {strides = array<i32>} : memref<10000xi32, #tpu.memory_space<vmem>>, vector<16xi32>,
          %get3A_301 = vector.shape_cast %get3A_300 : vector<16xi32> to vector<16xi32>
          %and3A_302 = arith.constant 65535 : i32
          %and3A_303 = vector.broadcast %and3A_302 : i32 to vector<16xi32>
          %and3A_304 = arith.andi %get3A_301, %and3A_303 : vector<16xi32>
          %swap3A_305 = arith.constant 0 : i32
          %swap3A_306 = arith.index_cast %swap3A_305 : i32 to index
          %swap3A_307 = arith.constant 0 : index
          %swap3A_308 = tpu.vector_load %arg8[%swap3A_306, %swap3A_307] {strides = array<i32>} : memref<1x80xi32, #tpu.memory_space<vmem>>, vector<1x16xi32>,
          %swap3A_309 = vector.shape_cast %swap3A_308 : vector<1x16xi32> to vector<16xi32>
          %swap3A_310 = vector.shape_cast %and3A_304 : vector<16xi32> to vector<1x16xi32>
          tpu.vector_store %arg8[%swap3A_306, %swap3A_307], %swap3A_310 {strides = array<i32>} : memref<1x80xi32, #tpu.memory_space<vmem>>, vector<1x16xi32>,
          %mul3A_311 = arith.constant 80 : i32
          %mul3A_312 = arith.muli %add3A_294, %mul3A_311 : i32
          %add3A_313 = arith.constant 16 : i32
          %add3A_314 = arith.addi %mul3A_312, %add3A_313 : i32
          %get3A_315 = arith.index_cast %add3A_314 : i32 to index
          %get3A_316 = tpu.vector_load %arg5[%get3A_315] {strides = array<i32>} : memref<10000xi32, #tpu.memory_space<vmem>>, vector<16xi32>,
          %get3A_317 = vector.shape_cast %get3A_316 : vector<16xi32> to vector<16xi32>
          %and3A_318 = arith.constant 65535 : i32
          %and3A_319 = vector.broadcast %and3A_318 : i32 to vector<16xi32>
          %and3A_320 = arith.andi %get3A_317, %and3A_319 : vector<16xi32>
          %swap3A_321 = arith.constant 0 : i32
          %swap3A_322 = arith.index_cast %swap3A_321 : i32 to index
          %swap3A_323 = arith.constant 16 : index
          %swap3A_324 = tpu.vector_load %arg8[%swap3A_322, %swap3A_323] {strides = array<i32>} : memref<1x80xi32, #tpu.memory_space<vmem>>, vector<1x16xi32>,
          %swap3A_325 = vector.shape_cast %swap3A_324 : vector<1x16xi32> to vector<16xi32>
          %swap3A_326 = vector.shape_cast %and3A_320 : vector<16xi32> to vector<1x16xi32>
          tpu.vector_store %arg8[%swap3A_322, %swap3A_323], %swap3A_326 {strides = array<i32>} : memref<1x80xi32, #tpu.memory_space<vmem>>, vector<1x16xi32>,
          %mul3A_327 = arith.constant 80 : i32
          %mul3A_328 = arith.muli %add3A_294, %mul3A_327 : i32
          %add3A_329 = arith.constant 32 : i32
          %add3A_330 = arith.addi %mul3A_328, %add3A_329 : i32
          %get3A_331 = arith.index_cast %add3A_330 : i32 to index
          %get3A_332 = tpu.vector_load %arg5[%get3A_331] {strides = array<i32>} : memref<10000xi32, #tpu.memory_space<vmem>>, vector<16xi32>,
          %get3A_333 = vector.shape_cast %get3A_332 : vector<16xi32> to vector<16xi32>
          %and3A_334 = arith.constant 65535 : i32
          %and3A_335 = vector.broadcast %and3A_334 : i32 to vector<16xi32>
          %and3A_336 = arith.andi %get3A_333, %and3A_335 : vector<16xi32>
          %swap3A_337 = arith.constant 0 : i32
          %swap3A_338 = arith.index_cast %swap3A_337 : i32 to index
          %swap3A_339 = arith.constant 32 : index
          %swap3A_340 = tpu.vector_load %arg8[%swap3A_338, %swap3A_339] {strides = array<i32>} : memref<1x80xi32, #tpu.memory_space<vmem>>, vector<1x16xi32>,
          %swap3A_341 = vector.shape_cast %swap3A_340 : vector<1x16xi32> to vector<16xi32>
          %swap3A_342 = vector.shape_cast %and3A_336 : vector<16xi32> to vector<1x16xi32>
          tpu.vector_store %arg8[%swap3A_338, %swap3A_339], %swap3A_342 {strides = array<i32>} : memref<1x80xi32, #tpu.memory_space<vmem>>, vector<1x16xi32>,
          %mul3A_343 = arith.constant 80 : i32
          %mul3A_344 = arith.muli %add3A_294, %mul3A_343 : i32
          %add3A_345 = arith.constant 48 : i32
          %add3A_346 = arith.addi %mul3A_344, %add3A_345 : i32
          %get3A_347 = arith.index_cast %add3A_346 : i32 to index
          %get3A_348 = tpu.vector_load %arg5[%get3A_347] {strides = array<i32>} : memref<10000xi32, #tpu.memory_space<vmem>>, vector<16xi32>,
          %get3A_349 = vector.shape_cast %get3A_348 : vector<16xi32> to vector<16xi32>
          %and3A_350 = arith.constant 65535 : i32
          %and3A_351 = vector.broadcast %and3A_350 : i32 to vector<16xi32>
          %and3A_352 = arith.andi %get3A_349, %and3A_351 : vector<16xi32>
          %swap3A_353 = arith.constant 0 : i32
          %swap3A_354 = arith.index_cast %swap3A_353 : i32 to index
          %swap3A_355 = arith.constant 48 : index
          %swap3A_356 = tpu.vector_load %arg8[%swap3A_354, %swap3A_355] {strides = array<i32>} : memref<1x80xi32, #tpu.memory_space<vmem>>, vector<1x16xi32>,
          %swap3A_357 = vector.shape_cast %swap3A_356 : vector<1x16xi32> to vector<16xi32>
          %swap3A_358 = vector.shape_cast %and3A_352 : vector<16xi32> to vector<1x16xi32>
          tpu.vector_store %arg8[%swap3A_354, %swap3A_355], %swap3A_358 {strides = array<i32>} : memref<1x80xi32, #tpu.memory_space<vmem>>, vector<1x16xi32>,
          %mul3A_359 = arith.constant 80 : i32
          %mul3A_360 = arith.muli %add3A_294, %mul3A_359 : i32
          %add3A_361 = arith.constant 64 : i32
          %add3A_362 = arith.addi %mul3A_360, %add3A_361 : i32
          %get3A_363 = arith.index_cast %add3A_362 : i32 to index
          %get3A_364 = tpu.vector_load %arg5[%get3A_363] {strides = array<i32>} : memref<10000xi32, #tpu.memory_space<vmem>>, vector<16xi32>,
          %get3A_365 = vector.shape_cast %get3A_364 : vector<16xi32> to vector<16xi32>
          %and3A_366 = arith.constant 65535 : i32
          %and3A_367 = vector.broadcast %and3A_366 : i32 to vector<16xi32>
          %and3A_368 = arith.andi %get3A_365, %and3A_367 : vector<16xi32>
          %swap3A_369 = arith.constant 0 : i32
          %swap3A_370 = arith.index_cast %swap3A_369 : i32 to index
          %swap3A_371 = arith.constant 64 : index
          %swap3A_372 = tpu.vector_load %arg8[%swap3A_370, %swap3A_371] {strides = array<i32>} : memref<1x80xi32, #tpu.memory_space<vmem>>, vector<1x16xi32>,
          %swap3A_373 = vector.shape_cast %swap3A_372 : vector<1x16xi32> to vector<16xi32>
          %swap3A_374 = vector.shape_cast %and3A_368 : vector<16xi32> to vector<1x16xi32>
          tpu.vector_store %arg8[%swap3A_370, %swap3A_371], %swap3A_374 {strides = array<i32>} : memref<1x80xi32, #tpu.memory_space<vmem>>, vector<1x16xi32>,
          %dma_start3A_375 = arith.constant 0 : i32
          %dma_start3A_376 = arith.constant 0 : i32
          %dma_start3A_377 = tpu.memref_slice %arg8[%dma_start3A_375, %dma_start3A_376] : memref<1x80xi32, #tpu.memory_space<vmem>> -> memref<1x80xi32, #tpu.memory_space<vmem>>
          %dma_start3A_378 = tpu.memref_squeeze %dma_start3A_377 : memref<1x80xi32, #tpu.memory_space<vmem>> -> memref<80xi32, #tpu.memory_space<vmem>>
          %dma_start3A_379 = arith.constant 0 : i32
          %dma_start3A_380 = arith.constant 0 : i32
          %dma_start3A_381 = tpu.memref_slice %arg2[%dma_start3A_379, %dma_start3A_380] : memref<60000x128xf32, #tpu.memory_space<hbm>> -> memref<60000x128xf32, #tpu.memory_space<hbm>>
          tpu.enqueue_indirect_dma source(%dma_start3A_381 : memref<60000x128xf32, #tpu.memory_space<hbm>>) target(%arg14 : memref<80x128xf32, #tpu.memory_space<vmem>>) offsets(%dma_start3A_378 : memref<80xi32, #tpu.memory_space<vmem>>) semaphore(%arg18 : memref<!tpu.dma_semaphore, #tpu.memory_space<semaphore_mem>>)
        } else {
        }
      } else {
      }
      %mul3A_171 = arith.constant 3 : i32
      %mul3A_172 = arith.muli %scan3A_161, %mul3A_171 : i32
      %add3A_173 = arith.constant 1 : i32
      %add3A_174 = arith.addi %mul3A_172, %add3A_173 : i32
      %lt3A_175 = arith.constant 125 : i32
      %lt3A_176 = arith.cmpi slt, %add3A_174, %lt3A_175 : i32
      %convert_element_type3A_177 = arith.extui %lt3A_176 : i1 to i32
      %cond3A_178 = arith.constant 0 : i32
      %cond3A_179 = arith.cmpi ne, %convert_element_type3A_177, %cond3A_178 : i32
      scf.if %cond3A_179 {
        %dma_wait3A_189 = arith.constant 0 : i32
        %dma_wait3A_190 = arith.constant 0 : i32
        %dma_wait3A_191 = tpu.memref_slice %arg7[%dma_wait3A_189, %dma_wait3A_190] : memref<1x80xi32, #tpu.memory_space<vmem>> -> memref<1x80xi32, #tpu.memory_space<vmem>>
        %dma_wait3A_192 = tpu.memref_squeeze %dma_wait3A_191 : memref<1x80xi32, #tpu.memory_space<vmem>> -> memref<80xi32, #tpu.memory_space<vmem>>
        %dma_wait3A_193 = arith.constant 0 : i32
        %dma_wait3A_194 = arith.constant 0 : i32
        %dma_wait3A_195 = tpu.memref_slice %arg2[%dma_wait3A_193, %dma_wait3A_194] : memref<60000x128xf32, #tpu.memory_space<hbm>> -> memref<60000x128xf32, #tpu.memory_space<hbm>>
        tpu.wait_indirect_dma semaphore(%arg17 : memref<!tpu.dma_semaphore, #tpu.memory_space<semaphore_mem>>) src(%dma_wait3A_195 : memref<60000x128xf32, #tpu.memory_space<hbm>>) dst(%arg13 : memref<80x128xf32, #tpu.memory_space<vmem>>)
        %mul3A_196 = arith.constant 80 : i32
        %mul3A_197 = arith.muli %add3A_174, %mul3A_196 : i32
        %add3A_198 = arith.constant 0 : i32
        %add3A_199 = arith.addi %mul3A_197, %add3A_198 : i32
        %get3A_200 = arith.index_cast %add3A_199 : i32 to index
        %get3A_201 = tpu.vector_load %arg5[%get3A_200] {strides = array<i32>} : memref<10000xi32, #tpu.memory_space<vmem>>, vector<16xi32>,
        %get3A_202 = vector.shape_cast %get3A_201 : vector<16xi32> to vector<16xi32>
        %shift_right_arithmetic3A = arith.constant 16 : i32
        %shift_right_arithmetic3A_203 = vector.broadcast %shift_right_arithmetic3A : i32 to vector<16xi32>
        %shift_right_arithmetic3A_204 = arith.shrsi %get3A_202, %shift_right_arithmetic3A_203 : vector<16xi32>
        %swap3A_205 = arith.constant 0 : i32
        %swap3A_206 = arith.index_cast %swap3A_205 : i32 to index
        %swap3A_207 = arith.constant 0 : index
        %swap3A_208 = tpu.vector_load %arg10[%swap3A_206, %swap3A_207] {strides = array<i32>} : memref<1x80xi32, #tpu.memory_space<vmem>>, vector<1x16xi32>,
        %swap3A_209 = vector.shape_cast %swap3A_208 : vector<1x16xi32> to vector<16xi32>
        %swap3A_210 = vector.shape_cast %shift_right_arithmetic3A_204 : vector<16xi32> to vector<1x16xi32>
        tpu.vector_store %arg10[%swap3A_206, %swap3A_207], %swap3A_210 {strides = array<i32>} : memref<1x80xi32, #tpu.memory_space<vmem>>, vector<1x16xi32>,
        %mul3A_211 = arith.constant 80 : i32
        %mul3A_212 = arith.muli %add3A_174, %mul3A_211 : i32
        %add3A_213 = arith.constant 16 : i32
        %add3A_214 = arith.addi %mul3A_212, %add3A_213 : i32
        %get3A_215 = arith.index_cast %add3A_214 : i32 to index
        %get3A_216 = tpu.vector_load %arg5[%get3A_215] {strides = array<i32>} : memref<10000xi32, #tpu.memory_space<vmem>>, vector<16xi32>,
        %get3A_217 = vector.shape_cast %get3A_216 : vector<16xi32> to vector<16xi32>
        %shift_right_arithmetic3A_218 = arith.constant 16 : i32
        %shift_right_arithmetic3A_219 = vector.broadcast %shift_right_arithmetic3A_218 : i32 to vector<16xi32>
        %shift_right_arithmetic3A_220 = arith.shrsi %get3A_217, %shift_right_arithmetic3A_219 : vector<16xi32>
        %swap3A_221 = arith.constant 0 : i32
        %swap3A_222 = arith.index_cast %swap3A_221 : i32 to index
        %swap3A_223 = arith.constant 16 : index
        %swap3A_224 = tpu.vector_load %arg10[%swap3A_222, %swap3A_223] {strides = array<i32>} : memref<1x80xi32, #tpu.memory_space<vmem>>, vector<1x16xi32>,
        %swap3A_225 = vector.shape_cast %swap3A_224 : vector<1x16xi32> to vector<16xi32>
        %swap3A_226 = vector.shape_cast %shift_right_arithmetic3A_220 : vector<16xi32> to vector<1x16xi32>
        tpu.vector_store %arg10[%swap3A_222, %swap3A_223], %swap3A_226 {strides = array<i32>} : memref<1x80xi32, #tpu.memory_space<vmem>>, vector<1x16xi32>,
        %mul3A_227 = arith.constant 80 : i32
        %mul3A_228 = arith.muli %add3A_174, %mul3A_227 : i32
        %add3A_229 = arith.constant 32 : i32
        %add3A_230 = arith.addi %mul3A_228, %add3A_229 : i32
        %get3A_231 = arith.index_cast %add3A_230 : i32 to index
        %get3A_232 = tpu.vector_load %arg5[%get3A_231] {strides = array<i32>} : memref<10000xi32, #tpu.memory_space<vmem>>, vector<16xi32>,
        %get3A_233 = vector.shape_cast %get3A_232 : vector<16xi32> to vector<16xi32>
        %shift_right_arithmetic3A_234 = arith.constant 16 : i32
        %shift_right_arithmetic3A_235 = vector.broadcast %shift_right_arithmetic3A_234 : i32 to vector<16xi32>
        %shift_right_arithmetic3A_236 = arith.shrsi %get3A_233, %shift_right_arithmetic3A_235 : vector<16xi32>
        %swap3A_237 = arith.constant 0 : i32
        %swap3A_238 = arith.index_cast %swap3A_237 : i32 to index
        %swap3A_239 = arith.constant 32 : index
        %swap3A_240 = tpu.vector_load %arg10[%swap3A_238, %swap3A_239] {strides = array<i32>} : memref<1x80xi32, #tpu.memory_space<vmem>>, vector<1x16xi32>,
        %swap3A_241 = vector.shape_cast %swap3A_240 : vector<1x16xi32> to vector<16xi32>
        %swap3A_242 = vector.shape_cast %shift_right_arithmetic3A_236 : vector<16xi32> to vector<1x16xi32>
        tpu.vector_store %arg10[%swap3A_238, %swap3A_239], %swap3A_242 {strides = array<i32>} : memref<1x80xi32, #tpu.memory_space<vmem>>, vector<1x16xi32>,
        %mul3A_243 = arith.constant 80 : i32
        %mul3A_244 = arith.muli %add3A_174, %mul3A_243 : i32
        %add3A_245 = arith.constant 48 : i32
        %add3A_246 = arith.addi %mul3A_244, %add3A_245 : i32
        %get3A_247 = arith.index_cast %add3A_246 : i32 to index
        %get3A_248 = tpu.vector_load %arg5[%get3A_247] {strides = array<i32>} : memref<10000xi32, #tpu.memory_space<vmem>>, vector<16xi32>,
        %get3A_249 = vector.shape_cast %get3A_248 : vector<16xi32> to vector<16xi32>
        %shift_right_arithmetic3A_250 = arith.constant 16 : i32
        %shift_right_arithmetic3A_251 = vector.broadcast %shift_right_arithmetic3A_250 : i32 to vector<16xi32>
        %shift_right_arithmetic3A_252 = arith.shrsi %get3A_249, %shift_right_arithmetic3A_251 : vector<16xi32>
        %swap3A_253 = arith.constant 0 : i32
        %swap3A_254 = arith.index_cast %swap3A_253 : i32 to index
        %swap3A_255 = arith.constant 48 : index
        %swap3A_256 = tpu.vector_load %arg10[%swap3A_254, %swap3A_255] {strides = array<i32>} : memref<1x80xi32, #tpu.memory_space<vmem>>, vector<1x16xi32>,
        %swap3A_257 = vector.shape_cast %swap3A_256 : vector<1x16xi32> to vector<16xi32>
        %swap3A_258 = vector.shape_cast %shift_right_arithmetic3A_252 : vector<16xi32> to vector<1x16xi32>
        tpu.vector_store %arg10[%swap3A_254, %swap3A_255], %swap3A_258 {strides = array<i32>} : memref<1x80xi32, #tpu.memory_space<vmem>>, vector<1x16xi32>,
        %mul3A_259 = arith.constant 80 : i32
        %mul3A_260 = arith.muli %add3A_174, %mul3A_259 : i32
        %add3A_261 = arith.constant 64 : i32
        %add3A_262 = arith.addi %mul3A_260, %add3A_261 : i32
        %get3A_263 = arith.index_cast %add3A_262 : i32 to index
        %get3A_264 = tpu.vector_load %arg5[%get3A_263] {strides = array<i32>} : memref<10000xi32, #tpu.memory_space<vmem>>, vector<16xi32>,
        %get3A_265 = vector.shape_cast %get3A_264 : vector<16xi32> to vector<16xi32>
        %shift_right_arithmetic3A_266 = arith.constant 16 : i32
        %shift_right_arithmetic3A_267 = vector.broadcast %shift_right_arithmetic3A_266 : i32 to vector<16xi32>
        %shift_right_arithmetic3A_268 = arith.shrsi %get3A_265, %shift_right_arithmetic3A_267 : vector<16xi32>
        %swap3A_269 = arith.constant 0 : i32
        %swap3A_270 = arith.index_cast %swap3A_269 : i32 to index
        %swap3A_271 = arith.constant 64 : index
        %swap3A_272 = tpu.vector_load %arg10[%swap3A_270, %swap3A_271] {strides = array<i32>} : memref<1x80xi32, #tpu.memory_space<vmem>>, vector<1x16xi32>,
        %swap3A_273 = vector.shape_cast %swap3A_272 : vector<1x16xi32> to vector<16xi32>
        %swap3A_274 = vector.shape_cast %shift_right_arithmetic3A_268 : vector<16xi32> to vector<1x16xi32>
        tpu.vector_store %arg10[%swap3A_270, %swap3A_271], %swap3A_274 {strides = array<i32>} : memref<1x80xi32, #tpu.memory_space<vmem>>, vector<1x16xi32>,
        %dma_start3A_275 = arith.constant 0 : i32
        %dma_start3A_276 = arith.constant 0 : i32
        %dma_start3A_277 = tpu.memref_slice %arg10[%dma_start3A_275, %dma_start3A_276] : memref<1x80xi32, #tpu.memory_space<vmem>> -> memref<1x80xi32, #tpu.memory_space<vmem>>
        %dma_start3A_278 = tpu.memref_squeeze %dma_start3A_277 : memref<1x80xi32, #tpu.memory_space<vmem>> -> memref<80xi32, #tpu.memory_space<vmem>>
        %dma_start3A_279 = arith.constant 0 : i32
        %dma_start3A_280 = arith.constant 0 : i32
        %dma_start3A_281 = tpu.memref_slice %arg15[%dma_start3A_279, %dma_start3A_280] : memref<10000x128xf32, #tpu.memory_space<vmem_shared>> -> memref<10000x128xf32, #tpu.memory_space<vmem_shared>>
        tpu.enqueue_indirect_dma source(%arg13 : memref<80x128xf32, #tpu.memory_space<vmem>>) target(%dma_start3A_281 : memref<10000x128xf32, #tpu.memory_space<vmem_shared>>) offsets(%dma_start3A_278 : memref<80xi32, #tpu.memory_space<vmem>>) semaphore(%arg20 : memref<!tpu.dma_semaphore, #tpu.memory_space<semaphore_mem>>) {add = true}
        %ge3A = arith.constant 1 : i32
        %ge3A_282 = arith.cmpi sge, %add3A_174, %ge3A : i32
        %convert_element_type3A_283 = arith.extui %ge3A_282 : i1 to i32
        %cond3A_284 = arith.constant 0 : i32
        %cond3A_285 = arith.cmpi ne, %convert_element_type3A_283, %cond3A_284 : i32
        scf.if %cond3A_285 {
          %dma_wait3A_293 = arith.constant 0 : i32
          %dma_wait3A_294 = arith.constant 0 : i32
          %dma_wait3A_295 = tpu.memref_slice %arg9[%dma_wait3A_293, %dma_wait3A_294] : memref<1x80xi32, #tpu.memory_space<vmem>> -> memref<1x80xi32, #tpu.memory_space<vmem>>
          %dma_wait3A_296 = tpu.memref_squeeze %dma_wait3A_295 : memref<1x80xi32, #tpu.memory_space<vmem>> -> memref<80xi32, #tpu.memory_space<vmem>>
          %dma_wait3A_297 = arith.constant 0 : i32
          %dma_wait3A_298 = arith.constant 0 : i32
          %dma_wait3A_299 = tpu.memref_slice %arg15[%dma_wait3A_297, %dma_wait3A_298] : memref<10000x128xf32, #tpu.memory_space<vmem_shared>> -> memref<10000x128xf32, #tpu.memory_space<vmem_shared>>
          tpu.wait_indirect_dma semaphore(%arg19 : memref<!tpu.dma_semaphore, #tpu.memory_space<semaphore_mem>>) src(%arg12 : memref<80x128xf32, #tpu.memory_space<vmem>>) dst(%dma_wait3A_299 : memref<10000x128xf32, #tpu.memory_space<vmem_shared>>)
        } else {
        }
        %add3A_286 = arith.constant 2 : i32
        %add3A_287 = arith.addi %add3A_174, %add3A_286 : i32
        %lt3A_288 = arith.constant 125 : i32
        %lt3A_289 = arith.cmpi slt, %add3A_287, %lt3A_288 : i32
        %convert_element_type3A_290 = arith.extui %lt3A_289 : i1 to i32
        %cond3A_291 = arith.constant 0 : i32
        %cond3A_292 = arith.cmpi ne, %convert_element_type3A_290, %cond3A_291 : i32
        scf.if %cond3A_292 {
          %add3A_293 = arith.constant 2 : i32
          %add3A_294 = arith.addi %add3A_174, %add3A_293 : i32
          %mul3A_295 = arith.constant 80 : i32
          %mul3A_296 = arith.muli %add3A_294, %mul3A_295 : i32
          %add3A_297 = arith.constant 0 : i32
          %add3A_298 = arith.addi %mul3A_296, %add3A_297 : i32
          %get3A_299 = arith.index_cast %add3A_298 : i32 to index
          %get3A_300 = tpu.vector_load %arg5[%get3A_299] {strides = array<i32>} : memref<10000xi32, #tpu.memory_space<vmem>>, vector<16xi32>,
          %get3A_301 = vector.shape_cast %get3A_300 : vector<16xi32> to vector<16xi32>
          %and3A_302 = arith.constant 65535 : i32
          %and3A_303 = vector.broadcast %and3A_302 : i32 to vector<16xi32>
          %and3A_304 = arith.andi %get3A_301, %and3A_303 : vector<16xi32>
          %swap3A_305 = arith.constant 0 : i32
          %swap3A_306 = arith.index_cast %swap3A_305 : i32 to index
          %swap3A_307 = arith.constant 0 : index
          %swap3A_308 = tpu.vector_load %arg6[%swap3A_306, %swap3A_307] {strides = array<i32>} : memref<1x80xi32, #tpu.memory_space<vmem>>, vector<1x16xi32>,
          %swap3A_309 = vector.shape_cast %swap3A_308 : vector<1x16xi32> to vector<16xi32>
          %swap3A_310 = vector.shape_cast %and3A_304 : vector<16xi32> to vector<1x16xi32>
          tpu.vector_store %arg6[%swap3A_306, %swap3A_307], %swap3A_310 {strides = array<i32>} : memref<1x80xi32, #tpu.memory_space<vmem>>, vector<1x16xi32>,
          %mul3A_311 = arith.constant 80 : i32
          %mul3A_312 = arith.muli %add3A_294, %mul3A_311 : i32
          %add3A_313 = arith.constant 16 : i32
          %add3A_314 = arith.addi %mul3A_312, %add3A_313 : i32
          %get3A_315 = arith.index_cast %add3A_314 : i32 to index
          %get3A_316 = tpu.vector_load %arg5[%get3A_315] {strides = array<i32>} : memref<10000xi32, #tpu.memory_space<vmem>>, vector<16xi32>,
          %get3A_317 = vector.shape_cast %get3A_316 : vector<16xi32> to vector<16xi32>
          %and3A_318 = arith.constant 65535 : i32
          %and3A_319 = vector.broadcast %and3A_318 : i32 to vector<16xi32>
          %and3A_320 = arith.andi %get3A_317, %and3A_319 : vector<16xi32>
          %swap3A_321 = arith.constant 0 : i32
          %swap3A_322 = arith.index_cast %swap3A_321 : i32 to index
          %swap3A_323 = arith.constant 16 : index
          %swap3A_324 = tpu.vector_load %arg6[%swap3A_322, %swap3A_323] {strides = array<i32>} : memref<1x80xi32, #tpu.memory_space<vmem>>, vector<1x16xi32>,
          %swap3A_325 = vector.shape_cast %swap3A_324 : vector<1x16xi32> to vector<16xi32>
          %swap3A_326 = vector.shape_cast %and3A_320 : vector<16xi32> to vector<1x16xi32>
          tpu.vector_store %arg6[%swap3A_322, %swap3A_323], %swap3A_326 {strides = array<i32>} : memref<1x80xi32, #tpu.memory_space<vmem>>, vector<1x16xi32>,
          %mul3A_327 = arith.constant 80 : i32
          %mul3A_328 = arith.muli %add3A_294, %mul3A_327 : i32
          %add3A_329 = arith.constant 32 : i32
          %add3A_330 = arith.addi %mul3A_328, %add3A_329 : i32
          %get3A_331 = arith.index_cast %add3A_330 : i32 to index
          %get3A_332 = tpu.vector_load %arg5[%get3A_331] {strides = array<i32>} : memref<10000xi32, #tpu.memory_space<vmem>>, vector<16xi32>,
          %get3A_333 = vector.shape_cast %get3A_332 : vector<16xi32> to vector<16xi32>
          %and3A_334 = arith.constant 65535 : i32
          %and3A_335 = vector.broadcast %and3A_334 : i32 to vector<16xi32>
          %and3A_336 = arith.andi %get3A_333, %and3A_335 : vector<16xi32>
          %swap3A_337 = arith.constant 0 : i32
          %swap3A_338 = arith.index_cast %swap3A_337 : i32 to index
          %swap3A_339 = arith.constant 32 : index
          %swap3A_340 = tpu.vector_load %arg6[%swap3A_338, %swap3A_339] {strides = array<i32>} : memref<1x80xi32, #tpu.memory_space<vmem>>, vector<1x16xi32>,
          %swap3A_341 = vector.shape_cast %swap3A_340 : vector<1x16xi32> to vector<16xi32>
          %swap3A_342 = vector.shape_cast %and3A_336 : vector<16xi32> to vector<1x16xi32>
          tpu.vector_store %arg6[%swap3A_338, %swap3A_339], %swap3A_342 {strides = array<i32>} : memref<1x80xi32, #tpu.memory_space<vmem>>, vector<1x16xi32>,
          %mul3A_343 = arith.constant 80 : i32
          %mul3A_344 = arith.muli %add3A_294, %mul3A_343 : i32
          %add3A_345 = arith.constant 48 : i32
          %add3A_346 = arith.addi %mul3A_344, %add3A_345 : i32
          %get3A_347 = arith.index_cast %add3A_346 : i32 to index
          %get3A_348 = tpu.vector_load %arg5[%get3A_347] {strides = array<i32>} : memref<10000xi32, #tpu.memory_space<vmem>>, vector<16xi32>,
          %get3A_349 = vector.shape_cast %get3A_348 : vector<16xi32> to vector<16xi32>
          %and3A_350 = arith.constant 65535 : i32
          %and3A_351 = vector.broadcast %and3A_350 : i32 to vector<16xi32>
          %and3A_352 = arith.andi %get3A_349, %and3A_351 : vector<16xi32>
          %swap3A_353 = arith.constant 0 : i32
          %swap3A_354 = arith.index_cast %swap3A_353 : i32 to index
          %swap3A_355 = arith.constant 48 : index
          %swap3A_356 = tpu.vector_load %arg6[%swap3A_354, %swap3A_355] {strides = array<i32>} : memref<1x80xi32, #tpu.memory_space<vmem>>, vector<1x16xi32>,
          %swap3A_357 = vector.shape_cast %swap3A_356 : vector<1x16xi32> to vector<16xi32>
          %swap3A_358 = vector.shape_cast %and3A_352 : vector<16xi32> to vector<1x16xi32>
          tpu.vector_store %arg6[%swap3A_354, %swap3A_355], %swap3A_358 {strides = array<i32>} : memref<1x80xi32, #tpu.memory_space<vmem>>, vector<1x16xi32>,
          %mul3A_359 = arith.constant 80 : i32
          %mul3A_360 = arith.muli %add3A_294, %mul3A_359 : i32
          %add3A_361 = arith.constant 64 : i32
          %add3A_362 = arith.addi %mul3A_360, %add3A_361 : i32
          %get3A_363 = arith.index_cast %add3A_362 : i32 to index
          %get3A_364 = tpu.vector_load %arg5[%get3A_363] {strides = array<i32>} : memref<10000xi32, #tpu.memory_space<vmem>>, vector<16xi32>,
          %get3A_365 = vector.shape_cast %get3A_364 : vector<16xi32> to vector<16xi32>
          %and3A_366 = arith.constant 65535 : i32
          %and3A_367 = vector.broadcast %and3A_366 : i32 to vector<16xi32>
          %and3A_368 = arith.andi %get3A_365, %and3A_367 : vector<16xi32>
          %swap3A_369 = arith.constant 0 : i32
          %swap3A_370 = arith.index_cast %swap3A_369 : i32 to index
          %swap3A_371 = arith.constant 64 : index
          %swap3A_372 = tpu.vector_load %arg6[%swap3A_370, %swap3A_371] {strides = array<i32>} : memref<1x80xi32, #tpu.memory_space<vmem>>, vector<1x16xi32>,
          %swap3A_373 = vector.shape_cast %swap3A_372 : vector<1x16xi32> to vector<16xi32>
          %swap3A_374 = vector.shape_cast %and3A_368 : vector<16xi32> to vector<1x16xi32>
          tpu.vector_store %arg6[%swap3A_370, %swap3A_371], %swap3A_374 {strides = array<i32>} : memref<1x80xi32, #tpu.memory_space<vmem>>, vector<1x16xi32>,
          %dma_start3A_375 = arith.constant 0 : i32
          %dma_start3A_376 = arith.constant 0 : i32
          %dma_start3A_377 = tpu.memref_slice %arg6[%dma_start3A_375, %dma_start3A_376] : memref<1x80xi32, #tpu.memory_space<vmem>> -> memref<1x80xi32, #tpu.memory_space<vmem>>
          %dma_start3A_378 = tpu.memref_squeeze %dma_start3A_377 : memref<1x80xi32, #tpu.memory_space<vmem>> -> memref<80xi32, #tpu.memory_space<vmem>>
          %dma_start3A_379 = arith.constant 0 : i32
          %dma_start3A_380 = arith.constant 0 : i32
          %dma_start3A_381 = tpu.memref_slice %arg2[%dma_start3A_379, %dma_start3A_380] : memref<60000x128xf32, #tpu.memory_space<hbm>> -> memref<60000x128xf32, #tpu.memory_space<hbm>>
          tpu.enqueue_indirect_dma source(%dma_start3A_381 : memref<60000x128xf32, #tpu.memory_space<hbm>>) target(%arg12 : memref<80x128xf32, #tpu.memory_space<vmem>>) offsets(%dma_start3A_378 : memref<80xi32, #tpu.memory_space<vmem>>) semaphore(%arg16 : memref<!tpu.dma_semaphore, #tpu.memory_space<semaphore_mem>>)
        } else {
        }
      } else {
      }
      %mul3A_180 = arith.constant 3 : i32
      %mul3A_181 = arith.muli %scan3A_161, %mul3A_180 : i32
      %add3A_182 = arith.constant 2 : i32
      %add3A_183 = arith.addi %mul3A_181, %add3A_182 : i32
      %lt3A_184 = arith.constant 125 : i32
      %lt3A_185 = arith.cmpi slt, %add3A_183, %lt3A_184 : i32
      %convert_element_type3A_186 = arith.extui %lt3A_185 : i1 to i32
      %cond3A_187 = arith.constant 0 : i32
      %cond3A_188 = arith.cmpi ne, %convert_element_type3A_186, %cond3A_187 : i32
      scf.if %cond3A_188 {
        %dma_wait3A_189 = arith.constant 0 : i32
        %dma_wait3A_190 = arith.constant 0 : i32
        %dma_wait3A_191 = tpu.memref_slice %arg8[%dma_wait3A_189, %dma_wait3A_190] : memref<1x80xi32, #tpu.memory_space<vmem>> -> memref<1x80xi32, #tpu.memory_space<vmem>>
        %dma_wait3A_192 = tpu.memref_squeeze %dma_wait3A_191 : memref<1x80xi32, #tpu.memory_space<vmem>> -> memref<80xi32, #tpu.memory_space<vmem>>
        %dma_wait3A_193 = arith.constant 0 : i32
        %dma_wait3A_194 = arith.constant 0 : i32
        %dma_wait3A_195 = tpu.memref_slice %arg2[%dma_wait3A_193, %dma_wait3A_194] : memref<60000x128xf32, #tpu.memory_space<hbm>> -> memref<60000x128xf32, #tpu.memory_space<hbm>>
        tpu.wait_indirect_dma semaphore(%arg18 : memref<!tpu.dma_semaphore, #tpu.memory_space<semaphore_mem>>) src(%dma_wait3A_195 : memref<60000x128xf32, #tpu.memory_space<hbm>>) dst(%arg14 : memref<80x128xf32, #tpu.memory_space<vmem>>)
        %mul3A_196 = arith.constant 80 : i32
        %mul3A_197 = arith.muli %add3A_183, %mul3A_196 : i32
        %add3A_198 = arith.constant 0 : i32
        %add3A_199 = arith.addi %mul3A_197, %add3A_198 : i32
        %get3A_200 = arith.index_cast %add3A_199 : i32 to index
        %get3A_201 = tpu.vector_load %arg5[%get3A_200] {strides = array<i32>} : memref<10000xi32, #tpu.memory_space<vmem>>, vector<16xi32>,
        %get3A_202 = vector.shape_cast %get3A_201 : vector<16xi32> to vector<16xi32>
        %shift_right_arithmetic3A = arith.constant 16 : i32
        %shift_right_arithmetic3A_203 = vector.broadcast %shift_right_arithmetic3A : i32 to vector<16xi32>
        %shift_right_arithmetic3A_204 = arith.shrsi %get3A_202, %shift_right_arithmetic3A_203 : vector<16xi32>
        %swap3A_205 = arith.constant 0 : i32
        %swap3A_206 = arith.index_cast %swap3A_205 : i32 to index
        %swap3A_207 = arith.constant 0 : index
        %swap3A_208 = tpu.vector_load %arg11[%swap3A_206, %swap3A_207] {strides = array<i32>} : memref<1x80xi32, #tpu.memory_space<vmem>>, vector<1x16xi32>,
        %swap3A_209 = vector.shape_cast %swap3A_208 : vector<1x16xi32> to vector<16xi32>
        %swap3A_210 = vector.shape_cast %shift_right_arithmetic3A_204 : vector<16xi32> to vector<1x16xi32>
        tpu.vector_store %arg11[%swap3A_206, %swap3A_207], %swap3A_210 {strides = array<i32>} : memref<1x80xi32, #tpu.memory_space<vmem>>, vector<1x16xi32>,
        %mul3A_211 = arith.constant 80 : i32
        %mul3A_212 = arith.muli %add3A_183, %mul3A_211 : i32
        %add3A_213 = arith.constant 16 : i32
        %add3A_214 = arith.addi %mul3A_212, %add3A_213 : i32
        %get3A_215 = arith.index_cast %add3A_214 : i32 to index
        %get3A_216 = tpu.vector_load %arg5[%get3A_215] {strides = array<i32>} : memref<10000xi32, #tpu.memory_space<vmem>>, vector<16xi32>,
        %get3A_217 = vector.shape_cast %get3A_216 : vector<16xi32> to vector<16xi32>
        %shift_right_arithmetic3A_218 = arith.constant 16 : i32
        %shift_right_arithmetic3A_219 = vector.broadcast %shift_right_arithmetic3A_218 : i32 to vector<16xi32>
        %shift_right_arithmetic3A_220 = arith.shrsi %get3A_217, %shift_right_arithmetic3A_219 : vector<16xi32>
        %swap3A_221 = arith.constant 0 : i32
        %swap3A_222 = arith.index_cast %swap3A_221 : i32 to index
        %swap3A_223 = arith.constant 16 : index
        %swap3A_224 = tpu.vector_load %arg11[%swap3A_222, %swap3A_223] {strides = array<i32>} : memref<1x80xi32, #tpu.memory_space<vmem>>, vector<1x16xi32>,
        %swap3A_225 = vector.shape_cast %swap3A_224 : vector<1x16xi32> to vector<16xi32>
        %swap3A_226 = vector.shape_cast %shift_right_arithmetic3A_220 : vector<16xi32> to vector<1x16xi32>
        tpu.vector_store %arg11[%swap3A_222, %swap3A_223], %swap3A_226 {strides = array<i32>} : memref<1x80xi32, #tpu.memory_space<vmem>>, vector<1x16xi32>,
        %mul3A_227 = arith.constant 80 : i32
        %mul3A_228 = arith.muli %add3A_183, %mul3A_227 : i32
        %add3A_229 = arith.constant 32 : i32
        %add3A_230 = arith.addi %mul3A_228, %add3A_229 : i32
        %get3A_231 = arith.index_cast %add3A_230 : i32 to index
        %get3A_232 = tpu.vector_load %arg5[%get3A_231] {strides = array<i32>} : memref<10000xi32, #tpu.memory_space<vmem>>, vector<16xi32>,
        %get3A_233 = vector.shape_cast %get3A_232 : vector<16xi32> to vector<16xi32>
        %shift_right_arithmetic3A_234 = arith.constant 16 : i32
        %shift_right_arithmetic3A_235 = vector.broadcast %shift_right_arithmetic3A_234 : i32 to vector<16xi32>
        %shift_right_arithmetic3A_236 = arith.shrsi %get3A_233, %shift_right_arithmetic3A_235 : vector<16xi32>
        %swap3A_237 = arith.constant 0 : i32
        %swap3A_238 = arith.index_cast %swap3A_237 : i32 to index
        %swap3A_239 = arith.constant 32 : index
        %swap3A_240 = tpu.vector_load %arg11[%swap3A_238, %swap3A_239] {strides = array<i32>} : memref<1x80xi32, #tpu.memory_space<vmem>>, vector<1x16xi32>,
        %swap3A_241 = vector.shape_cast %swap3A_240 : vector<1x16xi32> to vector<16xi32>
        %swap3A_242 = vector.shape_cast %shift_right_arithmetic3A_236 : vector<16xi32> to vector<1x16xi32>
        tpu.vector_store %arg11[%swap3A_238, %swap3A_239], %swap3A_242 {strides = array<i32>} : memref<1x80xi32, #tpu.memory_space<vmem>>, vector<1x16xi32>,
        %mul3A_243 = arith.constant 80 : i32
        %mul3A_244 = arith.muli %add3A_183, %mul3A_243 : i32
        %add3A_245 = arith.constant 48 : i32
        %add3A_246 = arith.addi %mul3A_244, %add3A_245 : i32
        %get3A_247 = arith.index_cast %add3A_246 : i32 to index
        %get3A_248 = tpu.vector_load %arg5[%get3A_247] {strides = array<i32>} : memref<10000xi32, #tpu.memory_space<vmem>>, vector<16xi32>,
        %get3A_249 = vector.shape_cast %get3A_248 : vector<16xi32> to vector<16xi32>
        %shift_right_arithmetic3A_250 = arith.constant 16 : i32
        %shift_right_arithmetic3A_251 = vector.broadcast %shift_right_arithmetic3A_250 : i32 to vector<16xi32>
        %shift_right_arithmetic3A_252 = arith.shrsi %get3A_249, %shift_right_arithmetic3A_251 : vector<16xi32>
        %swap3A_253 = arith.constant 0 : i32
        %swap3A_254 = arith.index_cast %swap3A_253 : i32 to index
        %swap3A_255 = arith.constant 48 : index
        %swap3A_256 = tpu.vector_load %arg11[%swap3A_254, %swap3A_255] {strides = array<i32>} : memref<1x80xi32, #tpu.memory_space<vmem>>, vector<1x16xi32>,
        %swap3A_257 = vector.shape_cast %swap3A_256 : vector<1x16xi32> to vector<16xi32>
        %swap3A_258 = vector.shape_cast %shift_right_arithmetic3A_252 : vector<16xi32> to vector<1x16xi32>
        tpu.vector_store %arg11[%swap3A_254, %swap3A_255], %swap3A_258 {strides = array<i32>} : memref<1x80xi32, #tpu.memory_space<vmem>>, vector<1x16xi32>,
        %mul3A_259 = arith.constant 80 : i32
        %mul3A_260 = arith.muli %add3A_183, %mul3A_259 : i32
        %add3A_261 = arith.constant 64 : i32
        %add3A_262 = arith.addi %mul3A_260, %add3A_261 : i32
        %get3A_263 = arith.index_cast %add3A_262 : i32 to index
        %get3A_264 = tpu.vector_load %arg5[%get3A_263] {strides = array<i32>} : memref<10000xi32, #tpu.memory_space<vmem>>, vector<16xi32>,
        %get3A_265 = vector.shape_cast %get3A_264 : vector<16xi32> to vector<16xi32>
        %shift_right_arithmetic3A_266 = arith.constant 16 : i32
        %shift_right_arithmetic3A_267 = vector.broadcast %shift_right_arithmetic3A_266 : i32 to vector<16xi32>
        %shift_right_arithmetic3A_268 = arith.shrsi %get3A_265, %shift_right_arithmetic3A_267 : vector<16xi32>
        %swap3A_269 = arith.constant 0 : i32
        %swap3A_270 = arith.index_cast %swap3A_269 : i32 to index
        %swap3A_271 = arith.constant 64 : index
        %swap3A_272 = tpu.vector_load %arg11[%swap3A_270, %swap3A_271] {strides = array<i32>} : memref<1x80xi32, #tpu.memory_space<vmem>>, vector<1x16xi32>,
        %swap3A_273 = vector.shape_cast %swap3A_272 : vector<1x16xi32> to vector<16xi32>
        %swap3A_274 = vector.shape_cast %shift_right_arithmetic3A_268 : vector<16xi32> to vector<1x16xi32>
        tpu.vector_store %arg11[%swap3A_270, %swap3A_271], %swap3A_274 {strides = array<i32>} : memref<1x80xi32, #tpu.memory_space<vmem>>, vector<1x16xi32>,
        %dma_start3A_275 = arith.constant 0 : i32
        %dma_start3A_276 = arith.constant 0 : i32
        %dma_start3A_277 = tpu.memref_slice %arg11[%dma_start3A_275, %dma_start3A_276] : memref<1x80xi32, #tpu.memory_space<vmem>> -> memref<1x80xi32, #tpu.memory_space<vmem>>
        %dma_start3A_278 = tpu.memref_squeeze %dma_start3A_277 : memref<1x80xi32, #tpu.memory_space<vmem>> -> memref<80xi32, #tpu.memory_space<vmem>>
        %dma_start3A_279 = arith.constant 0 : i32
        %dma_start3A_280 = arith.constant 0 : i32
        %dma_start3A_281 = tpu.memref_slice %arg15[%dma_start3A_279, %dma_start3A_280] : memref<10000x128xf32, #tpu.memory_space<vmem_shared>> -> memref<10000x128xf32, #tpu.memory_space<vmem_shared>>
        tpu.enqueue_indirect_dma source(%arg14 : memref<80x128xf32, #tpu.memory_space<vmem>>) target(%dma_start3A_281 : memref<10000x128xf32, #tpu.memory_space<vmem_shared>>) offsets(%dma_start3A_278 : memref<80xi32, #tpu.memory_space<vmem>>) semaphore(%arg21 : memref<!tpu.dma_semaphore, #tpu.memory_space<semaphore_mem>>) {add = true}
        %ge3A = arith.constant 1 : i32
        %ge3A_282 = arith.cmpi sge, %add3A_183, %ge3A : i32
        %convert_element_type3A_283 = arith.extui %ge3A_282 : i1 to i32
        %cond3A_284 = arith.constant 0 : i32
        %cond3A_285 = arith.cmpi ne, %convert_element_type3A_283, %cond3A_284 : i32
        scf.if %cond3A_285 {
          %dma_wait3A_293 = arith.constant 0 : i32
          %dma_wait3A_294 = arith.constant 0 : i32
          %dma_wait3A_295 = tpu.memref_slice %arg10[%dma_wait3A_293, %dma_wait3A_294] : memref<1x80xi32, #tpu.memory_space<vmem>> -> memref<1x80xi32, #tpu.memory_space<vmem>>
          %dma_wait3A_296 = tpu.memref_squeeze %dma_wait3A_295 : memref<1x80xi32, #tpu.memory_space<vmem>> -> memref<80xi32, #tpu.memory_space<vmem>>
          %dma_wait3A_297 = arith.constant 0 : i32
          %dma_wait3A_298 = arith.constant 0 : i32
          %dma_wait3A_299 = tpu.memref_slice %arg15[%dma_wait3A_297, %dma_wait3A_298] : memref<10000x128xf32, #tpu.memory_space<vmem_shared>> -> memref<10000x128xf32, #tpu.memory_space<vmem_shared>>
          tpu.wait_indirect_dma semaphore(%arg20 : memref<!tpu.dma_semaphore, #tpu.memory_space<semaphore_mem>>) src(%arg13 : memref<80x128xf32, #tpu.memory_space<vmem>>) dst(%dma_wait3A_299 : memref<10000x128xf32, #tpu.memory_space<vmem_shared>>)
        } else {
        }
        %add3A_286 = arith.constant 2 : i32
        %add3A_287 = arith.addi %add3A_183, %add3A_286 : i32
        %lt3A_288 = arith.constant 125 : i32
        %lt3A_289 = arith.cmpi slt, %add3A_287, %lt3A_288 : i32
        %convert_element_type3A_290 = arith.extui %lt3A_289 : i1 to i32
        %cond3A_291 = arith.constant 0 : i32
        %cond3A_292 = arith.cmpi ne, %convert_element_type3A_290, %cond3A_291 : i32
        scf.if %cond3A_292 {
          %add3A_293 = arith.constant 2 : i32
          %add3A_294 = arith.addi %add3A_183, %add3A_293 : i32
          %mul3A_295 = arith.constant 80 : i32
          %mul3A_296 = arith.muli %add3A_294, %mul3A_295 : i32
          %add3A_297 = arith.constant 0 : i32
          %add3A_298 = arith.addi %mul3A_296, %add3A_297 : i32
          %get3A_299 = arith.index_cast %add3A_298 : i32 to index
          %get3A_300 = tpu.vector_load %arg5[%get3A_299] {strides = array<i32>} : memref<10000xi32, #tpu.memory_space<vmem>>, vector<16xi32>,
          %get3A_301 = vector.shape_cast %get3A_300 : vector<16xi32> to vector<16xi32>
          %and3A_302 = arith.constant 65535 : i32
          %and3A_303 = vector.broadcast %and3A_302 : i32 to vector<16xi32>
          %and3A_304 = arith.andi %get3A_301, %and3A_303 : vector<16xi32>
          %swap3A_305 = arith.constant 0 : i32
          %swap3A_306 = arith.index_cast %swap3A_305 : i32 to index
          %swap3A_307 = arith.constant 0 : index
          %swap3A_308 = tpu.vector_load %arg7[%swap3A_306, %swap3A_307] {strides = array<i32>} : memref<1x80xi32, #tpu.memory_space<vmem>>, vector<1x16xi32>,
          %swap3A_309 = vector.shape_cast %swap3A_308 : vector<1x16xi32> to vector<16xi32>
          %swap3A_310 = vector.shape_cast %and3A_304 : vector<16xi32> to vector<1x16xi32>
          tpu.vector_store %arg7[%swap3A_306, %swap3A_307], %swap3A_310 {strides = array<i32>} : memref<1x80xi32, #tpu.memory_space<vmem>>, vector<1x16xi32>,
          %mul3A_311 = arith.constant 80 : i32
          %mul3A_312 = arith.muli %add3A_294, %mul3A_311 : i32
          %add3A_313 = arith.constant 16 : i32
          %add3A_314 = arith.addi %mul3A_312, %add3A_313 : i32
          %get3A_315 = arith.index_cast %add3A_314 : i32 to index
          %get3A_316 = tpu.vector_load %arg5[%get3A_315] {strides = array<i32>} : memref<10000xi32, #tpu.memory_space<vmem>>, vector<16xi32>,
          %get3A_317 = vector.shape_cast %get3A_316 : vector<16xi32> to vector<16xi32>
          %and3A_318 = arith.constant 65535 : i32
          %and3A_319 = vector.broadcast %and3A_318 : i32 to vector<16xi32>
          %and3A_320 = arith.andi %get3A_317, %and3A_319 : vector<16xi32>
          %swap3A_321 = arith.constant 0 : i32
          %swap3A_322 = arith.index_cast %swap3A_321 : i32 to index
          %swap3A_323 = arith.constant 16 : index
          %swap3A_324 = tpu.vector_load %arg7[%swap3A_322, %swap3A_323] {strides = array<i32>} : memref<1x80xi32, #tpu.memory_space<vmem>>, vector<1x16xi32>,
          %swap3A_325 = vector.shape_cast %swap3A_324 : vector<1x16xi32> to vector<16xi32>
          %swap3A_326 = vector.shape_cast %and3A_320 : vector<16xi32> to vector<1x16xi32>
          tpu.vector_store %arg7[%swap3A_322, %swap3A_323], %swap3A_326 {strides = array<i32>} : memref<1x80xi32, #tpu.memory_space<vmem>>, vector<1x16xi32>,
          %mul3A_327 = arith.constant 80 : i32
          %mul3A_328 = arith.muli %add3A_294, %mul3A_327 : i32
          %add3A_329 = arith.constant 32 : i32
          %add3A_330 = arith.addi %mul3A_328, %add3A_329 : i32
          %get3A_331 = arith.index_cast %add3A_330 : i32 to index
          %get3A_332 = tpu.vector_load %arg5[%get3A_331] {strides = array<i32>} : memref<10000xi32, #tpu.memory_space<vmem>>, vector<16xi32>,
          %get3A_333 = vector.shape_cast %get3A_332 : vector<16xi32> to vector<16xi32>
          %and3A_334 = arith.constant 65535 : i32
          %and3A_335 = vector.broadcast %and3A_334 : i32 to vector<16xi32>
          %and3A_336 = arith.andi %get3A_333, %and3A_335 : vector<16xi32>
          %swap3A_337 = arith.constant 0 : i32
          %swap3A_338 = arith.index_cast %swap3A_337 : i32 to index
          %swap3A_339 = arith.constant 32 : index
          %swap3A_340 = tpu.vector_load %arg7[%swap3A_338, %swap3A_339] {strides = array<i32>} : memref<1x80xi32, #tpu.memory_space<vmem>>, vector<1x16xi32>,
          %swap3A_341 = vector.shape_cast %swap3A_340 : vector<1x16xi32> to vector<16xi32>
          %swap3A_342 = vector.shape_cast %and3A_336 : vector<16xi32> to vector<1x16xi32>
          tpu.vector_store %arg7[%swap3A_338, %swap3A_339], %swap3A_342 {strides = array<i32>} : memref<1x80xi32, #tpu.memory_space<vmem>>, vector<1x16xi32>,
          %mul3A_343 = arith.constant 80 : i32
          %mul3A_344 = arith.muli %add3A_294, %mul3A_343 : i32
          %add3A_345 = arith.constant 48 : i32
          %add3A_346 = arith.addi %mul3A_344, %add3A_345 : i32
          %get3A_347 = arith.index_cast %add3A_346 : i32 to index
          %get3A_348 = tpu.vector_load %arg5[%get3A_347] {strides = array<i32>} : memref<10000xi32, #tpu.memory_space<vmem>>, vector<16xi32>,
          %get3A_349 = vector.shape_cast %get3A_348 : vector<16xi32> to vector<16xi32>
          %and3A_350 = arith.constant 65535 : i32
          %and3A_351 = vector.broadcast %and3A_350 : i32 to vector<16xi32>
          %and3A_352 = arith.andi %get3A_349, %and3A_351 : vector<16xi32>
          %swap3A_353 = arith.constant 0 : i32
          %swap3A_354 = arith.index_cast %swap3A_353 : i32 to index
          %swap3A_355 = arith.constant 48 : index
          %swap3A_356 = tpu.vector_load %arg7[%swap3A_354, %swap3A_355] {strides = array<i32>} : memref<1x80xi32, #tpu.memory_space<vmem>>, vector<1x16xi32>,
          %swap3A_357 = vector.shape_cast %swap3A_356 : vector<1x16xi32> to vector<16xi32>
          %swap3A_358 = vector.shape_cast %and3A_352 : vector<16xi32> to vector<1x16xi32>
          tpu.vector_store %arg7[%swap3A_354, %swap3A_355], %swap3A_358 {strides = array<i32>} : memref<1x80xi32, #tpu.memory_space<vmem>>, vector<1x16xi32>,
          %mul3A_359 = arith.constant 80 : i32
          %mul3A_360 = arith.muli %add3A_294, %mul3A_359 : i32
          %add3A_361 = arith.constant 64 : i32
          %add3A_362 = arith.addi %mul3A_360, %add3A_361 : i32
          %get3A_363 = arith.index_cast %add3A_362 : i32 to index
          %get3A_364 = tpu.vector_load %arg5[%get3A_363] {strides = array<i32>} : memref<10000xi32, #tpu.memory_space<vmem>>, vector<16xi32>,
          %get3A_365 = vector.shape_cast %get3A_364 : vector<16xi32> to vector<16xi32>
          %and3A_366 = arith.constant 65535 : i32
          %and3A_367 = vector.broadcast %and3A_366 : i32 to vector<16xi32>
          %and3A_368 = arith.andi %get3A_365, %and3A_367 : vector<16xi32>
          %swap3A_369 = arith.constant 0 : i32
          %swap3A_370 = arith.index_cast %swap3A_369 : i32 to index
          %swap3A_371 = arith.constant 64 : index
          %swap3A_372 = tpu.vector_load %arg7[%swap3A_370, %swap3A_371] {strides = array<i32>} : memref<1x80xi32, #tpu.memory_space<vmem>>, vector<1x16xi32>,
          %swap3A_373 = vector.shape_cast %swap3A_372 : vector<1x16xi32> to vector<16xi32>
          %swap3A_374 = vector.shape_cast %and3A_368 : vector<16xi32> to vector<1x16xi32>
          tpu.vector_store %arg7[%swap3A_370, %swap3A_371], %swap3A_374 {strides = array<i32>} : memref<1x80xi32, #tpu.memory_space<vmem>>, vector<1x16xi32>,
          %dma_start3A_375 = arith.constant 0 : i32
          %dma_start3A_376 = arith.constant 0 : i32
          %dma_start3A_377 = tpu.memref_slice %arg7[%dma_start3A_375, %dma_start3A_376] : memref<1x80xi32, #tpu.memory_space<vmem>> -> memref<1x80xi32, #tpu.memory_space<vmem>>
          %dma_start3A_378 = tpu.memref_squeeze %dma_start3A_377 : memref<1x80xi32, #tpu.memory_space<vmem>> -> memref<80xi32, #tpu.memory_space<vmem>>
          %dma_start3A_379 = arith.constant 0 : i32
          %dma_start3A_380 = arith.constant 0 : i32
          %dma_start3A_381 = tpu.memref_slice %arg2[%dma_start3A_379, %dma_start3A_380] : memref<60000x128xf32, #tpu.memory_space<hbm>> -> memref<60000x128xf32, #tpu.memory_space<hbm>>
          tpu.enqueue_indirect_dma source(%dma_start3A_381 : memref<60000x128xf32, #tpu.memory_space<hbm>>) target(%arg13 : memref<80x128xf32, #tpu.memory_space<vmem>>) offsets(%dma_start3A_378 : memref<80xi32, #tpu.memory_space<vmem>>) semaphore(%arg17 : memref<!tpu.dma_semaphore, #tpu.memory_space<semaphore_mem>>)
        } else {
        }
      } else {
      }
    }
    %scan3A_148 = arith.constant 42 : i32
    %dma_wait3A = arith.constant 0 : i32
    %dma_wait3A_149 = arith.constant 0 : i32
    %dma_wait3A_150 = tpu.memref_slice %arg10[%dma_wait3A, %dma_wait3A_149] : memref<1x80xi32, #tpu.memory_space<vmem>> -> memref<1x80xi32, #tpu.memory_space<vmem>>
    %dma_wait3A_151 = tpu.memref_squeeze %dma_wait3A_150 : memref<1x80xi32, #tpu.memory_space<vmem>> -> memref<80xi32, #tpu.memory_space<vmem>>
    %dma_wait3A_152 = arith.constant 0 : i32
    %dma_wait3A_153 = arith.constant 0 : i32
    %dma_wait3A_154 = tpu.memref_slice %arg15[%dma_wait3A_152, %dma_wait3A_153] : memref<10000x128xf32, #tpu.memory_space<vmem_shared>> -> memref<10000x128xf32, #tpu.memory_space<vmem_shared>>
    tpu.wait_indirect_dma semaphore(%arg20 : memref<!tpu.dma_semaphore, #tpu.memory_space<semaphore_mem>>) src(%arg13 : memref<80x128xf32, #tpu.memory_space<vmem>>) dst(%dma_wait3A_154 : memref<10000x128xf32, #tpu.memory_space<vmem_shared>>)
    %barrier3A_155 = arith.constant 0 : index
    tpu.barrier barrier_id(%barrier3A_155)
    "tpu.region"() ({
      %run_scoped3A = tpu.sem_alloc : memref<!tpu.dma_semaphore, #tpu.memory_space<semaphore_mem>>
      %dma_start3A_161 = arith.constant 0 : i32
      %dma_start3A_162 = tpu.memref_slice %arg4[%arg0, %mul3A_6, %dma_start3A_161] : memref<2x10000x128xf32, #tpu.memory_space<hbm>> -> memref<1x624x128xf32, #tpu.memory_space<hbm>>
      %dma_start3A_163 = tpu.memref_squeeze %dma_start3A_162 : memref<1x624x128xf32, #tpu.memory_space<hbm>> -> memref<624x128xf32, #tpu.memory_space<hbm>>
      %dma_start3A_164 = arith.constant 0 : i32
      %dma_start3A_165 = tpu.memref_slice %arg15[%mul3A_6, %dma_start3A_164] : memref<10000x128xf32, #tpu.memory_space<vmem_shared>> -> memref<624x128xf32, #tpu.memory_space<vmem_shared>>
      tpu.enqueue_dma source(%dma_start3A_165 : memref<624x128xf32, #tpu.memory_space<vmem_shared>>) target(%dma_start3A_163 : memref<624x128xf32, #tpu.memory_space<hbm>>) target_semaphore(%run_scoped3A : memref<!tpu.dma_semaphore, #tpu.memory_space<semaphore_mem>>)
      %dma_wait3A_166 = arith.constant 0 : i32
      %dma_wait3A_167 = tpu.memref_slice %arg4[%arg0, %mul3A_6, %dma_wait3A_166] : memref<2x10000x128xf32, #tpu.memory_space<hbm>> -> memref<1x624x128xf32, #tpu.memory_space<hbm>>
      %dma_wait3A_168 = tpu.memref_squeeze %dma_wait3A_167 : memref<1x624x128xf32, #tpu.memory_space<hbm>> -> memref<624x128xf32, #tpu.memory_space<hbm>>
      %dma_wait3A_169 = arith.constant 0 : i32
      %dma_wait3A_170 = tpu.memref_slice %arg15[%mul3A_6, %dma_wait3A_169] : memref<10000x128xf32, #tpu.memory_space<vmem_shared>> -> memref<624x128xf32, #tpu.memory_space<vmem_shared>>
      tpu.wait_dma2 semaphore(%run_scoped3A : memref<!tpu.dma_semaphore, #tpu.memory_space<semaphore_mem>>) src(%dma_wait3A_170 : memref<624x128xf32, #tpu.memory_space<vmem_shared>>) dst(%dma_wait3A_168 : memref<624x128xf32, #tpu.memory_space<hbm>>)
      tpu.yield
    }) : () -> ()
    %lt3A_156 = arith.constant 2 : i32
    %lt3A_157 = arith.cmpi slt, %arg1, %lt3A_156 : i32
    %convert_element_type3A_158 = arith.extui %lt3A_157 : i1 to i32
    %cond3A_159 = arith.constant 0 : i32
    %cond3A_160 = arith.cmpi ne, %convert_element_type3A_158, %cond3A_159 : i32
    scf.if %cond3A_160 {
      %add3A_161 = arith.constant 624 : i32
      %add3A_162 = arith.addi %mul3A_6, %add3A_161 : i32
      %add3A_163 = arith.constant 624 : i32
      %add3A_164 = arith.addi %mul3A_6, %add3A_163 : i32
      "tpu.region"() ({
        %run_scoped3A = tpu.sem_alloc : memref<!tpu.dma_semaphore, #tpu.memory_space<semaphore_mem>>
        %dma_start3A_165 = arith.constant 0 : i32
        %dma_start3A_166 = tpu.memref_slice %arg4[%arg0, %add3A_164, %dma_start3A_165] : memref<2x10000x128xf32, #tpu.memory_space<hbm>> -> memref<1x8x128xf32, #tpu.memory_space<hbm>>
        %dma_start3A_167 = tpu.memref_squeeze %dma_start3A_166 : memref<1x8x128xf32, #tpu.memory_space<hbm>> -> memref<8x128xf32, #tpu.memory_space<hbm>>
        %dma_start3A_168 = arith.constant 0 : i32
        %dma_start3A_169 = tpu.memref_slice %arg15[%add3A_162, %dma_start3A_168] : memref<10000x128xf32, #tpu.memory_space<vmem_shared>> -> memref<8x128xf32, #tpu.memory_space<vmem_shared>>
        tpu.enqueue_dma source(%dma_start3A_169 : memref<8x128xf32, #tpu.memory_space<vmem_shared>>) target(%dma_start3A_167 : memref<8x128xf32, #tpu.memory_space<hbm>>) target_semaphore(%run_scoped3A : memref<!tpu.dma_semaphore, #tpu.memory_space<semaphore_mem>>)
        %dma_wait3A_170 = arith.constant 0 : i32
        %dma_wait3A_171 = tpu.memref_slice %arg4[%arg0, %add3A_164, %dma_wait3A_170] : memref<2x10000x128xf32, #tpu.memory_space<hbm>> -> memref<1x8x128xf32, #tpu.memory_space<hbm>>
        %dma_wait3A_172 = tpu.memref_squeeze %dma_wait3A_171 : memref<1x8x128xf32, #tpu.memory_space<hbm>> -> memref<8x128xf32, #tpu.memory_space<hbm>>
        %dma_wait3A_173 = arith.constant 0 : i32
        %dma_wait3A_174 = tpu.memref_slice %arg15[%add3A_162, %dma_wait3A_173] : memref<10000x128xf32, #tpu.memory_space<vmem_shared>> -> memref<8x128xf32, #tpu.memory_space<vmem_shared>>
        tpu.wait_dma2 semaphore(%run_scoped3A : memref<!tpu.dma_semaphore, #tpu.memory_space<semaphore_mem>>) src(%dma_wait3A_174 : memref<8x128xf32, #tpu.memory_space<vmem_shared>>) dst(%dma_wait3A_172 : memref<8x128xf32, #tpu.memory_space<hbm>>)
        tpu.yield
      }) : () -> ()
    } else {
    }
    return
  }
}

#map = affine_map<(d0, d1) -> (0, 0)>
#map1 = affine_map<(d0, d1) -> (0, 0, 0)>
module attributes {stable_mosaic.version = 14 : i64} {
  func.func @k(%arg0: i32, %arg1: i32, %arg2: memref<60000x128xf32, #tpu.memory_space<hbm>>, %arg3: memref<32x10000xi32, #tpu.memory_space<hbm>>, %arg4: memref<2x10000x128xf32, #tpu.memory_space<hbm>>, %arg5: memref<10000xi32, #tpu.memory_space<vmem>>, %arg6: memref<1x80xi32, #tpu.memory_space<vmem>>, %arg7: memref<1x80xi32, #tpu.memory_space<vmem>>, %arg8: memref<1x80xi32, #tpu.memory_space<vmem>>, %arg9: memref<1x80xi32, #tpu.memory_space<vmem>>, %arg10: memref<1x80xi32, #tpu.memory_space<vmem>>, %arg11: memref<1x80xi32, #tpu.memory_space<vmem>>, %arg12: memref<80x128xf32, #tpu.memory_space<vmem>>, %arg13: memref<80x128xf32, #tpu.memory_space<vmem>>, %arg14: memref<80x128xf32, #tpu.memory_space<vmem>>, %arg15: memref<10000x128xf32, #tpu.memory_space<vmem_shared>>, %arg16: memref<!tpu.dma_semaphore, #tpu.memory_space<semaphore_mem>>, %arg17: memref<!tpu.dma_semaphore, #tpu.memory_space<semaphore_mem>>, %arg18: memref<!tpu.dma_semaphore, #tpu.memory_space<semaphore_mem>>, %arg19: memref<!tpu.dma_semaphore, #tpu.memory_space<semaphore_mem>>, %arg20: memref<!tpu.dma_semaphore, #tpu.memory_space<semaphore_mem>>, %arg21: memref<!tpu.dma_semaphore, #tpu.memory_space<semaphore_mem>>) attributes {dimension_semantics = [#tpu.dimension_semantics<core_parallel>, #tpu.dimension_semantics<subcore_parallel>], iteration_bounds = array<i64: 2, 16>, scalar_prefetch = 0 : i64, scratch_operands = 17 : i64, tpu.core_type = #tpu.core_type<sc_vector_subcore>, window_params = [{transform_indices = #map}, {transform_indices = #map}, {transform_indices = #map1}]} {
    %mul3A = arith.constant 16 : i32
    %mul3A_0 = arith.muli %arg0, %mul3A : i32
    %add3A = arith.addi %mul3A_0, %arg1 : i32
    %mul3A_1 = arith.constant 78 : i32
    %mul3A_2 = arith.muli %arg1, %mul3A_1 : i32
    %min3A = arith.constant 2 : i32
    %min3A_3 = arith.minsi %arg1, %min3A : i32
    %add3A_4 = arith.addi %mul3A_2, %min3A_3 : i32
    %mul3A_5 = arith.constant 8 : i32
    %mul3A_6 = arith.muli %mul3A_5, %add3A_4 : i32
    %add3A_7 = arith.constant 4 : i32
    %add3A_8 = arith.addi %add3A_7, %arg0 : i32
    %mul3A_9 = arith.constant 10000 : i32
    %mul3A_10 = arith.muli %add3A_8, %mul3A_9 : i32
    %add3A_11 = arith.addi %mul3A_10, %mul3A_6 : i32
    "tpu.region"() ({
      %run_scoped3A = tpu.sem_alloc : memref<!tpu.dma_semaphore, #tpu.memory_space<semaphore_mem>>
      %dma_start3A_161 = arith.constant 0 : i32
      %dma_start3A_162 = tpu.memref_slice %arg15[%mul3A_6, %dma_start3A_161] : memref<10000x128xf32, #tpu.memory_space<vmem_shared>> -> memref<624x128xf32, #tpu.memory_space<vmem_shared>>
      %dma_start3A_163 = arith.constant 0 : i32
      %dma_start3A_164 = tpu.memref_slice %arg2[%add3A_11, %dma_start3A_163] : memref<60000x128xf32, #tpu.memory_space<hbm>> -> memref<624x128xf32, #tpu.memory_space<hbm>>
      tpu.enqueue_dma source(%dma_start3A_164 : memref<624x128xf32, #tpu.memory_space<hbm>>) target(%dma_start3A_162 : memref<624x128xf32, #tpu.memory_space<vmem_shared>>) target_semaphore(%run_scoped3A : memref<!tpu.dma_semaphore, #tpu.memory_space<semaphore_mem>>)
      %dma_wait3A_165 = arith.constant 0 : i32
      %dma_wait3A_166 = tpu.memref_slice %arg15[%mul3A_6, %dma_wait3A_165] : memref<10000x128xf32, #tpu.memory_space<vmem_shared>> -> memref<624x128xf32, #tpu.memory_space<vmem_shared>>
      %dma_wait3A_167 = arith.constant 0 : i32
      %dma_wait3A_168 = tpu.memref_slice %arg2[%add3A_11, %dma_wait3A_167] : memref<60000x128xf32, #tpu.memory_space<hbm>> -> memref<624x128xf32, #tpu.memory_space<hbm>>
      tpu.wait_dma2 semaphore(%run_scoped3A : memref<!tpu.dma_semaphore, #tpu.memory_space<semaphore_mem>>) src(%dma_wait3A_168 : memref<624x128xf32, #tpu.memory_space<hbm>>) dst(%dma_wait3A_166 : memref<624x128xf32, #tpu.memory_space<vmem_shared>>)
      tpu.yield
    }) : () -> ()
    %lt3A = arith.constant 2 : i32
    %lt3A_12 = arith.cmpi slt, %arg1, %lt3A : i32
    %convert_element_type3A = arith.extui %lt3A_12 : i1 to i32
    %cond3A = arith.constant 0 : i32
    %cond3A_13 = arith.cmpi ne, %convert_element_type3A, %cond3A : i32
    scf.if %cond3A_13 {
      %add3A_161 = arith.addi %mul3A_10, %mul3A_6 : i32
      %add3A_162 = arith.constant 624 : i32
      %add3A_163 = arith.addi %add3A_161, %add3A_162 : i32
      %add3A_164 = arith.constant 624 : i32
      %add3A_165 = arith.addi %mul3A_6, %add3A_164 : i32
      "tpu.region"() ({
        %run_scoped3A = tpu.sem_alloc : memref<!tpu.dma_semaphore, #tpu.memory_space<semaphore_mem>>
        %dma_start3A_166 = arith.constant 0 : i32
        %dma_start3A_167 = tpu.memref_slice %arg15[%add3A_165, %dma_start3A_166] : memref<10000x128xf32, #tpu.memory_space<vmem_shared>> -> memref<8x128xf32, #tpu.memory_space<vmem_shared>>
        %dma_start3A_168 = arith.constant 0 : i32
        %dma_start3A_169 = tpu.memref_slice %arg2[%add3A_163, %dma_start3A_168] : memref<60000x128xf32, #tpu.memory_space<hbm>> -> memref<8x128xf32, #tpu.memory_space<hbm>>
        tpu.enqueue_dma source(%dma_start3A_169 : memref<8x128xf32, #tpu.memory_space<hbm>>) target(%dma_start3A_167 : memref<8x128xf32, #tpu.memory_space<vmem_shared>>) target_semaphore(%run_scoped3A : memref<!tpu.dma_semaphore, #tpu.memory_space<semaphore_mem>>)
        %dma_wait3A_170 = arith.constant 0 : i32
        %dma_wait3A_171 = tpu.memref_slice %arg15[%add3A_165, %dma_wait3A_170] : memref<10000x128xf32, #tpu.memory_space<vmem_shared>> -> memref<8x128xf32, #tpu.memory_space<vmem_shared>>
        %dma_wait3A_172 = arith.constant 0 : i32
        %dma_wait3A_173 = tpu.memref_slice %arg2[%add3A_163, %dma_wait3A_172] : memref<60000x128xf32, #tpu.memory_space<hbm>> -> memref<8x128xf32, #tpu.memory_space<hbm>>
        tpu.wait_dma2 semaphore(%run_scoped3A : memref<!tpu.dma_semaphore, #tpu.memory_space<semaphore_mem>>) src(%dma_wait3A_173 : memref<8x128xf32, #tpu.memory_space<hbm>>) dst(%dma_wait3A_171 : memref<8x128xf32, #tpu.memory_space<vmem_shared>>)
        tpu.yield
      }) : () -> ()
    } else {
    }
    "tpu.region"() ({
      %run_scoped3A = tpu.sem_alloc : memref<!tpu.dma_semaphore, #tpu.memory_space<semaphore_mem>>
      %dma_start3A_161 = arith.constant 0 : i32
      %dma_start3A_162 = tpu.memref_slice %arg3[%add3A, %dma_start3A_161] : memref<32x10000xi32, #tpu.memory_space<hbm>> -> memref<1x10000xi32, #tpu.memory_space<hbm>>
      %dma_start3A_163 = tpu.memref_squeeze %dma_start3A_162 : memref<1x10000xi32, #tpu.memory_space<hbm>> -> memref<10000xi32, #tpu.memory_space<hbm>>
      %dma_start3A_164 = arith.constant 0 : i32
      %dma_start3A_165 = tpu.memref_slice %arg3[%add3A, %dma_start3A_164] : memref<32x10000xi32, #tpu.memory_space<hbm>> -> memref<1x10000xi32, #tpu.memory_space<hbm>>
      %dma_start3A_166 = tpu.memref_squeeze %dma_start3A_165 : memref<1x10000xi32, #tpu.memory_space<hbm>> -> memref<10000xi32, #tpu.memory_space<hbm>>
      tpu.enqueue_dma source(%dma_start3A_166 : memref<10000xi32, #tpu.memory_space<hbm>>) target(%arg5 : memref<10000xi32, #tpu.memory_space<vmem>>) target_semaphore(%run_scoped3A : memref<!tpu.dma_semaphore, #tpu.memory_space<semaphore_mem>>)
      %dma_wait3A_167 = arith.constant 0 : i32
      %dma_wait3A_168 = tpu.memref_slice %arg3[%add3A, %dma_wait3A_167] : memref<32x10000xi32, #tpu.memory_space<hbm>> -> memref<1x10000xi32, #tpu.memory_space<hbm>>
      %dma_wait3A_169 = tpu.memref_squeeze %dma_wait3A_168 : memref<1x10000xi32, #tpu.memory_space<hbm>> -> memref<10000xi32, #tpu.memory_space<hbm>>
      %dma_wait3A_170 = arith.constant 0 : i32
      %dma_wait3A_171 = tpu.memref_slice %arg3[%add3A, %dma_wait3A_170] : memref<32x10000xi32, #tpu.memory_space<hbm>> -> memref<1x10000xi32, #tpu.memory_space<hbm>>
      %dma_wait3A_172 = tpu.memref_squeeze %dma_wait3A_171 : memref<1x10000xi32, #tpu.memory_space<hbm>> -> memref<10000xi32, #tpu.memory_space<hbm>>
      tpu.wait_dma2 semaphore(%run_scoped3A : memref<!tpu.dma_semaphore, #tpu.memory_space<semaphore_mem>>) src(%dma_wait3A_172 : memref<10000xi32, #tpu.memory_space<hbm>>) dst(%arg5 : memref<10000xi32, #tpu.memory_space<vmem>>)
      tpu.yield
    }) : () -> ()
    %barrier3A = arith.constant 0 : index
    tpu.barrier barrier_id(%barrier3A)
    %get3A = arith.constant 0 : index
    %get3A_14 = tpu.vector_load %arg5[%get3A] {strides = array<i32>} : memref<10000xi32, #tpu.memory_space<vmem>>, vector<16xi32>,
    %get3A_15 = vector.shape_cast %get3A_14 : vector<16xi32> to vector<16xi32>
    %and3A = arith.constant 65535 : i32
    %and3A_16 = vector.broadcast %and3A : i32 to vector<16xi32>
    %and3A_17 = arith.andi %get3A_15, %and3A_16 : vector<16xi32>
    %swap3A = arith.constant 0 : i32
    %swap3A_18 = arith.index_cast %swap3A : i32 to index
    %swap3A_19 = arith.constant 0 : index
    %swap3A_20 = tpu.vector_load %arg6[%swap3A_18, %swap3A_19] {strides = array<i32>} : memref<1x80xi32, #tpu.memory_space<vmem>>, vector<1x16xi32>,
    %swap3A_21 = vector.shape_cast %swap3A_20 : vector<1x16xi32> to vector<16xi32>
    %swap3A_22 = vector.shape_cast %and3A_17 : vector<16xi32> to vector<1x16xi32>
    tpu.vector_store %arg6[%swap3A_18, %swap3A_19], %swap3A_22 {strides = array<i32>} : memref<1x80xi32, #tpu.memory_space<vmem>>, vector<1x16xi32>,
    %get3A_23 = arith.constant 16 : index
    %get3A_24 = tpu.vector_load %arg5[%get3A_23] {strides = array<i32>} : memref<10000xi32, #tpu.memory_space<vmem>>, vector<16xi32>,
    %get3A_25 = vector.shape_cast %get3A_24 : vector<16xi32> to vector<16xi32>
    %and3A_26 = arith.constant 65535 : i32
    %and3A_27 = vector.broadcast %and3A_26 : i32 to vector<16xi32>
    %and3A_28 = arith.andi %get3A_25, %and3A_27 : vector<16xi32>
    %swap3A_29 = arith.constant 0 : i32
    %swap3A_30 = arith.index_cast %swap3A_29 : i32 to index
    %swap3A_31 = arith.constant 16 : index
    %swap3A_32 = tpu.vector_load %arg6[%swap3A_30, %swap3A_31] {strides = array<i32>} : memref<1x80xi32, #tpu.memory_space<vmem>>, vector<1x16xi32>,
    %swap3A_33 = vector.shape_cast %swap3A_32 : vector<1x16xi32> to vector<16xi32>
    %swap3A_34 = vector.shape_cast %and3A_28 : vector<16xi32> to vector<1x16xi32>
    tpu.vector_store %arg6[%swap3A_30, %swap3A_31], %swap3A_34 {strides = array<i32>} : memref<1x80xi32, #tpu.memory_space<vmem>>, vector<1x16xi32>,
    %get3A_35 = arith.constant 32 : index
    %get3A_36 = tpu.vector_load %arg5[%get3A_35] {strides = array<i32>} : memref<10000xi32, #tpu.memory_space<vmem>>, vector<16xi32>,
    %get3A_37 = vector.shape_cast %get3A_36 : vector<16xi32> to vector<16xi32>
    %and3A_38 = arith.constant 65535 : i32
    %and3A_39 = vector.broadcast %and3A_38 : i32 to vector<16xi32>
    %and3A_40 = arith.andi %get3A_37, %and3A_39 : vector<16xi32>
    %swap3A_41 = arith.constant 0 : i32
    %swap3A_42 = arith.index_cast %swap3A_41 : i32 to index
    %swap3A_43 = arith.constant 32 : index
    %swap3A_44 = tpu.vector_load %arg6[%swap3A_42, %swap3A_43] {strides = array<i32>} : memref<1x80xi32, #tpu.memory_space<vmem>>, vector<1x16xi32>,
    %swap3A_45 = vector.shape_cast %swap3A_44 : vector<1x16xi32> to vector<16xi32>
    %swap3A_46 = vector.shape_cast %and3A_40 : vector<16xi32> to vector<1x16xi32>
    tpu.vector_store %arg6[%swap3A_42, %swap3A_43], %swap3A_46 {strides = array<i32>} : memref<1x80xi32, #tpu.memory_space<vmem>>, vector<1x16xi32>,
    %get3A_47 = arith.constant 48 : index
    %get3A_48 = tpu.vector_load %arg5[%get3A_47] {strides = array<i32>} : memref<10000xi32, #tpu.memory_space<vmem>>, vector<16xi32>,
    %get3A_49 = vector.shape_cast %get3A_48 : vector<16xi32> to vector<16xi32>
    %and3A_50 = arith.constant 65535 : i32
    %and3A_51 = vector.broadcast %and3A_50 : i32 to vector<16xi32>
    %and3A_52 = arith.andi %get3A_49, %and3A_51 : vector<16xi32>
    %swap3A_53 = arith.constant 0 : i32
    %swap3A_54 = arith.index_cast %swap3A_53 : i32 to index
    %swap3A_55 = arith.constant 48 : index
    %swap3A_56 = tpu.vector_load %arg6[%swap3A_54, %swap3A_55] {strides = array<i32>} : memref<1x80xi32, #tpu.memory_space<vmem>>, vector<1x16xi32>,
    %swap3A_57 = vector.shape_cast %swap3A_56 : vector<1x16xi32> to vector<16xi32>
    %swap3A_58 = vector.shape_cast %and3A_52 : vector<16xi32> to vector<1x16xi32>
    tpu.vector_store %arg6[%swap3A_54, %swap3A_55], %swap3A_58 {strides = array<i32>} : memref<1x80xi32, #tpu.memory_space<vmem>>, vector<1x16xi32>,
    %get3A_59 = arith.constant 64 : index
    %get3A_60 = tpu.vector_load %arg5[%get3A_59] {strides = array<i32>} : memref<10000xi32, #tpu.memory_space<vmem>>, vector<16xi32>,
    %get3A_61 = vector.shape_cast %get3A_60 : vector<16xi32> to vector<16xi32>
    %and3A_62 = arith.constant 65535 : i32
    %and3A_63 = vector.broadcast %and3A_62 : i32 to vector<16xi32>
    %and3A_64 = arith.andi %get3A_61, %and3A_63 : vector<16xi32>
    %swap3A_65 = arith.constant 0 : i32
    %swap3A_66 = arith.index_cast %swap3A_65 : i32 to index
    %swap3A_67 = arith.constant 64 : index
    %swap3A_68 = tpu.vector_load %arg6[%swap3A_66, %swap3A_67] {strides = array<i32>} : memref<1x80xi32, #tpu.memory_space<vmem>>, vector<1x16xi32>,
    %swap3A_69 = vector.shape_cast %swap3A_68 : vector<1x16xi32> to vector<16xi32>
    %swap3A_70 = vector.shape_cast %and3A_64 : vector<16xi32> to vector<1x16xi32>
    tpu.vector_store %arg6[%swap3A_66, %swap3A_67], %swap3A_70 {strides = array<i32>} : memref<1x80xi32, #tpu.memory_space<vmem>>, vector<1x16xi32>,
    %dma_start3A = arith.constant 0 : i32
    %dma_start3A_71 = arith.constant 0 : i32
    %dma_start3A_72 = tpu.memref_slice %arg6[%dma_start3A, %dma_start3A_71] : memref<1x80xi32, #tpu.memory_space<vmem>> -> memref<1x80xi32, #tpu.memory_space<vmem>>
    %dma_start3A_73 = tpu.memref_squeeze %dma_start3A_72 : memref<1x80xi32, #tpu.memory_space<vmem>> -> memref<80xi32, #tpu.memory_space<vmem>>
    %dma_start3A_74 = arith.constant 0 : i32
    %dma_start3A_75 = arith.constant 0 : i32
    %dma_start3A_76 = tpu.memref_slice %arg2[%dma_start3A_74, %dma_start3A_75] : memref<60000x128xf32, #tpu.memory_space<hbm>> -> memref<60000x128xf32, #tpu.memory_space<hbm>>
    tpu.enqueue_indirect_dma source(%dma_start3A_76 : memref<60000x128xf32, #tpu.memory_space<hbm>>) target(%arg12 : memref<80x128xf32, #tpu.memory_space<vmem>>) offsets(%dma_start3A_73 : memref<80xi32, #tpu.memory_space<vmem>>) semaphore(%arg16 : memref<!tpu.dma_semaphore, #tpu.memory_space<semaphore_mem>>)
    %get3A_77 = arith.constant 80 : index
    %get3A_78 = tpu.vector_load %arg5[%get3A_77] {strides = array<i32>} : memref<10000xi32, #tpu.memory_space<vmem>>, vector<16xi32>,
    %get3A_79 = vector.shape_cast %get3A_78 : vector<16xi32> to vector<16xi32>
    %and3A_80 = arith.constant 65535 : i32
    %and3A_81 = vector.broadcast %and3A_80 : i32 to vector<16xi32>
    %and3A_82 = arith.andi %get3A_79, %and3A_81 : vector<16xi32>
    %swap3A_83 = arith.constant 0 : i32
    %swap3A_84 = arith.index_cast %swap3A_83 : i32 to index
    %swap3A_85 = arith.constant 0 : index
    %swap3A_86 = tpu.vector_load %arg7[%swap3A_84, %swap3A_85] {strides = array<i32>} : memref<1x80xi32, #tpu.memory_space<vmem>>, vector<1x16xi32>,
    %swap3A_87 = vector.shape_cast %swap3A_86 : vector<1x16xi32> to vector<16xi32>
    %swap3A_88 = vector.shape_cast %and3A_82 : vector<16xi32> to vector<1x16xi32>
    tpu.vector_store %arg7[%swap3A_84, %swap3A_85], %swap3A_88 {strides = array<i32>} : memref<1x80xi32, #tpu.memory_space<vmem>>, vector<1x16xi32>,
    %get3A_89 = arith.constant 96 : index
    %get3A_90 = tpu.vector_load %arg5[%get3A_89] {strides = array<i32>} : memref<10000xi32, #tpu.memory_space<vmem>>, vector<16xi32>,
    %get3A_91 = vector.shape_cast %get3A_90 : vector<16xi32> to vector<16xi32>
    %and3A_92 = arith.constant 65535 : i32
    %and3A_93 = vector.broadcast %and3A_92 : i32 to vector<16xi32>
    %and3A_94 = arith.andi %get3A_91, %and3A_93 : vector<16xi32>
    %swap3A_95 = arith.constant 0 : i32
    %swap3A_96 = arith.index_cast %swap3A_95 : i32 to index
    %swap3A_97 = arith.constant 16 : index
    %swap3A_98 = tpu.vector_load %arg7[%swap3A_96, %swap3A_97] {strides = array<i32>} : memref<1x80xi32, #tpu.memory_space<vmem>>, vector<1x16xi32>,
    %swap3A_99 = vector.shape_cast %swap3A_98 : vector<1x16xi32> to vector<16xi32>
    %swap3A_100 = vector.shape_cast %and3A_94 : vector<16xi32> to vector<1x16xi32>
    tpu.vector_store %arg7[%swap3A_96, %swap3A_97], %swap3A_100 {strides = array<i32>} : memref<1x80xi32, #tpu.memory_space<vmem>>, vector<1x16xi32>,
    %get3A_101 = arith.constant 112 : index
    %get3A_102 = tpu.vector_load %arg5[%get3A_101] {strides = array<i32>} : memref<10000xi32, #tpu.memory_space<vmem>>, vector<16xi32>,
    %get3A_103 = vector.shape_cast %get3A_102 : vector<16xi32> to vector<16xi32>
    %and3A_104 = arith.constant 65535 : i32
    %and3A_105 = vector.broadcast %and3A_104 : i32 to vector<16xi32>
    %and3A_106 = arith.andi %get3A_103, %and3A_105 : vector<16xi32>
    %swap3A_107 = arith.constant 0 : i32
    %swap3A_108 = arith.index_cast %swap3A_107 : i32 to index
    %swap3A_109 = arith.constant 32 : index
    %swap3A_110 = tpu.vector_load %arg7[%swap3A_108, %swap3A_109] {strides = array<i32>} : memref<1x80xi32, #tpu.memory_space<vmem>>, vector<1x16xi32>,
    %swap3A_111 = vector.shape_cast %swap3A_110 : vector<1x16xi32> to vector<16xi32>
    %swap3A_112 = vector.shape_cast %and3A_106 : vector<16xi32> to vector<1x16xi32>
    tpu.vector_store %arg7[%swap3A_108, %swap3A_109], %swap3A_112 {strides = array<i32>} : memref<1x80xi32, #tpu.memory_space<vmem>>, vector<1x16xi32>,
    %get3A_113 = arith.constant 128 : index
    %get3A_114 = tpu.vector_load %arg5[%get3A_113] {strides = array<i32>} : memref<10000xi32, #tpu.memory_space<vmem>>, vector<16xi32>,
    %get3A_115 = vector.shape_cast %get3A_114 : vector<16xi32> to vector<16xi32>
    %and3A_116 = arith.constant 65535 : i32
    %and3A_117 = vector.broadcast %and3A_116 : i32 to vector<16xi32>
    %and3A_118 = arith.andi %get3A_115, %and3A_117 : vector<16xi32>
    %swap3A_119 = arith.constant 0 : i32
    %swap3A_120 = arith.index_cast %swap3A_119 : i32 to index
    %swap3A_121 = arith.constant 48 : index
    %swap3A_122 = tpu.vector_load %arg7[%swap3A_120, %swap3A_121] {strides = array<i32>} : memref<1x80xi32, #tpu.memory_space<vmem>>, vector<1x16xi32>,
    %swap3A_123 = vector.shape_cast %swap3A_122 : vector<1x16xi32> to vector<16xi32>
    %swap3A_124 = vector.shape_cast %and3A_118 : vector<16xi32> to vector<1x16xi32>
    tpu.vector_store %arg7[%swap3A_120, %swap3A_121], %swap3A_124 {strides = array<i32>} : memref<1x80xi32, #tpu.memory_space<vmem>>, vector<1x16xi32>,
    %get3A_125 = arith.constant 144 : index
    %get3A_126 = tpu.vector_load %arg5[%get3A_125] {strides = array<i32>} : memref<10000xi32, #tpu.memory_space<vmem>>, vector<16xi32>,
    %get3A_127 = vector.shape_cast %get3A_126 : vector<16xi32> to vector<16xi32>
    %and3A_128 = arith.constant 65535 : i32
    %and3A_129 = vector.broadcast %and3A_128 : i32 to vector<16xi32>
    %and3A_130 = arith.andi %get3A_127, %and3A_129 : vector<16xi32>
    %swap3A_131 = arith.constant 0 : i32
    %swap3A_132 = arith.index_cast %swap3A_131 : i32 to index
    %swap3A_133 = arith.constant 64 : index
    %swap3A_134 = tpu.vector_load %arg7[%swap3A_132, %swap3A_133] {strides = array<i32>} : memref<1x80xi32, #tpu.memory_space<vmem>>, vector<1x16xi32>,
    %swap3A_135 = vector.shape_cast %swap3A_134 : vector<1x16xi32> to vector<16xi32>
    %swap3A_136 = vector.shape_cast %and3A_130 : vector<16xi32> to vector<1x16xi32>
    tpu.vector_store %arg7[%swap3A_132, %swap3A_133], %swap3A_136 {strides = array<i32>} : memref<1x80xi32, #tpu.memory_space<vmem>>, vector<1x16xi32>,
    %dma_start3A_137 = arith.constant 0 : i32
    %dma_start3A_138 = arith.constant 0 : i32
    %dma_start3A_139 = tpu.memref_slice %arg7[%dma_start3A_137, %dma_start3A_138] : memref<1x80xi32, #tpu.memory_space<vmem>> -> memref<1x80xi32, #tpu.memory_space<vmem>>
    %dma_start3A_140 = tpu.memref_squeeze %dma_start3A_139 : memref<1x80xi32, #tpu.memory_space<vmem>> -> memref<80xi32, #tpu.memory_space<vmem>>
    %dma_start3A_141 = arith.constant 0 : i32
    %dma_start3A_142 = arith.constant 0 : i32
    %dma_start3A_143 = tpu.memref_slice %arg2[%dma_start3A_141, %dma_start3A_142] : memref<60000x128xf32, #tpu.memory_space<hbm>> -> memref<60000x128xf32, #tpu.memory_space<hbm>>
    tpu.enqueue_indirect_dma source(%dma_start3A_143 : memref<60000x128xf32, #tpu.memory_space<hbm>>) target(%arg13 : memref<80x128xf32, #tpu.memory_space<vmem>>) offsets(%dma_start3A_140 : memref<80xi32, #tpu.memory_space<vmem>>) semaphore(%arg17 : memref<!tpu.dma_semaphore, #tpu.memory_space<semaphore_mem>>)
    %scan3A = arith.constant 0 : i32
    %scan3A_144 = arith.constant 0 : i32
    %scan3A_145 = arith.constant 42 : i32
    %scan3A_146 = arith.addi %scan3A_144, %scan3A_145 : i32
    %scan3A_147 = arith.constant 1 : i32
    scf.for %scan3A_161 = %scan3A_144 to %scan3A_146 step %scan3A_147  : i32 {
      %mul3A_162 = arith.constant 3 : i32
      %mul3A_163 = arith.muli %scan3A_161, %mul3A_162 : i32
      %add3A_164 = arith.constant 0 : i32
      %add3A_165 = arith.addi %mul3A_163, %add3A_164 : i32
      %lt3A_166 = arith.constant 125 : i32
      %lt3A_167 = arith.cmpi slt, %add3A_165, %lt3A_166 : i32
      %convert_element_type3A_168 = arith.extui %lt3A_167 : i1 to i32
      %cond3A_169 = arith.constant 0 : i32
      %cond3A_170 = arith.cmpi ne, %convert_element_type3A_168, %cond3A_169 : i32
      scf.if %cond3A_170 {
        %dma_wait3A_189 = arith.constant 0 : i32
        %dma_wait3A_190 = arith.constant 0 : i32
        %dma_wait3A_191 = tpu.memref_slice %arg6[%dma_wait3A_189, %dma_wait3A_190] : memref<1x80xi32, #tpu.memory_space<vmem>> -> memref<1x80xi32, #tpu.memory_space<vmem>>
        %dma_wait3A_192 = tpu.memref_squeeze %dma_wait3A_191 : memref<1x80xi32, #tpu.memory_space<vmem>> -> memref<80xi32, #tpu.memory_space<vmem>>
        %dma_wait3A_193 = arith.constant 0 : i32
        %dma_wait3A_194 = arith.constant 0 : i32
        %dma_wait3A_195 = tpu.memref_slice %arg2[%dma_wait3A_193, %dma_wait3A_194] : memref<60000x128xf32, #tpu.memory_space<hbm>> -> memref<60000x128xf32, #tpu.memory_space<hbm>>
        tpu.wait_indirect_dma semaphore(%arg16 : memref<!tpu.dma_semaphore, #tpu.memory_space<semaphore_mem>>) src(%dma_wait3A_195 : memref<60000x128xf32, #tpu.memory_space<hbm>>) dst(%arg12 : memref<80x128xf32, #tpu.memory_space<vmem>>)
        %mul3A_196 = arith.constant 80 : i32
        %mul3A_197 = arith.muli %add3A_165, %mul3A_196 : i32
        %add3A_198 = arith.constant 0 : i32
        %add3A_199 = arith.addi %mul3A_197, %add3A_198 : i32
        %get3A_200 = arith.index_cast %add3A_199 : i32 to index
        %get3A_201 = tpu.vector_load %arg5[%get3A_200] {strides = array<i32>} : memref<10000xi32, #tpu.memory_space<vmem>>, vector<16xi32>,
        %get3A_202 = vector.shape_cast %get3A_201 : vector<16xi32> to vector<16xi32>
        %shift_right_arithmetic3A = arith.constant 16 : i32
        %shift_right_arithmetic3A_203 = vector.broadcast %shift_right_arithmetic3A : i32 to vector<16xi32>
        %shift_right_arithmetic3A_204 = arith.shrsi %get3A_202, %shift_right_arithmetic3A_203 : vector<16xi32>
        %swap3A_205 = arith.constant 0 : i32
        %swap3A_206 = arith.index_cast %swap3A_205 : i32 to index
        %swap3A_207 = arith.constant 0 : index
        %swap3A_208 = tpu.vector_load %arg9[%swap3A_206, %swap3A_207] {strides = array<i32>} : memref<1x80xi32, #tpu.memory_space<vmem>>, vector<1x16xi32>,
        %swap3A_209 = vector.shape_cast %swap3A_208 : vector<1x16xi32> to vector<16xi32>
        %swap3A_210 = vector.shape_cast %shift_right_arithmetic3A_204 : vector<16xi32> to vector<1x16xi32>
        tpu.vector_store %arg9[%swap3A_206, %swap3A_207], %swap3A_210 {strides = array<i32>} : memref<1x80xi32, #tpu.memory_space<vmem>>, vector<1x16xi32>,
        %mul3A_211 = arith.constant 80 : i32
        %mul3A_212 = arith.muli %add3A_165, %mul3A_211 : i32
        %add3A_213 = arith.constant 16 : i32
        %add3A_214 = arith.addi %mul3A_212, %add3A_213 : i32
        %get3A_215 = arith.index_cast %add3A_214 : i32 to index
        %get3A_216 = tpu.vector_load %arg5[%get3A_215] {strides = array<i32>} : memref<10000xi32, #tpu.memory_space<vmem>>, vector<16xi32>,
        %get3A_217 = vector.shape_cast %get3A_216 : vector<16xi32> to vector<16xi32>
        %shift_right_arithmetic3A_218 = arith.constant 16 : i32
        %shift_right_arithmetic3A_219 = vector.broadcast %shift_right_arithmetic3A_218 : i32 to vector<16xi32>
        %shift_right_arithmetic3A_220 = arith.shrsi %get3A_217, %shift_right_arithmetic3A_219 : vector<16xi32>
        %swap3A_221 = arith.constant 0 : i32
        %swap3A_222 = arith.index_cast %swap3A_221 : i32 to index
        %swap3A_223 = arith.constant 16 : index
        %swap3A_224 = tpu.vector_load %arg9[%swap3A_222, %swap3A_223] {strides = array<i32>} : memref<1x80xi32, #tpu.memory_space<vmem>>, vector<1x16xi32>,
        %swap3A_225 = vector.shape_cast %swap3A_224 : vector<1x16xi32> to vector<16xi32>
        %swap3A_226 = vector.shape_cast %shift_right_arithmetic3A_220 : vector<16xi32> to vector<1x16xi32>
        tpu.vector_store %arg9[%swap3A_222, %swap3A_223], %swap3A_226 {strides = array<i32>} : memref<1x80xi32, #tpu.memory_space<vmem>>, vector<1x16xi32>,
        %mul3A_227 = arith.constant 80 : i32
        %mul3A_228 = arith.muli %add3A_165, %mul3A_227 : i32
        %add3A_229 = arith.constant 32 : i32
        %add3A_230 = arith.addi %mul3A_228, %add3A_229 : i32
        %get3A_231 = arith.index_cast %add3A_230 : i32 to index
        %get3A_232 = tpu.vector_load %arg5[%get3A_231] {strides = array<i32>} : memref<10000xi32, #tpu.memory_space<vmem>>, vector<16xi32>,
        %get3A_233 = vector.shape_cast %get3A_232 : vector<16xi32> to vector<16xi32>
        %shift_right_arithmetic3A_234 = arith.constant 16 : i32
        %shift_right_arithmetic3A_235 = vector.broadcast %shift_right_arithmetic3A_234 : i32 to vector<16xi32>
        %shift_right_arithmetic3A_236 = arith.shrsi %get3A_233, %shift_right_arithmetic3A_235 : vector<16xi32>
        %swap3A_237 = arith.constant 0 : i32
        %swap3A_238 = arith.index_cast %swap3A_237 : i32 to index
        %swap3A_239 = arith.constant 32 : index
        %swap3A_240 = tpu.vector_load %arg9[%swap3A_238, %swap3A_239] {strides = array<i32>} : memref<1x80xi32, #tpu.memory_space<vmem>>, vector<1x16xi32>,
        %swap3A_241 = vector.shape_cast %swap3A_240 : vector<1x16xi32> to vector<16xi32>
        %swap3A_242 = vector.shape_cast %shift_right_arithmetic3A_236 : vector<16xi32> to vector<1x16xi32>
        tpu.vector_store %arg9[%swap3A_238, %swap3A_239], %swap3A_242 {strides = array<i32>} : memref<1x80xi32, #tpu.memory_space<vmem>>, vector<1x16xi32>,
        %mul3A_243 = arith.constant 80 : i32
        %mul3A_244 = arith.muli %add3A_165, %mul3A_243 : i32
        %add3A_245 = arith.constant 48 : i32
        %add3A_246 = arith.addi %mul3A_244, %add3A_245 : i32
        %get3A_247 = arith.index_cast %add3A_246 : i32 to index
        %get3A_248 = tpu.vector_load %arg5[%get3A_247] {strides = array<i32>} : memref<10000xi32, #tpu.memory_space<vmem>>, vector<16xi32>,
        %get3A_249 = vector.shape_cast %get3A_248 : vector<16xi32> to vector<16xi32>
        %shift_right_arithmetic3A_250 = arith.constant 16 : i32
        %shift_right_arithmetic3A_251 = vector.broadcast %shift_right_arithmetic3A_250 : i32 to vector<16xi32>
        %shift_right_arithmetic3A_252 = arith.shrsi %get3A_249, %shift_right_arithmetic3A_251 : vector<16xi32>
        %swap3A_253 = arith.constant 0 : i32
        %swap3A_254 = arith.index_cast %swap3A_253 : i32 to index
        %swap3A_255 = arith.constant 48 : index
        %swap3A_256 = tpu.vector_load %arg9[%swap3A_254, %swap3A_255] {strides = array<i32>} : memref<1x80xi32, #tpu.memory_space<vmem>>, vector<1x16xi32>,
        %swap3A_257 = vector.shape_cast %swap3A_256 : vector<1x16xi32> to vector<16xi32>
        %swap3A_258 = vector.shape_cast %shift_right_arithmetic3A_252 : vector<16xi32> to vector<1x16xi32>
        tpu.vector_store %arg9[%swap3A_254, %swap3A_255], %swap3A_258 {strides = array<i32>} : memref<1x80xi32, #tpu.memory_space<vmem>>, vector<1x16xi32>,
        %mul3A_259 = arith.constant 80 : i32
        %mul3A_260 = arith.muli %add3A_165, %mul3A_259 : i32
        %add3A_261 = arith.constant 64 : i32
        %add3A_262 = arith.addi %mul3A_260, %add3A_261 : i32
        %get3A_263 = arith.index_cast %add3A_262 : i32 to index
        %get3A_264 = tpu.vector_load %arg5[%get3A_263] {strides = array<i32>} : memref<10000xi32, #tpu.memory_space<vmem>>, vector<16xi32>,
        %get3A_265 = vector.shape_cast %get3A_264 : vector<16xi32> to vector<16xi32>
        %shift_right_arithmetic3A_266 = arith.constant 16 : i32
        %shift_right_arithmetic3A_267 = vector.broadcast %shift_right_arithmetic3A_266 : i32 to vector<16xi32>
        %shift_right_arithmetic3A_268 = arith.shrsi %get3A_265, %shift_right_arithmetic3A_267 : vector<16xi32>
        %swap3A_269 = arith.constant 0 : i32
        %swap3A_270 = arith.index_cast %swap3A_269 : i32 to index
        %swap3A_271 = arith.constant 64 : index
        %swap3A_272 = tpu.vector_load %arg9[%swap3A_270, %swap3A_271] {strides = array<i32>} : memref<1x80xi32, #tpu.memory_space<vmem>>, vector<1x16xi32>,
        %swap3A_273 = vector.shape_cast %swap3A_272 : vector<1x16xi32> to vector<16xi32>
        %swap3A_274 = vector.shape_cast %shift_right_arithmetic3A_268 : vector<16xi32> to vector<1x16xi32>
        tpu.vector_store %arg9[%swap3A_270, %swap3A_271], %swap3A_274 {strides = array<i32>} : memref<1x80xi32, #tpu.memory_space<vmem>>, vector<1x16xi32>,
        %dma_start3A_275 = arith.constant 0 : i32
        %dma_start3A_276 = arith.constant 0 : i32
        %dma_start3A_277 = tpu.memref_slice %arg9[%dma_start3A_275, %dma_start3A_276] : memref<1x80xi32, #tpu.memory_space<vmem>> -> memref<1x80xi32, #tpu.memory_space<vmem>>
        %dma_start3A_278 = tpu.memref_squeeze %dma_start3A_277 : memref<1x80xi32, #tpu.memory_space<vmem>> -> memref<80xi32, #tpu.memory_space<vmem>>
        %dma_start3A_279 = arith.constant 0 : i32
        %dma_start3A_280 = arith.constant 0 : i32
        %dma_start3A_281 = tpu.memref_slice %arg15[%dma_start3A_279, %dma_start3A_280] : memref<10000x128xf32, #tpu.memory_space<vmem_shared>> -> memref<10000x128xf32, #tpu.memory_space<vmem_shared>>
        tpu.enqueue_indirect_dma source(%arg12 : memref<80x128xf32, #tpu.memory_space<vmem>>) target(%dma_start3A_281 : memref<10000x128xf32, #tpu.memory_space<vmem_shared>>) offsets(%dma_start3A_278 : memref<80xi32, #tpu.memory_space<vmem>>) semaphore(%arg19 : memref<!tpu.dma_semaphore, #tpu.memory_space<semaphore_mem>>) {add = true}
        %ge3A = arith.constant 1 : i32
        %ge3A_282 = arith.cmpi sge, %add3A_165, %ge3A : i32
        %convert_element_type3A_283 = arith.extui %ge3A_282 : i1 to i32
        %cond3A_284 = arith.constant 0 : i32
        %cond3A_285 = arith.cmpi ne, %convert_element_type3A_283, %cond3A_284 : i32
        scf.if %cond3A_285 {
          %dma_wait3A_293 = arith.constant 0 : i32
          %dma_wait3A_294 = arith.constant 0 : i32
          %dma_wait3A_295 = tpu.memref_slice %arg11[%dma_wait3A_293, %dma_wait3A_294] : memref<1x80xi32, #tpu.memory_space<vmem>> -> memref<1x80xi32, #tpu.memory_space<vmem>>
          %dma_wait3A_296 = tpu.memref_squeeze %dma_wait3A_295 : memref<1x80xi32, #tpu.memory_space<vmem>> -> memref<80xi32, #tpu.memory_space<vmem>>
          %dma_wait3A_297 = arith.constant 0 : i32
          %dma_wait3A_298 = arith.constant 0 : i32
          %dma_wait3A_299 = tpu.memref_slice %arg15[%dma_wait3A_297, %dma_wait3A_298] : memref<10000x128xf32, #tpu.memory_space<vmem_shared>> -> memref<10000x128xf32, #tpu.memory_space<vmem_shared>>
          tpu.wait_indirect_dma semaphore(%arg21 : memref<!tpu.dma_semaphore, #tpu.memory_space<semaphore_mem>>) src(%arg14 : memref<80x128xf32, #tpu.memory_space<vmem>>) dst(%dma_wait3A_299 : memref<10000x128xf32, #tpu.memory_space<vmem_shared>>)
        } else {
        }
        %add3A_286 = arith.constant 2 : i32
        %add3A_287 = arith.addi %add3A_165, %add3A_286 : i32
        %lt3A_288 = arith.constant 125 : i32
        %lt3A_289 = arith.cmpi slt, %add3A_287, %lt3A_288 : i32
        %convert_element_type3A_290 = arith.extui %lt3A_289 : i1 to i32
        %cond3A_291 = arith.constant 0 : i32
        %cond3A_292 = arith.cmpi ne, %convert_element_type3A_290, %cond3A_291 : i32
        scf.if %cond3A_292 {
          %add3A_293 = arith.constant 2 : i32
          %add3A_294 = arith.addi %add3A_165, %add3A_293 : i32
          %mul3A_295 = arith.constant 80 : i32
          %mul3A_296 = arith.muli %add3A_294, %mul3A_295 : i32
          %add3A_297 = arith.constant 0 : i32
          %add3A_298 = arith.addi %mul3A_296, %add3A_297 : i32
          %get3A_299 = arith.index_cast %add3A_298 : i32 to index
          %get3A_300 = tpu.vector_load %arg5[%get3A_299] {strides = array<i32>} : memref<10000xi32, #tpu.memory_space<vmem>>, vector<16xi32>,
          %get3A_301 = vector.shape_cast %get3A_300 : vector<16xi32> to vector<16xi32>
          %and3A_302 = arith.constant 65535 : i32
          %and3A_303 = vector.broadcast %and3A_302 : i32 to vector<16xi32>
          %and3A_304 = arith.andi %get3A_301, %and3A_303 : vector<16xi32>
          %swap3A_305 = arith.constant 0 : i32
          %swap3A_306 = arith.index_cast %swap3A_305 : i32 to index
          %swap3A_307 = arith.constant 0 : index
          %swap3A_308 = tpu.vector_load %arg8[%swap3A_306, %swap3A_307] {strides = array<i32>} : memref<1x80xi32, #tpu.memory_space<vmem>>, vector<1x16xi32>,
          %swap3A_309 = vector.shape_cast %swap3A_308 : vector<1x16xi32> to vector<16xi32>
          %swap3A_310 = vector.shape_cast %and3A_304 : vector<16xi32> to vector<1x16xi32>
          tpu.vector_store %arg8[%swap3A_306, %swap3A_307], %swap3A_310 {strides = array<i32>} : memref<1x80xi32, #tpu.memory_space<vmem>>, vector<1x16xi32>,
          %mul3A_311 = arith.constant 80 : i32
          %mul3A_312 = arith.muli %add3A_294, %mul3A_311 : i32
          %add3A_313 = arith.constant 16 : i32
          %add3A_314 = arith.addi %mul3A_312, %add3A_313 : i32
          %get3A_315 = arith.index_cast %add3A_314 : i32 to index
          %get3A_316 = tpu.vector_load %arg5[%get3A_315] {strides = array<i32>} : memref<10000xi32, #tpu.memory_space<vmem>>, vector<16xi32>,
          %get3A_317 = vector.shape_cast %get3A_316 : vector<16xi32> to vector<16xi32>
          %and3A_318 = arith.constant 65535 : i32
          %and3A_319 = vector.broadcast %and3A_318 : i32 to vector<16xi32>
          %and3A_320 = arith.andi %get3A_317, %and3A_319 : vector<16xi32>
          %swap3A_321 = arith.constant 0 : i32
          %swap3A_322 = arith.index_cast %swap3A_321 : i32 to index
          %swap3A_323 = arith.constant 16 : index
          %swap3A_324 = tpu.vector_load %arg8[%swap3A_322, %swap3A_323] {strides = array<i32>} : memref<1x80xi32, #tpu.memory_space<vmem>>, vector<1x16xi32>,
          %swap3A_325 = vector.shape_cast %swap3A_324 : vector<1x16xi32> to vector<16xi32>
          %swap3A_326 = vector.shape_cast %and3A_320 : vector<16xi32> to vector<1x16xi32>
          tpu.vector_store %arg8[%swap3A_322, %swap3A_323], %swap3A_326 {strides = array<i32>} : memref<1x80xi32, #tpu.memory_space<vmem>>, vector<1x16xi32>,
          %mul3A_327 = arith.constant 80 : i32
          %mul3A_328 = arith.muli %add3A_294, %mul3A_327 : i32
          %add3A_329 = arith.constant 32 : i32
          %add3A_330 = arith.addi %mul3A_328, %add3A_329 : i32
          %get3A_331 = arith.index_cast %add3A_330 : i32 to index
          %get3A_332 = tpu.vector_load %arg5[%get3A_331] {strides = array<i32>} : memref<10000xi32, #tpu.memory_space<vmem>>, vector<16xi32>,
          %get3A_333 = vector.shape_cast %get3A_332 : vector<16xi32> to vector<16xi32>
          %and3A_334 = arith.constant 65535 : i32
          %and3A_335 = vector.broadcast %and3A_334 : i32 to vector<16xi32>
          %and3A_336 = arith.andi %get3A_333, %and3A_335 : vector<16xi32>
          %swap3A_337 = arith.constant 0 : i32
          %swap3A_338 = arith.index_cast %swap3A_337 : i32 to index
          %swap3A_339 = arith.constant 32 : index
          %swap3A_340 = tpu.vector_load %arg8[%swap3A_338, %swap3A_339] {strides = array<i32>} : memref<1x80xi32, #tpu.memory_space<vmem>>, vector<1x16xi32>,
          %swap3A_341 = vector.shape_cast %swap3A_340 : vector<1x16xi32> to vector<16xi32>
          %swap3A_342 = vector.shape_cast %and3A_336 : vector<16xi32> to vector<1x16xi32>
          tpu.vector_store %arg8[%swap3A_338, %swap3A_339], %swap3A_342 {strides = array<i32>} : memref<1x80xi32, #tpu.memory_space<vmem>>, vector<1x16xi32>,
          %mul3A_343 = arith.constant 80 : i32
          %mul3A_344 = arith.muli %add3A_294, %mul3A_343 : i32
          %add3A_345 = arith.constant 48 : i32
          %add3A_346 = arith.addi %mul3A_344, %add3A_345 : i32
          %get3A_347 = arith.index_cast %add3A_346 : i32 to index
          %get3A_348 = tpu.vector_load %arg5[%get3A_347] {strides = array<i32>} : memref<10000xi32, #tpu.memory_space<vmem>>, vector<16xi32>,
          %get3A_349 = vector.shape_cast %get3A_348 : vector<16xi32> to vector<16xi32>
          %and3A_350 = arith.constant 65535 : i32
          %and3A_351 = vector.broadcast %and3A_350 : i32 to vector<16xi32>
          %and3A_352 = arith.andi %get3A_349, %and3A_351 : vector<16xi32>
          %swap3A_353 = arith.constant 0 : i32
          %swap3A_354 = arith.index_cast %swap3A_353 : i32 to index
          %swap3A_355 = arith.constant 48 : index
          %swap3A_356 = tpu.vector_load %arg8[%swap3A_354, %swap3A_355] {strides = array<i32>} : memref<1x80xi32, #tpu.memory_space<vmem>>, vector<1x16xi32>,
          %swap3A_357 = vector.shape_cast %swap3A_356 : vector<1x16xi32> to vector<16xi32>
          %swap3A_358 = vector.shape_cast %and3A_352 : vector<16xi32> to vector<1x16xi32>
          tpu.vector_store %arg8[%swap3A_354, %swap3A_355], %swap3A_358 {strides = array<i32>} : memref<1x80xi32, #tpu.memory_space<vmem>>, vector<1x16xi32>,
          %mul3A_359 = arith.constant 80 : i32
          %mul3A_360 = arith.muli %add3A_294, %mul3A_359 : i32
          %add3A_361 = arith.constant 64 : i32
          %add3A_362 = arith.addi %mul3A_360, %add3A_361 : i32
          %get3A_363 = arith.index_cast %add3A_362 : i32 to index
          %get3A_364 = tpu.vector_load %arg5[%get3A_363] {strides = array<i32>} : memref<10000xi32, #tpu.memory_space<vmem>>, vector<16xi32>,
          %get3A_365 = vector.shape_cast %get3A_364 : vector<16xi32> to vector<16xi32>
          %and3A_366 = arith.constant 65535 : i32
          %and3A_367 = vector.broadcast %and3A_366 : i32 to vector<16xi32>
          %and3A_368 = arith.andi %get3A_365, %and3A_367 : vector<16xi32>
          %swap3A_369 = arith.constant 0 : i32
          %swap3A_370 = arith.index_cast %swap3A_369 : i32 to index
          %swap3A_371 = arith.constant 64 : index
          %swap3A_372 = tpu.vector_load %arg8[%swap3A_370, %swap3A_371] {strides = array<i32>} : memref<1x80xi32, #tpu.memory_space<vmem>>, vector<1x16xi32>,
          %swap3A_373 = vector.shape_cast %swap3A_372 : vector<1x16xi32> to vector<16xi32>
          %swap3A_374 = vector.shape_cast %and3A_368 : vector<16xi32> to vector<1x16xi32>
          tpu.vector_store %arg8[%swap3A_370, %swap3A_371], %swap3A_374 {strides = array<i32>} : memref<1x80xi32, #tpu.memory_space<vmem>>, vector<1x16xi32>,
          %dma_start3A_375 = arith.constant 0 : i32
          %dma_start3A_376 = arith.constant 0 : i32
          %dma_start3A_377 = tpu.memref_slice %arg8[%dma_start3A_375, %dma_start3A_376] : memref<1x80xi32, #tpu.memory_space<vmem>> -> memref<1x80xi32, #tpu.memory_space<vmem>>
          %dma_start3A_378 = tpu.memref_squeeze %dma_start3A_377 : memref<1x80xi32, #tpu.memory_space<vmem>> -> memref<80xi32, #tpu.memory_space<vmem>>
          %dma_start3A_379 = arith.constant 0 : i32
          %dma_start3A_380 = arith.constant 0 : i32
          %dma_start3A_381 = tpu.memref_slice %arg2[%dma_start3A_379, %dma_start3A_380] : memref<60000x128xf32, #tpu.memory_space<hbm>> -> memref<60000x128xf32, #tpu.memory_space<hbm>>
          tpu.enqueue_indirect_dma source(%dma_start3A_381 : memref<60000x128xf32, #tpu.memory_space<hbm>>) target(%arg14 : memref<80x128xf32, #tpu.memory_space<vmem>>) offsets(%dma_start3A_378 : memref<80xi32, #tpu.memory_space<vmem>>) semaphore(%arg18 : memref<!tpu.dma_semaphore, #tpu.memory_space<semaphore_mem>>)
        } else {
        }
      } else {
      }
      %mul3A_171 = arith.constant 3 : i32
      %mul3A_172 = arith.muli %scan3A_161, %mul3A_171 : i32
      %add3A_173 = arith.constant 1 : i32
      %add3A_174 = arith.addi %mul3A_172, %add3A_173 : i32
      %lt3A_175 = arith.constant 125 : i32
      %lt3A_176 = arith.cmpi slt, %add3A_174, %lt3A_175 : i32
      %convert_element_type3A_177 = arith.extui %lt3A_176 : i1 to i32
      %cond3A_178 = arith.constant 0 : i32
      %cond3A_179 = arith.cmpi ne, %convert_element_type3A_177, %cond3A_178 : i32
      scf.if %cond3A_179 {
        %dma_wait3A_189 = arith.constant 0 : i32
        %dma_wait3A_190 = arith.constant 0 : i32
        %dma_wait3A_191 = tpu.memref_slice %arg7[%dma_wait3A_189, %dma_wait3A_190] : memref<1x80xi32, #tpu.memory_space<vmem>> -> memref<1x80xi32, #tpu.memory_space<vmem>>
        %dma_wait3A_192 = tpu.memref_squeeze %dma_wait3A_191 : memref<1x80xi32, #tpu.memory_space<vmem>> -> memref<80xi32, #tpu.memory_space<vmem>>
        %dma_wait3A_193 = arith.constant 0 : i32
        %dma_wait3A_194 = arith.constant 0 : i32
        %dma_wait3A_195 = tpu.memref_slice %arg2[%dma_wait3A_193, %dma_wait3A_194] : memref<60000x128xf32, #tpu.memory_space<hbm>> -> memref<60000x128xf32, #tpu.memory_space<hbm>>
        tpu.wait_indirect_dma semaphore(%arg17 : memref<!tpu.dma_semaphore, #tpu.memory_space<semaphore_mem>>) src(%dma_wait3A_195 : memref<60000x128xf32, #tpu.memory_space<hbm>>) dst(%arg13 : memref<80x128xf32, #tpu.memory_space<vmem>>)
        %mul3A_196 = arith.constant 80 : i32
        %mul3A_197 = arith.muli %add3A_174, %mul3A_196 : i32
        %add3A_198 = arith.constant 0 : i32
        %add3A_199 = arith.addi %mul3A_197, %add3A_198 : i32
        %get3A_200 = arith.index_cast %add3A_199 : i32 to index
        %get3A_201 = tpu.vector_load %arg5[%get3A_200] {strides = array<i32>} : memref<10000xi32, #tpu.memory_space<vmem>>, vector<16xi32>,
        %get3A_202 = vector.shape_cast %get3A_201 : vector<16xi32> to vector<16xi32>
        %shift_right_arithmetic3A = arith.constant 16 : i32
        %shift_right_arithmetic3A_203 = vector.broadcast %shift_right_arithmetic3A : i32 to vector<16xi32>
        %shift_right_arithmetic3A_204 = arith.shrsi %get3A_202, %shift_right_arithmetic3A_203 : vector<16xi32>
        %swap3A_205 = arith.constant 0 : i32
        %swap3A_206 = arith.index_cast %swap3A_205 : i32 to index
        %swap3A_207 = arith.constant 0 : index
        %swap3A_208 = tpu.vector_load %arg10[%swap3A_206, %swap3A_207] {strides = array<i32>} : memref<1x80xi32, #tpu.memory_space<vmem>>, vector<1x16xi32>,
        %swap3A_209 = vector.shape_cast %swap3A_208 : vector<1x16xi32> to vector<16xi32>
        %swap3A_210 = vector.shape_cast %shift_right_arithmetic3A_204 : vector<16xi32> to vector<1x16xi32>
        tpu.vector_store %arg10[%swap3A_206, %swap3A_207], %swap3A_210 {strides = array<i32>} : memref<1x80xi32, #tpu.memory_space<vmem>>, vector<1x16xi32>,
        %mul3A_211 = arith.constant 80 : i32
        %mul3A_212 = arith.muli %add3A_174, %mul3A_211 : i32
        %add3A_213 = arith.constant 16 : i32
        %add3A_214 = arith.addi %mul3A_212, %add3A_213 : i32
        %get3A_215 = arith.index_cast %add3A_214 : i32 to index
        %get3A_216 = tpu.vector_load %arg5[%get3A_215] {strides = array<i32>} : memref<10000xi32, #tpu.memory_space<vmem>>, vector<16xi32>,
        %get3A_217 = vector.shape_cast %get3A_216 : vector<16xi32> to vector<16xi32>
        %shift_right_arithmetic3A_218 = arith.constant 16 : i32
        %shift_right_arithmetic3A_219 = vector.broadcast %shift_right_arithmetic3A_218 : i32 to vector<16xi32>
        %shift_right_arithmetic3A_220 = arith.shrsi %get3A_217, %shift_right_arithmetic3A_219 : vector<16xi32>
        %swap3A_221 = arith.constant 0 : i32
        %swap3A_222 = arith.index_cast %swap3A_221 : i32 to index
        %swap3A_223 = arith.constant 16 : index
        %swap3A_224 = tpu.vector_load %arg10[%swap3A_222, %swap3A_223] {strides = array<i32>} : memref<1x80xi32, #tpu.memory_space<vmem>>, vector<1x16xi32>,
        %swap3A_225 = vector.shape_cast %swap3A_224 : vector<1x16xi32> to vector<16xi32>
        %swap3A_226 = vector.shape_cast %shift_right_arithmetic3A_220 : vector<16xi32> to vector<1x16xi32>
        tpu.vector_store %arg10[%swap3A_222, %swap3A_223], %swap3A_226 {strides = array<i32>} : memref<1x80xi32, #tpu.memory_space<vmem>>, vector<1x16xi32>,
        %mul3A_227 = arith.constant 80 : i32
        %mul3A_228 = arith.muli %add3A_174, %mul3A_227 : i32
        %add3A_229 = arith.constant 32 : i32
        %add3A_230 = arith.addi %mul3A_228, %add3A_229 : i32
        %get3A_231 = arith.index_cast %add3A_230 : i32 to index
        %get3A_232 = tpu.vector_load %arg5[%get3A_231] {strides = array<i32>} : memref<10000xi32, #tpu.memory_space<vmem>>, vector<16xi32>,
        %get3A_233 = vector.shape_cast %get3A_232 : vector<16xi32> to vector<16xi32>
        %shift_right_arithmetic3A_234 = arith.constant 16 : i32
        %shift_right_arithmetic3A_235 = vector.broadcast %shift_right_arithmetic3A_234 : i32 to vector<16xi32>
        %shift_right_arithmetic3A_236 = arith.shrsi %get3A_233, %shift_right_arithmetic3A_235 : vector<16xi32>
        %swap3A_237 = arith.constant 0 : i32
        %swap3A_238 = arith.index_cast %swap3A_237 : i32 to index
        %swap3A_239 = arith.constant 32 : index
        %swap3A_240 = tpu.vector_load %arg10[%swap3A_238, %swap3A_239] {strides = array<i32>} : memref<1x80xi32, #tpu.memory_space<vmem>>, vector<1x16xi32>,
        %swap3A_241 = vector.shape_cast %swap3A_240 : vector<1x16xi32> to vector<16xi32>
        %swap3A_242 = vector.shape_cast %shift_right_arithmetic3A_236 : vector<16xi32> to vector<1x16xi32>
        tpu.vector_store %arg10[%swap3A_238, %swap3A_239], %swap3A_242 {strides = array<i32>} : memref<1x80xi32, #tpu.memory_space<vmem>>, vector<1x16xi32>,
        %mul3A_243 = arith.constant 80 : i32
        %mul3A_244 = arith.muli %add3A_174, %mul3A_243 : i32
        %add3A_245 = arith.constant 48 : i32
        %add3A_246 = arith.addi %mul3A_244, %add3A_245 : i32
        %get3A_247 = arith.index_cast %add3A_246 : i32 to index
        %get3A_248 = tpu.vector_load %arg5[%get3A_247] {strides = array<i32>} : memref<10000xi32, #tpu.memory_space<vmem>>, vector<16xi32>,
        %get3A_249 = vector.shape_cast %get3A_248 : vector<16xi32> to vector<16xi32>
        %shift_right_arithmetic3A_250 = arith.constant 16 : i32
        %shift_right_arithmetic3A_251 = vector.broadcast %shift_right_arithmetic3A_250 : i32 to vector<16xi32>
        %shift_right_arithmetic3A_252 = arith.shrsi %get3A_249, %shift_right_arithmetic3A_251 : vector<16xi32>
        %swap3A_253 = arith.constant 0 : i32
        %swap3A_254 = arith.index_cast %swap3A_253 : i32 to index
        %swap3A_255 = arith.constant 48 : index
        %swap3A_256 = tpu.vector_load %arg10[%swap3A_254, %swap3A_255] {strides = array<i32>} : memref<1x80xi32, #tpu.memory_space<vmem>>, vector<1x16xi32>,
        %swap3A_257 = vector.shape_cast %swap3A_256 : vector<1x16xi32> to vector<16xi32>
        %swap3A_258 = vector.shape_cast %shift_right_arithmetic3A_252 : vector<16xi32> to vector<1x16xi32>
        tpu.vector_store %arg10[%swap3A_254, %swap3A_255], %swap3A_258 {strides = array<i32>} : memref<1x80xi32, #tpu.memory_space<vmem>>, vector<1x16xi32>,
        %mul3A_259 = arith.constant 80 : i32
        %mul3A_260 = arith.muli %add3A_174, %mul3A_259 : i32
        %add3A_261 = arith.constant 64 : i32
        %add3A_262 = arith.addi %mul3A_260, %add3A_261 : i32
        %get3A_263 = arith.index_cast %add3A_262 : i32 to index
        %get3A_264 = tpu.vector_load %arg5[%get3A_263] {strides = array<i32>} : memref<10000xi32, #tpu.memory_space<vmem>>, vector<16xi32>,
        %get3A_265 = vector.shape_cast %get3A_264 : vector<16xi32> to vector<16xi32>
        %shift_right_arithmetic3A_266 = arith.constant 16 : i32
        %shift_right_arithmetic3A_267 = vector.broadcast %shift_right_arithmetic3A_266 : i32 to vector<16xi32>
        %shift_right_arithmetic3A_268 = arith.shrsi %get3A_265, %shift_right_arithmetic3A_267 : vector<16xi32>
        %swap3A_269 = arith.constant 0 : i32
        %swap3A_270 = arith.index_cast %swap3A_269 : i32 to index
        %swap3A_271 = arith.constant 64 : index
        %swap3A_272 = tpu.vector_load %arg10[%swap3A_270, %swap3A_271] {strides = array<i32>} : memref<1x80xi32, #tpu.memory_space<vmem>>, vector<1x16xi32>,
        %swap3A_273 = vector.shape_cast %swap3A_272 : vector<1x16xi32> to vector<16xi32>
        %swap3A_274 = vector.shape_cast %shift_right_arithmetic3A_268 : vector<16xi32> to vector<1x16xi32>
        tpu.vector_store %arg10[%swap3A_270, %swap3A_271], %swap3A_274 {strides = array<i32>} : memref<1x80xi32, #tpu.memory_space<vmem>>, vector<1x16xi32>,
        %dma_start3A_275 = arith.constant 0 : i32
        %dma_start3A_276 = arith.constant 0 : i32
        %dma_start3A_277 = tpu.memref_slice %arg10[%dma_start3A_275, %dma_start3A_276] : memref<1x80xi32, #tpu.memory_space<vmem>> -> memref<1x80xi32, #tpu.memory_space<vmem>>
        %dma_start3A_278 = tpu.memref_squeeze %dma_start3A_277 : memref<1x80xi32, #tpu.memory_space<vmem>> -> memref<80xi32, #tpu.memory_space<vmem>>
        %dma_start3A_279 = arith.constant 0 : i32
        %dma_start3A_280 = arith.constant 0 : i32
        %dma_start3A_281 = tpu.memref_slice %arg15[%dma_start3A_279, %dma_start3A_280] : memref<10000x128xf32, #tpu.memory_space<vmem_shared>> -> memref<10000x128xf32, #tpu.memory_space<vmem_shared>>
        tpu.enqueue_indirect_dma source(%arg13 : memref<80x128xf32, #tpu.memory_space<vmem>>) target(%dma_start3A_281 : memref<10000x128xf32, #tpu.memory_space<vmem_shared>>) offsets(%dma_start3A_278 : memref<80xi32, #tpu.memory_space<vmem>>) semaphore(%arg20 : memref<!tpu.dma_semaphore, #tpu.memory_space<semaphore_mem>>) {add = true}
        %ge3A = arith.constant 1 : i32
        %ge3A_282 = arith.cmpi sge, %add3A_174, %ge3A : i32
        %convert_element_type3A_283 = arith.extui %ge3A_282 : i1 to i32
        %cond3A_284 = arith.constant 0 : i32
        %cond3A_285 = arith.cmpi ne, %convert_element_type3A_283, %cond3A_284 : i32
        scf.if %cond3A_285 {
          %dma_wait3A_293 = arith.constant 0 : i32
          %dma_wait3A_294 = arith.constant 0 : i32
          %dma_wait3A_295 = tpu.memref_slice %arg9[%dma_wait3A_293, %dma_wait3A_294] : memref<1x80xi32, #tpu.memory_space<vmem>> -> memref<1x80xi32, #tpu.memory_space<vmem>>
          %dma_wait3A_296 = tpu.memref_squeeze %dma_wait3A_295 : memref<1x80xi32, #tpu.memory_space<vmem>> -> memref<80xi32, #tpu.memory_space<vmem>>
          %dma_wait3A_297 = arith.constant 0 : i32
          %dma_wait3A_298 = arith.constant 0 : i32
          %dma_wait3A_299 = tpu.memref_slice %arg15[%dma_wait3A_297, %dma_wait3A_298] : memref<10000x128xf32, #tpu.memory_space<vmem_shared>> -> memref<10000x128xf32, #tpu.memory_space<vmem_shared>>
          tpu.wait_indirect_dma semaphore(%arg19 : memref<!tpu.dma_semaphore, #tpu.memory_space<semaphore_mem>>) src(%arg12 : memref<80x128xf32, #tpu.memory_space<vmem>>) dst(%dma_wait3A_299 : memref<10000x128xf32, #tpu.memory_space<vmem_shared>>)
        } else {
        }
        %add3A_286 = arith.constant 2 : i32
        %add3A_287 = arith.addi %add3A_174, %add3A_286 : i32
        %lt3A_288 = arith.constant 125 : i32
        %lt3A_289 = arith.cmpi slt, %add3A_287, %lt3A_288 : i32
        %convert_element_type3A_290 = arith.extui %lt3A_289 : i1 to i32
        %cond3A_291 = arith.constant 0 : i32
        %cond3A_292 = arith.cmpi ne, %convert_element_type3A_290, %cond3A_291 : i32
        scf.if %cond3A_292 {
          %add3A_293 = arith.constant 2 : i32
          %add3A_294 = arith.addi %add3A_174, %add3A_293 : i32
          %mul3A_295 = arith.constant 80 : i32
          %mul3A_296 = arith.muli %add3A_294, %mul3A_295 : i32
          %add3A_297 = arith.constant 0 : i32
          %add3A_298 = arith.addi %mul3A_296, %add3A_297 : i32
          %get3A_299 = arith.index_cast %add3A_298 : i32 to index
          %get3A_300 = tpu.vector_load %arg5[%get3A_299] {strides = array<i32>} : memref<10000xi32, #tpu.memory_space<vmem>>, vector<16xi32>,
          %get3A_301 = vector.shape_cast %get3A_300 : vector<16xi32> to vector<16xi32>
          %and3A_302 = arith.constant 65535 : i32
          %and3A_303 = vector.broadcast %and3A_302 : i32 to vector<16xi32>
          %and3A_304 = arith.andi %get3A_301, %and3A_303 : vector<16xi32>
          %swap3A_305 = arith.constant 0 : i32
          %swap3A_306 = arith.index_cast %swap3A_305 : i32 to index
          %swap3A_307 = arith.constant 0 : index
          %swap3A_308 = tpu.vector_load %arg6[%swap3A_306, %swap3A_307] {strides = array<i32>} : memref<1x80xi32, #tpu.memory_space<vmem>>, vector<1x16xi32>,
          %swap3A_309 = vector.shape_cast %swap3A_308 : vector<1x16xi32> to vector<16xi32>
          %swap3A_310 = vector.shape_cast %and3A_304 : vector<16xi32> to vector<1x16xi32>
          tpu.vector_store %arg6[%swap3A_306, %swap3A_307], %swap3A_310 {strides = array<i32>} : memref<1x80xi32, #tpu.memory_space<vmem>>, vector<1x16xi32>,
          %mul3A_311 = arith.constant 80 : i32
          %mul3A_312 = arith.muli %add3A_294, %mul3A_311 : i32
          %add3A_313 = arith.constant 16 : i32
          %add3A_314 = arith.addi %mul3A_312, %add3A_313 : i32
          %get3A_315 = arith.index_cast %add3A_314 : i32 to index
          %get3A_316 = tpu.vector_load %arg5[%get3A_315] {strides = array<i32>} : memref<10000xi32, #tpu.memory_space<vmem>>, vector<16xi32>,
          %get3A_317 = vector.shape_cast %get3A_316 : vector<16xi32> to vector<16xi32>
          %and3A_318 = arith.constant 65535 : i32
          %and3A_319 = vector.broadcast %and3A_318 : i32 to vector<16xi32>
          %and3A_320 = arith.andi %get3A_317, %and3A_319 : vector<16xi32>
          %swap3A_321 = arith.constant 0 : i32
          %swap3A_322 = arith.index_cast %swap3A_321 : i32 to index
          %swap3A_323 = arith.constant 16 : index
          %swap3A_324 = tpu.vector_load %arg6[%swap3A_322, %swap3A_323] {strides = array<i32>} : memref<1x80xi32, #tpu.memory_space<vmem>>, vector<1x16xi32>,
          %swap3A_325 = vector.shape_cast %swap3A_324 : vector<1x16xi32> to vector<16xi32>
          %swap3A_326 = vector.shape_cast %and3A_320 : vector<16xi32> to vector<1x16xi32>
          tpu.vector_store %arg6[%swap3A_322, %swap3A_323], %swap3A_326 {strides = array<i32>} : memref<1x80xi32, #tpu.memory_space<vmem>>, vector<1x16xi32>,
          %mul3A_327 = arith.constant 80 : i32
          %mul3A_328 = arith.muli %add3A_294, %mul3A_327 : i32
          %add3A_329 = arith.constant 32 : i32
          %add3A_330 = arith.addi %mul3A_328, %add3A_329 : i32
          %get3A_331 = arith.index_cast %add3A_330 : i32 to index
          %get3A_332 = tpu.vector_load %arg5[%get3A_331] {strides = array<i32>} : memref<10000xi32, #tpu.memory_space<vmem>>, vector<16xi32>,
          %get3A_333 = vector.shape_cast %get3A_332 : vector<16xi32> to vector<16xi32>
          %and3A_334 = arith.constant 65535 : i32
          %and3A_335 = vector.broadcast %and3A_334 : i32 to vector<16xi32>
          %and3A_336 = arith.andi %get3A_333, %and3A_335 : vector<16xi32>
          %swap3A_337 = arith.constant 0 : i32
          %swap3A_338 = arith.index_cast %swap3A_337 : i32 to index
          %swap3A_339 = arith.constant 32 : index
          %swap3A_340 = tpu.vector_load %arg6[%swap3A_338, %swap3A_339] {strides = array<i32>} : memref<1x80xi32, #tpu.memory_space<vmem>>, vector<1x16xi32>,
          %swap3A_341 = vector.shape_cast %swap3A_340 : vector<1x16xi32> to vector<16xi32>
          %swap3A_342 = vector.shape_cast %and3A_336 : vector<16xi32> to vector<1x16xi32>
          tpu.vector_store %arg6[%swap3A_338, %swap3A_339], %swap3A_342 {strides = array<i32>} : memref<1x80xi32, #tpu.memory_space<vmem>>, vector<1x16xi32>,
          %mul3A_343 = arith.constant 80 : i32
          %mul3A_344 = arith.muli %add3A_294, %mul3A_343 : i32
          %add3A_345 = arith.constant 48 : i32
          %add3A_346 = arith.addi %mul3A_344, %add3A_345 : i32
          %get3A_347 = arith.index_cast %add3A_346 : i32 to index
          %get3A_348 = tpu.vector_load %arg5[%get3A_347] {strides = array<i32>} : memref<10000xi32, #tpu.memory_space<vmem>>, vector<16xi32>,
          %get3A_349 = vector.shape_cast %get3A_348 : vector<16xi32> to vector<16xi32>
          %and3A_350 = arith.constant 65535 : i32
          %and3A_351 = vector.broadcast %and3A_350 : i32 to vector<16xi32>
          %and3A_352 = arith.andi %get3A_349, %and3A_351 : vector<16xi32>
          %swap3A_353 = arith.constant 0 : i32
          %swap3A_354 = arith.index_cast %swap3A_353 : i32 to index
          %swap3A_355 = arith.constant 48 : index
          %swap3A_356 = tpu.vector_load %arg6[%swap3A_354, %swap3A_355] {strides = array<i32>} : memref<1x80xi32, #tpu.memory_space<vmem>>, vector<1x16xi32>,
          %swap3A_357 = vector.shape_cast %swap3A_356 : vector<1x16xi32> to vector<16xi32>
          %swap3A_358 = vector.shape_cast %and3A_352 : vector<16xi32> to vector<1x16xi32>
          tpu.vector_store %arg6[%swap3A_354, %swap3A_355], %swap3A_358 {strides = array<i32>} : memref<1x80xi32, #tpu.memory_space<vmem>>, vector<1x16xi32>,
          %mul3A_359 = arith.constant 80 : i32
          %mul3A_360 = arith.muli %add3A_294, %mul3A_359 : i32
          %add3A_361 = arith.constant 64 : i32
          %add3A_362 = arith.addi %mul3A_360, %add3A_361 : i32
          %get3A_363 = arith.index_cast %add3A_362 : i32 to index
          %get3A_364 = tpu.vector_load %arg5[%get3A_363] {strides = array<i32>} : memref<10000xi32, #tpu.memory_space<vmem>>, vector<16xi32>,
          %get3A_365 = vector.shape_cast %get3A_364 : vector<16xi32> to vector<16xi32>
          %and3A_366 = arith.constant 65535 : i32
          %and3A_367 = vector.broadcast %and3A_366 : i32 to vector<16xi32>
          %and3A_368 = arith.andi %get3A_365, %and3A_367 : vector<16xi32>
          %swap3A_369 = arith.constant 0 : i32
          %swap3A_370 = arith.index_cast %swap3A_369 : i32 to index
          %swap3A_371 = arith.constant 64 : index
          %swap3A_372 = tpu.vector_load %arg6[%swap3A_370, %swap3A_371] {strides = array<i32>} : memref<1x80xi32, #tpu.memory_space<vmem>>, vector<1x16xi32>,
          %swap3A_373 = vector.shape_cast %swap3A_372 : vector<1x16xi32> to vector<16xi32>
          %swap3A_374 = vector.shape_cast %and3A_368 : vector<16xi32> to vector<1x16xi32>
          tpu.vector_store %arg6[%swap3A_370, %swap3A_371], %swap3A_374 {strides = array<i32>} : memref<1x80xi32, #tpu.memory_space<vmem>>, vector<1x16xi32>,
          %dma_start3A_375 = arith.constant 0 : i32
          %dma_start3A_376 = arith.constant 0 : i32
          %dma_start3A_377 = tpu.memref_slice %arg6[%dma_start3A_375, %dma_start3A_376] : memref<1x80xi32, #tpu.memory_space<vmem>> -> memref<1x80xi32, #tpu.memory_space<vmem>>
          %dma_start3A_378 = tpu.memref_squeeze %dma_start3A_377 : memref<1x80xi32, #tpu.memory_space<vmem>> -> memref<80xi32, #tpu.memory_space<vmem>>
          %dma_start3A_379 = arith.constant 0 : i32
          %dma_start3A_380 = arith.constant 0 : i32
          %dma_start3A_381 = tpu.memref_slice %arg2[%dma_start3A_379, %dma_start3A_380] : memref<60000x128xf32, #tpu.memory_space<hbm>> -> memref<60000x128xf32, #tpu.memory_space<hbm>>
          tpu.enqueue_indirect_dma source(%dma_start3A_381 : memref<60000x128xf32, #tpu.memory_space<hbm>>) target(%arg12 : memref<80x128xf32, #tpu.memory_space<vmem>>) offsets(%dma_start3A_378 : memref<80xi32, #tpu.memory_space<vmem>>) semaphore(%arg16 : memref<!tpu.dma_semaphore, #tpu.memory_space<semaphore_mem>>)
        } else {
        }
      } else {
      }
      %mul3A_180 = arith.constant 3 : i32
      %mul3A_181 = arith.muli %scan3A_161, %mul3A_180 : i32
      %add3A_182 = arith.constant 2 : i32
      %add3A_183 = arith.addi %mul3A_181, %add3A_182 : i32
      %lt3A_184 = arith.constant 125 : i32
      %lt3A_185 = arith.cmpi slt, %add3A_183, %lt3A_184 : i32
      %convert_element_type3A_186 = arith.extui %lt3A_185 : i1 to i32
      %cond3A_187 = arith.constant 0 : i32
      %cond3A_188 = arith.cmpi ne, %convert_element_type3A_186, %cond3A_187 : i32
      scf.if %cond3A_188 {
        %dma_wait3A_189 = arith.constant 0 : i32
        %dma_wait3A_190 = arith.constant 0 : i32
        %dma_wait3A_191 = tpu.memref_slice %arg8[%dma_wait3A_189, %dma_wait3A_190] : memref<1x80xi32, #tpu.memory_space<vmem>> -> memref<1x80xi32, #tpu.memory_space<vmem>>
        %dma_wait3A_192 = tpu.memref_squeeze %dma_wait3A_191 : memref<1x80xi32, #tpu.memory_space<vmem>> -> memref<80xi32, #tpu.memory_space<vmem>>
        %dma_wait3A_193 = arith.constant 0 : i32
        %dma_wait3A_194 = arith.constant 0 : i32
        %dma_wait3A_195 = tpu.memref_slice %arg2[%dma_wait3A_193, %dma_wait3A_194] : memref<60000x128xf32, #tpu.memory_space<hbm>> -> memref<60000x128xf32, #tpu.memory_space<hbm>>
        tpu.wait_indirect_dma semaphore(%arg18 : memref<!tpu.dma_semaphore, #tpu.memory_space<semaphore_mem>>) src(%dma_wait3A_195 : memref<60000x128xf32, #tpu.memory_space<hbm>>) dst(%arg14 : memref<80x128xf32, #tpu.memory_space<vmem>>)
        %mul3A_196 = arith.constant 80 : i32
        %mul3A_197 = arith.muli %add3A_183, %mul3A_196 : i32
        %add3A_198 = arith.constant 0 : i32
        %add3A_199 = arith.addi %mul3A_197, %add3A_198 : i32
        %get3A_200 = arith.index_cast %add3A_199 : i32 to index
        %get3A_201 = tpu.vector_load %arg5[%get3A_200] {strides = array<i32>} : memref<10000xi32, #tpu.memory_space<vmem>>, vector<16xi32>,
        %get3A_202 = vector.shape_cast %get3A_201 : vector<16xi32> to vector<16xi32>
        %shift_right_arithmetic3A = arith.constant 16 : i32
        %shift_right_arithmetic3A_203 = vector.broadcast %shift_right_arithmetic3A : i32 to vector<16xi32>
        %shift_right_arithmetic3A_204 = arith.shrsi %get3A_202, %shift_right_arithmetic3A_203 : vector<16xi32>
        %swap3A_205 = arith.constant 0 : i32
        %swap3A_206 = arith.index_cast %swap3A_205 : i32 to index
        %swap3A_207 = arith.constant 0 : index
        %swap3A_208 = tpu.vector_load %arg11[%swap3A_206, %swap3A_207] {strides = array<i32>} : memref<1x80xi32, #tpu.memory_space<vmem>>, vector<1x16xi32>,
        %swap3A_209 = vector.shape_cast %swap3A_208 : vector<1x16xi32> to vector<16xi32>
        %swap3A_210 = vector.shape_cast %shift_right_arithmetic3A_204 : vector<16xi32> to vector<1x16xi32>
        tpu.vector_store %arg11[%swap3A_206, %swap3A_207], %swap3A_210 {strides = array<i32>} : memref<1x80xi32, #tpu.memory_space<vmem>>, vector<1x16xi32>,
        %mul3A_211 = arith.constant 80 : i32
        %mul3A_212 = arith.muli %add3A_183, %mul3A_211 : i32
        %add3A_213 = arith.constant 16 : i32
        %add3A_214 = arith.addi %mul3A_212, %add3A_213 : i32
        %get3A_215 = arith.index_cast %add3A_214 : i32 to index
        %get3A_216 = tpu.vector_load %arg5[%get3A_215] {strides = array<i32>} : memref<10000xi32, #tpu.memory_space<vmem>>, vector<16xi32>,
        %get3A_217 = vector.shape_cast %get3A_216 : vector<16xi32> to vector<16xi32>
        %shift_right_arithmetic3A_218 = arith.constant 16 : i32
        %shift_right_arithmetic3A_219 = vector.broadcast %shift_right_arithmetic3A_218 : i32 to vector<16xi32>
        %shift_right_arithmetic3A_220 = arith.shrsi %get3A_217, %shift_right_arithmetic3A_219 : vector<16xi32>
        %swap3A_221 = arith.constant 0 : i32
        %swap3A_222 = arith.index_cast %swap3A_221 : i32 to index
        %swap3A_223 = arith.constant 16 : index
        %swap3A_224 = tpu.vector_load %arg11[%swap3A_222, %swap3A_223] {strides = array<i32>} : memref<1x80xi32, #tpu.memory_space<vmem>>, vector<1x16xi32>,
        %swap3A_225 = vector.shape_cast %swap3A_224 : vector<1x16xi32> to vector<16xi32>
        %swap3A_226 = vector.shape_cast %shift_right_arithmetic3A_220 : vector<16xi32> to vector<1x16xi32>
        tpu.vector_store %arg11[%swap3A_222, %swap3A_223], %swap3A_226 {strides = array<i32>} : memref<1x80xi32, #tpu.memory_space<vmem>>, vector<1x16xi32>,
        %mul3A_227 = arith.constant 80 : i32
        %mul3A_228 = arith.muli %add3A_183, %mul3A_227 : i32
        %add3A_229 = arith.constant 32 : i32
        %add3A_230 = arith.addi %mul3A_228, %add3A_229 : i32
        %get3A_231 = arith.index_cast %add3A_230 : i32 to index
        %get3A_232 = tpu.vector_load %arg5[%get3A_231] {strides = array<i32>} : memref<10000xi32, #tpu.memory_space<vmem>>, vector<16xi32>,
        %get3A_233 = vector.shape_cast %get3A_232 : vector<16xi32> to vector<16xi32>
        %shift_right_arithmetic3A_234 = arith.constant 16 : i32
        %shift_right_arithmetic3A_235 = vector.broadcast %shift_right_arithmetic3A_234 : i32 to vector<16xi32>
        %shift_right_arithmetic3A_236 = arith.shrsi %get3A_233, %shift_right_arithmetic3A_235 : vector<16xi32>
        %swap3A_237 = arith.constant 0 : i32
        %swap3A_238 = arith.index_cast %swap3A_237 : i32 to index
        %swap3A_239 = arith.constant 32 : index
        %swap3A_240 = tpu.vector_load %arg11[%swap3A_238, %swap3A_239] {strides = array<i32>} : memref<1x80xi32, #tpu.memory_space<vmem>>, vector<1x16xi32>,
        %swap3A_241 = vector.shape_cast %swap3A_240 : vector<1x16xi32> to vector<16xi32>
        %swap3A_242 = vector.shape_cast %shift_right_arithmetic3A_236 : vector<16xi32> to vector<1x16xi32>
        tpu.vector_store %arg11[%swap3A_238, %swap3A_239], %swap3A_242 {strides = array<i32>} : memref<1x80xi32, #tpu.memory_space<vmem>>, vector<1x16xi32>,
        %mul3A_243 = arith.constant 80 : i32
        %mul3A_244 = arith.muli %add3A_183, %mul3A_243 : i32
        %add3A_245 = arith.constant 48 : i32
        %add3A_246 = arith.addi %mul3A_244, %add3A_245 : i32
        %get3A_247 = arith.index_cast %add3A_246 : i32 to index
        %get3A_248 = tpu.vector_load %arg5[%get3A_247] {strides = array<i32>} : memref<10000xi32, #tpu.memory_space<vmem>>, vector<16xi32>,
        %get3A_249 = vector.shape_cast %get3A_248 : vector<16xi32> to vector<16xi32>
        %shift_right_arithmetic3A_250 = arith.constant 16 : i32
        %shift_right_arithmetic3A_251 = vector.broadcast %shift_right_arithmetic3A_250 : i32 to vector<16xi32>
        %shift_right_arithmetic3A_252 = arith.shrsi %get3A_249, %shift_right_arithmetic3A_251 : vector<16xi32>
        %swap3A_253 = arith.constant 0 : i32
        %swap3A_254 = arith.index_cast %swap3A_253 : i32 to index
        %swap3A_255 = arith.constant 48 : index
        %swap3A_256 = tpu.vector_load %arg11[%swap3A_254, %swap3A_255] {strides = array<i32>} : memref<1x80xi32, #tpu.memory_space<vmem>>, vector<1x16xi32>,
        %swap3A_257 = vector.shape_cast %swap3A_256 : vector<1x16xi32> to vector<16xi32>
        %swap3A_258 = vector.shape_cast %shift_right_arithmetic3A_252 : vector<16xi32> to vector<1x16xi32>
        tpu.vector_store %arg11[%swap3A_254, %swap3A_255], %swap3A_258 {strides = array<i32>} : memref<1x80xi32, #tpu.memory_space<vmem>>, vector<1x16xi32>,
        %mul3A_259 = arith.constant 80 : i32
        %mul3A_260 = arith.muli %add3A_183, %mul3A_259 : i32
        %add3A_261 = arith.constant 64 : i32
        %add3A_262 = arith.addi %mul3A_260, %add3A_261 : i32
        %get3A_263 = arith.index_cast %add3A_262 : i32 to index
        %get3A_264 = tpu.vector_load %arg5[%get3A_263] {strides = array<i32>} : memref<10000xi32, #tpu.memory_space<vmem>>, vector<16xi32>,
        %get3A_265 = vector.shape_cast %get3A_264 : vector<16xi32> to vector<16xi32>
        %shift_right_arithmetic3A_266 = arith.constant 16 : i32
        %shift_right_arithmetic3A_267 = vector.broadcast %shift_right_arithmetic3A_266 : i32 to vector<16xi32>
        %shift_right_arithmetic3A_268 = arith.shrsi %get3A_265, %shift_right_arithmetic3A_267 : vector<16xi32>
        %swap3A_269 = arith.constant 0 : i32
        %swap3A_270 = arith.index_cast %swap3A_269 : i32 to index
        %swap3A_271 = arith.constant 64 : index
        %swap3A_272 = tpu.vector_load %arg11[%swap3A_270, %swap3A_271] {strides = array<i32>} : memref<1x80xi32, #tpu.memory_space<vmem>>, vector<1x16xi32>,
        %swap3A_273 = vector.shape_cast %swap3A_272 : vector<1x16xi32> to vector<16xi32>
        %swap3A_274 = vector.shape_cast %shift_right_arithmetic3A_268 : vector<16xi32> to vector<1x16xi32>
        tpu.vector_store %arg11[%swap3A_270, %swap3A_271], %swap3A_274 {strides = array<i32>} : memref<1x80xi32, #tpu.memory_space<vmem>>, vector<1x16xi32>,
        %dma_start3A_275 = arith.constant 0 : i32
        %dma_start3A_276 = arith.constant 0 : i32
        %dma_start3A_277 = tpu.memref_slice %arg11[%dma_start3A_275, %dma_start3A_276] : memref<1x80xi32, #tpu.memory_space<vmem>> -> memref<1x80xi32, #tpu.memory_space<vmem>>
        %dma_start3A_278 = tpu.memref_squeeze %dma_start3A_277 : memref<1x80xi32, #tpu.memory_space<vmem>> -> memref<80xi32, #tpu.memory_space<vmem>>
        %dma_start3A_279 = arith.constant 0 : i32
        %dma_start3A_280 = arith.constant 0 : i32
        %dma_start3A_281 = tpu.memref_slice %arg15[%dma_start3A_279, %dma_start3A_280] : memref<10000x128xf32, #tpu.memory_space<vmem_shared>> -> memref<10000x128xf32, #tpu.memory_space<vmem_shared>>
        tpu.enqueue_indirect_dma source(%arg14 : memref<80x128xf32, #tpu.memory_space<vmem>>) target(%dma_start3A_281 : memref<10000x128xf32, #tpu.memory_space<vmem_shared>>) offsets(%dma_start3A_278 : memref<80xi32, #tpu.memory_space<vmem>>) semaphore(%arg21 : memref<!tpu.dma_semaphore, #tpu.memory_space<semaphore_mem>>) {add = true}
        %ge3A = arith.constant 1 : i32
        %ge3A_282 = arith.cmpi sge, %add3A_183, %ge3A : i32
        %convert_element_type3A_283 = arith.extui %ge3A_282 : i1 to i32
        %cond3A_284 = arith.constant 0 : i32
        %cond3A_285 = arith.cmpi ne, %convert_element_type3A_283, %cond3A_284 : i32
        scf.if %cond3A_285 {
          %dma_wait3A_293 = arith.constant 0 : i32
          %dma_wait3A_294 = arith.constant 0 : i32
          %dma_wait3A_295 = tpu.memref_slice %arg10[%dma_wait3A_293, %dma_wait3A_294] : memref<1x80xi32, #tpu.memory_space<vmem>> -> memref<1x80xi32, #tpu.memory_space<vmem>>
          %dma_wait3A_296 = tpu.memref_squeeze %dma_wait3A_295 : memref<1x80xi32, #tpu.memory_space<vmem>> -> memref<80xi32, #tpu.memory_space<vmem>>
          %dma_wait3A_297 = arith.constant 0 : i32
          %dma_wait3A_298 = arith.constant 0 : i32
          %dma_wait3A_299 = tpu.memref_slice %arg15[%dma_wait3A_297, %dma_wait3A_298] : memref<10000x128xf32, #tpu.memory_space<vmem_shared>> -> memref<10000x128xf32, #tpu.memory_space<vmem_shared>>
          tpu.wait_indirect_dma semaphore(%arg20 : memref<!tpu.dma_semaphore, #tpu.memory_space<semaphore_mem>>) src(%arg13 : memref<80x128xf32, #tpu.memory_space<vmem>>) dst(%dma_wait3A_299 : memref<10000x128xf32, #tpu.memory_space<vmem_shared>>)
        } else {
        }
        %add3A_286 = arith.constant 2 : i32
        %add3A_287 = arith.addi %add3A_183, %add3A_286 : i32
        %lt3A_288 = arith.constant 125 : i32
        %lt3A_289 = arith.cmpi slt, %add3A_287, %lt3A_288 : i32
        %convert_element_type3A_290 = arith.extui %lt3A_289 : i1 to i32
        %cond3A_291 = arith.constant 0 : i32
        %cond3A_292 = arith.cmpi ne, %convert_element_type3A_290, %cond3A_291 : i32
        scf.if %cond3A_292 {
          %add3A_293 = arith.constant 2 : i32
          %add3A_294 = arith.addi %add3A_183, %add3A_293 : i32
          %mul3A_295 = arith.constant 80 : i32
          %mul3A_296 = arith.muli %add3A_294, %mul3A_295 : i32
          %add3A_297 = arith.constant 0 : i32
          %add3A_298 = arith.addi %mul3A_296, %add3A_297 : i32
          %get3A_299 = arith.index_cast %add3A_298 : i32 to index
          %get3A_300 = tpu.vector_load %arg5[%get3A_299] {strides = array<i32>} : memref<10000xi32, #tpu.memory_space<vmem>>, vector<16xi32>,
          %get3A_301 = vector.shape_cast %get3A_300 : vector<16xi32> to vector<16xi32>
          %and3A_302 = arith.constant 65535 : i32
          %and3A_303 = vector.broadcast %and3A_302 : i32 to vector<16xi32>
          %and3A_304 = arith.andi %get3A_301, %and3A_303 : vector<16xi32>
          %swap3A_305 = arith.constant 0 : i32
          %swap3A_306 = arith.index_cast %swap3A_305 : i32 to index
          %swap3A_307 = arith.constant 0 : index
          %swap3A_308 = tpu.vector_load %arg7[%swap3A_306, %swap3A_307] {strides = array<i32>} : memref<1x80xi32, #tpu.memory_space<vmem>>, vector<1x16xi32>,
          %swap3A_309 = vector.shape_cast %swap3A_308 : vector<1x16xi32> to vector<16xi32>
          %swap3A_310 = vector.shape_cast %and3A_304 : vector<16xi32> to vector<1x16xi32>
          tpu.vector_store %arg7[%swap3A_306, %swap3A_307], %swap3A_310 {strides = array<i32>} : memref<1x80xi32, #tpu.memory_space<vmem>>, vector<1x16xi32>,
          %mul3A_311 = arith.constant 80 : i32
          %mul3A_312 = arith.muli %add3A_294, %mul3A_311 : i32
          %add3A_313 = arith.constant 16 : i32
          %add3A_314 = arith.addi %mul3A_312, %add3A_313 : i32
          %get3A_315 = arith.index_cast %add3A_314 : i32 to index
          %get3A_316 = tpu.vector_load %arg5[%get3A_315] {strides = array<i32>} : memref<10000xi32, #tpu.memory_space<vmem>>, vector<16xi32>,
          %get3A_317 = vector.shape_cast %get3A_316 : vector<16xi32> to vector<16xi32>
          %and3A_318 = arith.constant 65535 : i32
          %and3A_319 = vector.broadcast %and3A_318 : i32 to vector<16xi32>
          %and3A_320 = arith.andi %get3A_317, %and3A_319 : vector<16xi32>
          %swap3A_321 = arith.constant 0 : i32
          %swap3A_322 = arith.index_cast %swap3A_321 : i32 to index
          %swap3A_323 = arith.constant 16 : index
          %swap3A_324 = tpu.vector_load %arg7[%swap3A_322, %swap3A_323] {strides = array<i32>} : memref<1x80xi32, #tpu.memory_space<vmem>>, vector<1x16xi32>,
          %swap3A_325 = vector.shape_cast %swap3A_324 : vector<1x16xi32> to vector<16xi32>
          %swap3A_326 = vector.shape_cast %and3A_320 : vector<16xi32> to vector<1x16xi32>
          tpu.vector_store %arg7[%swap3A_322, %swap3A_323], %swap3A_326 {strides = array<i32>} : memref<1x80xi32, #tpu.memory_space<vmem>>, vector<1x16xi32>,
          %mul3A_327 = arith.constant 80 : i32
          %mul3A_328 = arith.muli %add3A_294, %mul3A_327 : i32
          %add3A_329 = arith.constant 32 : i32
          %add3A_330 = arith.addi %mul3A_328, %add3A_329 : i32
          %get3A_331 = arith.index_cast %add3A_330 : i32 to index
          %get3A_332 = tpu.vector_load %arg5[%get3A_331] {strides = array<i32>} : memref<10000xi32, #tpu.memory_space<vmem>>, vector<16xi32>,
          %get3A_333 = vector.shape_cast %get3A_332 : vector<16xi32> to vector<16xi32>
          %and3A_334 = arith.constant 65535 : i32
          %and3A_335 = vector.broadcast %and3A_334 : i32 to vector<16xi32>
          %and3A_336 = arith.andi %get3A_333, %and3A_335 : vector<16xi32>
          %swap3A_337 = arith.constant 0 : i32
          %swap3A_338 = arith.index_cast %swap3A_337 : i32 to index
          %swap3A_339 = arith.constant 32 : index
          %swap3A_340 = tpu.vector_load %arg7[%swap3A_338, %swap3A_339] {strides = array<i32>} : memref<1x80xi32, #tpu.memory_space<vmem>>, vector<1x16xi32>,
          %swap3A_341 = vector.shape_cast %swap3A_340 : vector<1x16xi32> to vector<16xi32>
          %swap3A_342 = vector.shape_cast %and3A_336 : vector<16xi32> to vector<1x16xi32>
          tpu.vector_store %arg7[%swap3A_338, %swap3A_339], %swap3A_342 {strides = array<i32>} : memref<1x80xi32, #tpu.memory_space<vmem>>, vector<1x16xi32>,
          %mul3A_343 = arith.constant 80 : i32
          %mul3A_344 = arith.muli %add3A_294, %mul3A_343 : i32
          %add3A_345 = arith.constant 48 : i32
          %add3A_346 = arith.addi %mul3A_344, %add3A_345 : i32
          %get3A_347 = arith.index_cast %add3A_346 : i32 to index
          %get3A_348 = tpu.vector_load %arg5[%get3A_347] {strides = array<i32>} : memref<10000xi32, #tpu.memory_space<vmem>>, vector<16xi32>,
          %get3A_349 = vector.shape_cast %get3A_348 : vector<16xi32> to vector<16xi32>
          %and3A_350 = arith.constant 65535 : i32
          %and3A_351 = vector.broadcast %and3A_350 : i32 to vector<16xi32>
          %and3A_352 = arith.andi %get3A_349, %and3A_351 : vector<16xi32>
          %swap3A_353 = arith.constant 0 : i32
          %swap3A_354 = arith.index_cast %swap3A_353 : i32 to index
          %swap3A_355 = arith.constant 48 : index
          %swap3A_356 = tpu.vector_load %arg7[%swap3A_354, %swap3A_355] {strides = array<i32>} : memref<1x80xi32, #tpu.memory_space<vmem>>, vector<1x16xi32>,
          %swap3A_357 = vector.shape_cast %swap3A_356 : vector<1x16xi32> to vector<16xi32>
          %swap3A_358 = vector.shape_cast %and3A_352 : vector<16xi32> to vector<1x16xi32>
          tpu.vector_store %arg7[%swap3A_354, %swap3A_355], %swap3A_358 {strides = array<i32>} : memref<1x80xi32, #tpu.memory_space<vmem>>, vector<1x16xi32>,
          %mul3A_359 = arith.constant 80 : i32
          %mul3A_360 = arith.muli %add3A_294, %mul3A_359 : i32
          %add3A_361 = arith.constant 64 : i32
          %add3A_362 = arith.addi %mul3A_360, %add3A_361 : i32
          %get3A_363 = arith.index_cast %add3A_362 : i32 to index
          %get3A_364 = tpu.vector_load %arg5[%get3A_363] {strides = array<i32>} : memref<10000xi32, #tpu.memory_space<vmem>>, vector<16xi32>,
          %get3A_365 = vector.shape_cast %get3A_364 : vector<16xi32> to vector<16xi32>
          %and3A_366 = arith.constant 65535 : i32
          %and3A_367 = vector.broadcast %and3A_366 : i32 to vector<16xi32>
          %and3A_368 = arith.andi %get3A_365, %and3A_367 : vector<16xi32>
          %swap3A_369 = arith.constant 0 : i32
          %swap3A_370 = arith.index_cast %swap3A_369 : i32 to index
          %swap3A_371 = arith.constant 64 : index
          %swap3A_372 = tpu.vector_load %arg7[%swap3A_370, %swap3A_371] {strides = array<i32>} : memref<1x80xi32, #tpu.memory_space<vmem>>, vector<1x16xi32>,
          %swap3A_373 = vector.shape_cast %swap3A_372 : vector<1x16xi32> to vector<16xi32>
          %swap3A_374 = vector.shape_cast %and3A_368 : vector<16xi32> to vector<1x16xi32>
          tpu.vector_store %arg7[%swap3A_370, %swap3A_371], %swap3A_374 {strides = array<i32>} : memref<1x80xi32, #tpu.memory_space<vmem>>, vector<1x16xi32>,
          %dma_start3A_375 = arith.constant 0 : i32
          %dma_start3A_376 = arith.constant 0 : i32
          %dma_start3A_377 = tpu.memref_slice %arg7[%dma_start3A_375, %dma_start3A_376] : memref<1x80xi32, #tpu.memory_space<vmem>> -> memref<1x80xi32, #tpu.memory_space<vmem>>
          %dma_start3A_378 = tpu.memref_squeeze %dma_start3A_377 : memref<1x80xi32, #tpu.memory_space<vmem>> -> memref<80xi32, #tpu.memory_space<vmem>>
          %dma_start3A_379 = arith.constant 0 : i32
          %dma_start3A_380 = arith.constant 0 : i32
          %dma_start3A_381 = tpu.memref_slice %arg2[%dma_start3A_379, %dma_start3A_380] : memref<60000x128xf32, #tpu.memory_space<hbm>> -> memref<60000x128xf32, #tpu.memory_space<hbm>>
          tpu.enqueue_indirect_dma source(%dma_start3A_381 : memref<60000x128xf32, #tpu.memory_space<hbm>>) target(%arg13 : memref<80x128xf32, #tpu.memory_space<vmem>>) offsets(%dma_start3A_378 : memref<80xi32, #tpu.memory_space<vmem>>) semaphore(%arg17 : memref<!tpu.dma_semaphore, #tpu.memory_space<semaphore_mem>>)
        } else {
        }
      } else {
      }
    }
    %scan3A_148 = arith.constant 42 : i32
    %dma_wait3A = arith.constant 0 : i32
    %dma_wait3A_149 = arith.constant 0 : i32
    %dma_wait3A_150 = tpu.memref_slice %arg10[%dma_wait3A, %dma_wait3A_149] : memref<1x80xi32, #tpu.memory_space<vmem>> -> memref<1x80xi32, #tpu.memory_space<vmem>>
    %dma_wait3A_151 = tpu.memref_squeeze %dma_wait3A_150 : memref<1x80xi32, #tpu.memory_space<vmem>> -> memref<80xi32, #tpu.memory_space<vmem>>
    %dma_wait3A_152 = arith.constant 0 : i32
    %dma_wait3A_153 = arith.constant 0 : i32
    %dma_wait3A_154 = tpu.memref_slice %arg15[%dma_wait3A_152, %dma_wait3A_153] : memref<10000x128xf32, #tpu.memory_space<vmem_shared>> -> memref<10000x128xf32, #tpu.memory_space<vmem_shared>>
    tpu.wait_indirect_dma semaphore(%arg20 : memref<!tpu.dma_semaphore, #tpu.memory_space<semaphore_mem>>) src(%arg13 : memref<80x128xf32, #tpu.memory_space<vmem>>) dst(%dma_wait3A_154 : memref<10000x128xf32, #tpu.memory_space<vmem_shared>>)
    %barrier3A_155 = arith.constant 0 : index
    tpu.barrier barrier_id(%barrier3A_155)
    "tpu.region"() ({
      %run_scoped3A = tpu.sem_alloc : memref<!tpu.dma_semaphore, #tpu.memory_space<semaphore_mem>>
      %dma_start3A_161 = arith.constant 0 : i32
      %dma_start3A_162 = tpu.memref_slice %arg4[%arg0, %mul3A_6, %dma_start3A_161] : memref<2x10000x128xf32, #tpu.memory_space<hbm>> -> memref<1x624x128xf32, #tpu.memory_space<hbm>>
      %dma_start3A_163 = tpu.memref_squeeze %dma_start3A_162 : memref<1x624x128xf32, #tpu.memory_space<hbm>> -> memref<624x128xf32, #tpu.memory_space<hbm>>
      %dma_start3A_164 = arith.constant 0 : i32
      %dma_start3A_165 = tpu.memref_slice %arg15[%mul3A_6, %dma_start3A_164] : memref<10000x128xf32, #tpu.memory_space<vmem_shared>> -> memref<624x128xf32, #tpu.memory_space<vmem_shared>>
      tpu.enqueue_dma source(%dma_start3A_165 : memref<624x128xf32, #tpu.memory_space<vmem_shared>>) target(%dma_start3A_163 : memref<624x128xf32, #tpu.memory_space<hbm>>) target_semaphore(%run_scoped3A : memref<!tpu.dma_semaphore, #tpu.memory_space<semaphore_mem>>)
      %dma_wait3A_166 = arith.constant 0 : i32
      %dma_wait3A_167 = tpu.memref_slice %arg4[%arg0, %mul3A_6, %dma_wait3A_166] : memref<2x10000x128xf32, #tpu.memory_space<hbm>> -> memref<1x624x128xf32, #tpu.memory_space<hbm>>
      %dma_wait3A_168 = tpu.memref_squeeze %dma_wait3A_167 : memref<1x624x128xf32, #tpu.memory_space<hbm>> -> memref<624x128xf32, #tpu.memory_space<hbm>>
      %dma_wait3A_169 = arith.constant 0 : i32
      %dma_wait3A_170 = tpu.memref_slice %arg15[%mul3A_6, %dma_wait3A_169] : memref<10000x128xf32, #tpu.memory_space<vmem_shared>> -> memref<624x128xf32, #tpu.memory_space<vmem_shared>>
      tpu.wait_dma2 semaphore(%run_scoped3A : memref<!tpu.dma_semaphore, #tpu.memory_space<semaphore_mem>>) src(%dma_wait3A_170 : memref<624x128xf32, #tpu.memory_space<vmem_shared>>) dst(%dma_wait3A_168 : memref<624x128xf32, #tpu.memory_space<hbm>>)
      tpu.yield
    }) : () -> ()
    %lt3A_156 = arith.constant 2 : i32
    %lt3A_157 = arith.cmpi slt, %arg1, %lt3A_156 : i32
    %convert_element_type3A_158 = arith.extui %lt3A_157 : i1 to i32
    %cond3A_159 = arith.constant 0 : i32
    %cond3A_160 = arith.cmpi ne, %convert_element_type3A_158, %cond3A_159 : i32
    scf.if %cond3A_160 {
      %add3A_161 = arith.constant 624 : i32
      %add3A_162 = arith.addi %mul3A_6, %add3A_161 : i32
      %add3A_163 = arith.constant 624 : i32
      %add3A_164 = arith.addi %mul3A_6, %add3A_163 : i32
      "tpu.region"() ({
        %run_scoped3A = tpu.sem_alloc : memref<!tpu.dma_semaphore, #tpu.memory_space<semaphore_mem>>
        %dma_start3A_165 = arith.constant 0 : i32
        %dma_start3A_166 = tpu.memref_slice %arg4[%arg0, %add3A_164, %dma_start3A_165] : memref<2x10000x128xf32, #tpu.memory_space<hbm>> -> memref<1x8x128xf32, #tpu.memory_space<hbm>>
        %dma_start3A_167 = tpu.memref_squeeze %dma_start3A_166 : memref<1x8x128xf32, #tpu.memory_space<hbm>> -> memref<8x128xf32, #tpu.memory_space<hbm>>
        %dma_start3A_168 = arith.constant 0 : i32
        %dma_start3A_169 = tpu.memref_slice %arg15[%add3A_162, %dma_start3A_168] : memref<10000x128xf32, #tpu.memory_space<vmem_shared>> -> memref<8x128xf32, #tpu.memory_space<vmem_shared>>
        tpu.enqueue_dma source(%dma_start3A_169 : memref<8x128xf32, #tpu.memory_space<vmem_shared>>) target(%dma_start3A_167 : memref<8x128xf32, #tpu.memory_space<hbm>>) target_semaphore(%run_scoped3A : memref<!tpu.dma_semaphore, #tpu.memory_space<semaphore_mem>>)
        %dma_wait3A_170 = arith.constant 0 : i32
        %dma_wait3A_171 = tpu.memref_slice %arg4[%arg0, %add3A_164, %dma_wait3A_170] : memref<2x10000x128xf32, #tpu.memory_space<hbm>> -> memref<1x8x128xf32, #tpu.memory_space<hbm>>
        %dma_wait3A_172 = tpu.memref_squeeze %dma_wait3A_171 : memref<1x8x128xf32, #tpu.memory_space<hbm>> -> memref<8x128xf32, #tpu.memory_space<hbm>>
        %dma_wait3A_173 = arith.constant 0 : i32
        %dma_wait3A_174 = tpu.memref_slice %arg15[%add3A_162, %dma_wait3A_173] : memref<10000x128xf32, #tpu.memory_space<vmem_shared>> -> memref<8x128xf32, #tpu.memory_space<vmem_shared>>
        tpu.wait_dma2 semaphore(%run_scoped3A : memref<!tpu.dma_semaphore, #tpu.memory_space<semaphore_mem>>) src(%dma_wait3A_174 : memref<8x128xf32, #tpu.memory_space<vmem_shared>>) dst(%dma_wait3A_172 : memref<8x128xf32, #tpu.memory_space<hbm>>)
        tpu.yield
      }) : () -> ()
    } else {
    }
    return
  }
}

module attributes {stable_mosaic.version = 14 : i64} {
  func.func @body(%arg0: memref<2500x128xi32, #tpu.memory_space<vmem>>, %arg1: memref<2500x128xi32, #tpu.memory_space<vmem>>, %arg2: memref<2500x128xi32, #tpu.memory_space<vmem>>, %arg3: memref<2500x128xi32, #tpu.memory_space<vmem>>) attributes {dimension_semantics = [], scalar_prefetch = 0 : i64, scratch_operands = 0 : i64, tpu.core_type = #tpu.core_type<tc>} {
    %get3A = arith.constant 0 : index
    %get3A_0 = arith.constant 0 : index
    %get3A_1 = vector.load %arg0[%get3A, %get3A_0] : memref<2500x128xi32, #tpu.memory_space<vmem>>, vector<2500x128xi32>
    %mul3A = arith.constant 10000 : i32
    %mul3A_2 = vector.broadcast %mul3A : i32 to vector<2500x128xi32>
    %mul3A_3 = arith.muli %get3A_1, %mul3A_2 : vector<2500x128xi32>
    %get3A_4 = arith.constant 0 : index
    %get3A_5 = arith.constant 0 : index
    %get3A_6 = vector.load %arg1[%get3A_4, %get3A_5] : memref<2500x128xi32, #tpu.memory_space<vmem>>, vector<2500x128xi32>
    %add3A = arith.addi %mul3A_3, %get3A_6 : vector<2500x128xi32>
    %get3A_7 = arith.constant 0 : index
    %get3A_8 = arith.constant 0 : index
    %get3A_9 = vector.load %arg2[%get3A_7, %get3A_8] : memref<2500x128xi32, #tpu.memory_space<vmem>>, vector<2500x128xi32>
    %shift_left3A = arith.constant 16 : i32
    %shift_left3A_10 = vector.broadcast %shift_left3A : i32 to vector<2500x128xi32>
    %shift_left3A_11 = arith.shli %get3A_9, %shift_left3A_10 : vector<2500x128xi32>
    %or3A = arith.ori %add3A, %shift_left3A_11 : vector<2500x128xi32>
    %swap3A = arith.constant 0 : index
    %swap3A_12 = arith.constant 0 : index
    %swap3A_13 = vector.load %arg3[%swap3A, %swap3A_12] : memref<2500x128xi32, #tpu.memory_space<vmem>>, vector<2500x128xi32>
    tpu.vector_store %arg3[%swap3A, %swap3A_12], %or3A {strides = array<i32>} : memref<2500x128xi32, #tpu.memory_space<vmem>>, vector<2500x128xi32>,
    return
  }
}

module attributes {stable_mosaic.version = 14 : i64} {
  func.func @body(%arg0: i32, %arg1: i32, %arg2: memref<4x2xf32, #tpu.memory_space<smem>>, %arg3: memref<1000x128xf32, #tpu.memory_space<vmem>>, %arg4: memref<2x128x128xf32, #tpu.memory_space<vmem>>, %arg5: memref<128x128xf32, #tpu.memory_space<vmem>>, %arg6: memref<1x128xf32, #tpu.memory_space<vmem>>, %arg7: memref<1x1000x128xf32, #tpu.memory_space<vmem>>) attributes {dimension_semantics = [#tpu.dimension_semantics<arbitrary>, #tpu.dimension_semantics<arbitrary>], iteration_bounds = array<i64: 10, 6>, scalar_prefetch = 0 : i64, scratch_operands = 0 : i64, tpu.core_type = #tpu.core_type<tc>, window_params = [{transform_indices = @transform_0, window_bounds = array<i64: 4, 2>}, {transform_indices = @transform_1, window_bounds = array<i64: 1000, 128>}, {pipeline_mode = #tpu.pipeline_mode<synchronous>, transform_indices = @transform_2, window_bounds = array<i64: 2, 128, 128>}, {pipeline_mode = #tpu.pipeline_mode<synchronous>, transform_indices = @transform_3, window_bounds = array<i64: 128, 128>}, {pipeline_mode = #tpu.pipeline_mode<synchronous>, transform_indices = @transform_4, window_bounds = array<i64: 1, 128>}, {transform_indices = @transform_5, window_bounds = array<i64: 1, 1000, 128>}]} {
    %min3A = arith.constant 3 : i32
    %min3A_0 = arith.minsi %arg1, %min3A : i32
    %get3A = arith.index_cast %min3A_0 : i32 to index
    %get3A_1 = arith.constant 0 : index
    %get3A_2 = memref.load %arg2[%get3A, %get3A_1] : memref<4x2xf32, #tpu.memory_space<smem>>
    %get3A_3 = arith.index_cast %min3A_0 : i32 to index
    %get3A_4 = arith.constant 1 : index
    %get3A_5 = memref.load %arg2[%get3A_3, %get3A_4] : memref<4x2xf32, #tpu.memory_space<smem>>
    %get3A_6 = arith.constant 0 : index
    %get3A_7 = arith.constant 0 : index
    %get3A_8 = arith.constant 0 : index
    %get3A_9 = vector.load %arg4[%get3A_6, %get3A_7, %get3A_8] : memref<2x128x128xf32, #tpu.memory_space<vmem>>, vector<1x128x128xf32>
    %get3A_10 = vector.shape_cast %get3A_9 : vector<1x128x128xf32> to vector<128x128xf32>
    %mul3A = vector.broadcast %get3A_2 : f32 to vector<128x128xf32>
    %mul3A_11 = arith.mulf %mul3A, %get3A_10 : vector<128x128xf32>
    %get3A_12 = arith.constant 1 : index
    %get3A_13 = arith.constant 0 : index
    %get3A_14 = arith.constant 0 : index
    %get3A_15 = vector.load %arg4[%get3A_12, %get3A_13, %get3A_14] : memref<2x128x128xf32, #tpu.memory_space<vmem>>, vector<1x128x128xf32>
    %get3A_16 = vector.shape_cast %get3A_15 : vector<1x128x128xf32> to vector<128x128xf32>
    %mul3A_17 = vector.broadcast %get3A_5 : f32 to vector<128x128xf32>
    %mul3A_18 = arith.mulf %mul3A_17, %get3A_16 : vector<128x128xf32>
    %add3A = arith.addf %mul3A_11, %mul3A_18 : vector<128x128xf32>
    %lt3A = arith.constant 4 : i32
    %lt3A_19 = arith.cmpi slt, %arg1, %lt3A : i32
    %get3A_20 = arith.constant 0 : index
    %get3A_21 = arith.constant 0 : index
    %get3A_22 = vector.load %arg5[%get3A_20, %get3A_21] : memref<128x128xf32, #tpu.memory_space<vmem>>, vector<128x128xf32>
    %select_n3A = arith.select %lt3A_19, %add3A, %get3A_22 : vector<128x128xf32>
    %get3A_23 = arith.constant 0 : index
    %get3A_24 = arith.constant 0 : index
    %get3A_25 = vector.load %arg3[%get3A_23, %get3A_24] : memref<1000x128xf32, #tpu.memory_space<vmem>>, vector<1000x128xf32>
    %dot_general3A = arith.constant dense<0.000000e+00> : vector<1000x128xf32>
    %dot_general3A_26 = tpu.matmul %get3A_25, %select_n3A, %dot_general3A {dimension_numbers = #tpu.dot_dimension_numbers<[1], [0], [0], [1], [0, 0, 1, 1], [], []>, transpose_lhs_hint = false} : vector<1000x128xf32>, vector<128x128xf32>, vector<1000x128xf32> -> vector<1000x128xf32>
    %eq3A = arith.constant 4 : i32
    %eq3A_27 = arith.cmpi eq, %arg1, %eq3A : i32
    %jit3A = arith.constant 1.000000e+00 : f32
    %jit3A_28 = arith.constant 0.000000e+00 : f32
    %select_n3A_29 = arith.select %eq3A_27, %jit3A, %jit3A_28 : f32
    %get3A_30 = arith.constant 0 : index
    %get3A_31 = arith.constant 0 : index
    %get3A_32 = vector.load %arg6[%get3A_30, %get3A_31] : memref<1x128xf32, #tpu.memory_space<vmem>>, vector<1x128xf32>
    %mul3A_33 = vector.broadcast %select_n3A_29 : f32 to vector<1x128xf32>
    %mul3A_34 = arith.mulf %mul3A_33, %get3A_32 : vector<1x128xf32>
    %add3A_35 = vector.broadcast %mul3A_34 : vector<1x128xf32> to vector<1000x128xf32>
    %add3A_36 = arith.addf %dot_general3A_26, %add3A_35 : vector<1000x128xf32>
    %eq3A_37 = arith.constant 5 : i32
    %eq3A_38 = arith.cmpi eq, %arg1, %eq3A_37 : i32
    %broadcast_in_dim3A = arith.constant 0.000000e+00 : f32
    %broadcast_in_dim3A_39 = vector.broadcast %broadcast_in_dim3A : f32 to vector<1000x128xf32>
    %select_n3A_40 = arith.select %eq3A_38, %broadcast_in_dim3A_39, %add3A_36 : vector<1000x128xf32>
    %broadcast_in_dim3A_41 = vector.shape_cast %select_n3A_40 : vector<1000x128xf32> to vector<1x1000x128xf32>
    %swap3A = arith.constant 0 : index
    %swap3A_42 = arith.constant 0 : index
    %swap3A_43 = arith.constant 0 : index
    %swap3A_44 = vector.load %arg7[%swap3A, %swap3A_42, %swap3A_43] : memref<1x1000x128xf32, #tpu.memory_space<vmem>>, vector<1x1000x128xf32>
    tpu.vector_store %arg7[%swap3A, %swap3A_42, %swap3A_43], %broadcast_in_dim3A_41 {strides = array<i32>} : memref<1x1000x128xf32, #tpu.memory_space<vmem>>, vector<1x1000x128xf32>,
    return
  }
  func.func @transform_0(%arg0: i32, %arg1: i32) -> (i32, i32) {
    %c0_i32 = arith.constant 0 : i32
    %c0_i32_0 = arith.constant 0 : i32
    %c0_i32_1 = arith.constant 0 : i32
    return %c0_i32, %c0_i32_0 : i32, i32
  }
  func.func @transform_1(%arg0: i32, %arg1: i32) -> (i32, i32) {
    %c0_i32 = arith.constant 0 : i32
    %c0_i32_0 = arith.constant 0 : i32
    return %arg0, %c0_i32 : i32, i32
  }
  func.func @transform_2(%arg0: i32, %arg1: i32) -> (i32, i32, i32) {
    %c0_i32 = arith.constant 0 : i32
    %c0_i32_0 = arith.constant 0 : i32
    %c0_i32_1 = arith.constant 0 : i32
    %c0_i32_2 = arith.constant 0 : i32
    return %c0_i32, %c0_i32_0, %c0_i32_1 : i32, i32, i32
  }
  func.func @transform_3(%arg0: i32, %arg1: i32) -> (i32, i32) {
    %c0_i32 = arith.constant 0 : i32
    %c0_i32_0 = arith.constant 0 : i32
    %c0_i32_1 = arith.constant 0 : i32
    return %c0_i32, %c0_i32_0 : i32, i32
  }
  func.func @transform_4(%arg0: i32, %arg1: i32) -> (i32, i32) {
    %c0_i32 = arith.constant 0 : i32
    %c0_i32_0 = arith.constant 0 : i32
    %c0_i32_1 = arith.constant 0 : i32
    return %c0_i32, %c0_i32_0 : i32, i32
  }
  func.func @transform_5(%arg0: i32, %arg1: i32) -> (i32, i32, i32) {
    %c0_i32 = arith.constant 0 : i32
    %c0_i32_0 = arith.constant 0 : i32
    return %arg1, %arg0, %c0_i32 : i32, i32, i32
  }
}

module attributes {stable_mosaic.version = 14 : i64} {
  func.func @body(%arg0: i32, %arg1: i32, %arg2: memref<4x2xf32, #tpu.memory_space<smem>>, %arg3: memref<2x1000x128xf32, #tpu.memory_space<vmem>>, %arg4: memref<2x128x128xf32, #tpu.memory_space<vmem>>, %arg5: memref<128x128xf32, #tpu.memory_space<vmem>>, %arg6: memref<1x128xf32, #tpu.memory_space<vmem>>, %arg7: memref<1x1000x128xf32, #tpu.memory_space<vmem>>) attributes {dimension_semantics = [#tpu.dimension_semantics<arbitrary>, #tpu.dimension_semantics<arbitrary>], iteration_bounds = array<i64: 10, 6>, scalar_prefetch = 0 : i64, scratch_operands = 0 : i64, tpu.core_type = #tpu.core_type<tc>, window_params = [{transform_indices = @transform_0, window_bounds = array<i64: 4, 2>}, {transform_indices = @transform_1, window_bounds = array<i64: 2, 1000, 128>}, {pipeline_mode = #tpu.pipeline_mode<synchronous>, transform_indices = @transform_2, window_bounds = array<i64: 2, 128, 128>}, {pipeline_mode = #tpu.pipeline_mode<synchronous>, transform_indices = @transform_3, window_bounds = array<i64: 128, 128>}, {pipeline_mode = #tpu.pipeline_mode<synchronous>, transform_indices = @transform_4, window_bounds = array<i64: 1, 128>}, {transform_indices = @transform_5, window_bounds = array<i64: 1, 1000, 128>}]} {
    %get3A = arith.constant 0 : index
    %get3A_0 = arith.constant 0 : index
    %get3A_1 = arith.constant 0 : index
    %get3A_2 = vector.load %arg3[%get3A, %get3A_0, %get3A_1] : memref<2x1000x128xf32, #tpu.memory_space<vmem>>, vector<1x1000x128xf32>
    %get3A_3 = vector.shape_cast %get3A_2 : vector<1x1000x128xf32> to vector<1000x128xf32>
    %get3A_4 = arith.constant 1 : index
    %get3A_5 = arith.constant 0 : index
    %get3A_6 = arith.constant 0 : index
    %get3A_7 = vector.load %arg3[%get3A_4, %get3A_5, %get3A_6] : memref<2x1000x128xf32, #tpu.memory_space<vmem>>, vector<1x1000x128xf32>
    %get3A_8 = vector.shape_cast %get3A_7 : vector<1x1000x128xf32> to vector<1000x128xf32>
    %add3A = arith.addf %get3A_3, %get3A_8 : vector<1000x128xf32>
    %max3A = arith.constant 0.000000e+00 : f32
    %max3A_9 = vector.broadcast %max3A : f32 to vector<1000x128xf32>
    %max3A_10 = arith.maximumf %add3A, %max3A_9 : vector<1000x128xf32>
    %min3A = arith.constant 3 : i32
    %min3A_11 = arith.minsi %arg1, %min3A : i32
    %get3A_12 = arith.index_cast %min3A_11 : i32 to index
    %get3A_13 = arith.constant 0 : index
    %get3A_14 = memref.load %arg2[%get3A_12, %get3A_13] : memref<4x2xf32, #tpu.memory_space<smem>>
    %get3A_15 = arith.index_cast %min3A_11 : i32 to index
    %get3A_16 = arith.constant 1 : index
    %get3A_17 = memref.load %arg2[%get3A_15, %get3A_16] : memref<4x2xf32, #tpu.memory_space<smem>>
    %get3A_18 = arith.constant 0 : index
    %get3A_19 = arith.constant 0 : index
    %get3A_20 = arith.constant 0 : index
    %get3A_21 = vector.load %arg4[%get3A_18, %get3A_19, %get3A_20] : memref<2x128x128xf32, #tpu.memory_space<vmem>>, vector<1x128x128xf32>
    %get3A_22 = vector.shape_cast %get3A_21 : vector<1x128x128xf32> to vector<128x128xf32>
    %mul3A = vector.broadcast %get3A_14 : f32 to vector<128x128xf32>
    %mul3A_23 = arith.mulf %mul3A, %get3A_22 : vector<128x128xf32>
    %get3A_24 = arith.constant 1 : index
    %get3A_25 = arith.constant 0 : index
    %get3A_26 = arith.constant 0 : index
    %get3A_27 = vector.load %arg4[%get3A_24, %get3A_25, %get3A_26] : memref<2x128x128xf32, #tpu.memory_space<vmem>>, vector<1x128x128xf32>
    %get3A_28 = vector.shape_cast %get3A_27 : vector<1x128x128xf32> to vector<128x128xf32>
    %mul3A_29 = vector.broadcast %get3A_17 : f32 to vector<128x128xf32>
    %mul3A_30 = arith.mulf %mul3A_29, %get3A_28 : vector<128x128xf32>
    %add3A_31 = arith.addf %mul3A_23, %mul3A_30 : vector<128x128xf32>
    %lt3A = arith.constant 4 : i32
    %lt3A_32 = arith.cmpi slt, %arg1, %lt3A : i32
    %get3A_33 = arith.constant 0 : index
    %get3A_34 = arith.constant 0 : index
    %get3A_35 = vector.load %arg5[%get3A_33, %get3A_34] : memref<128x128xf32, #tpu.memory_space<vmem>>, vector<128x128xf32>
    %select_n3A = arith.select %lt3A_32, %add3A_31, %get3A_35 : vector<128x128xf32>
    %dot_general3A = arith.constant dense<0.000000e+00> : vector<1000x128xf32>
    %dot_general3A_36 = tpu.matmul %max3A_10, %select_n3A, %dot_general3A {dimension_numbers = #tpu.dot_dimension_numbers<[1], [0], [0], [1], [0, 0, 1, 1], [], []>, transpose_lhs_hint = false} : vector<1000x128xf32>, vector<128x128xf32>, vector<1000x128xf32> -> vector<1000x128xf32>
    %eq3A = arith.constant 4 : i32
    %eq3A_37 = arith.cmpi eq, %arg1, %eq3A : i32
    %jit3A = arith.constant 1.000000e+00 : f32
    %jit3A_38 = arith.constant 0.000000e+00 : f32
    %select_n3A_39 = arith.select %eq3A_37, %jit3A, %jit3A_38 : f32
    %get3A_40 = arith.constant 0 : index
    %get3A_41 = arith.constant 0 : index
    %get3A_42 = vector.load %arg6[%get3A_40, %get3A_41] : memref<1x128xf32, #tpu.memory_space<vmem>>, vector<1x128xf32>
    %mul3A_43 = vector.broadcast %select_n3A_39 : f32 to vector<1x128xf32>
    %mul3A_44 = arith.mulf %mul3A_43, %get3A_42 : vector<1x128xf32>
    %add3A_45 = vector.broadcast %mul3A_44 : vector<1x128xf32> to vector<1000x128xf32>
    %add3A_46 = arith.addf %dot_general3A_36, %add3A_45 : vector<1000x128xf32>
    %eq3A_47 = arith.constant 5 : i32
    %eq3A_48 = arith.cmpi eq, %arg1, %eq3A_47 : i32
    %broadcast_in_dim3A = arith.constant 0.000000e+00 : f32
    %broadcast_in_dim3A_49 = vector.broadcast %broadcast_in_dim3A : f32 to vector<1000x128xf32>
    %select_n3A_50 = arith.select %eq3A_48, %broadcast_in_dim3A_49, %add3A_46 : vector<1000x128xf32>
    %broadcast_in_dim3A_51 = vector.shape_cast %select_n3A_50 : vector<1000x128xf32> to vector<1x1000x128xf32>
    %swap3A = arith.constant 0 : index
    %swap3A_52 = arith.constant 0 : index
    %swap3A_53 = arith.constant 0 : index
    %swap3A_54 = vector.load %arg7[%swap3A, %swap3A_52, %swap3A_53] : memref<1x1000x128xf32, #tpu.memory_space<vmem>>, vector<1x1000x128xf32>
    tpu.vector_store %arg7[%swap3A, %swap3A_52, %swap3A_53], %broadcast_in_dim3A_51 {strides = array<i32>} : memref<1x1000x128xf32, #tpu.memory_space<vmem>>, vector<1x1000x128xf32>,
    return
  }
  func.func @transform_0(%arg0: i32, %arg1: i32) -> (i32, i32) {
    %c0_i32 = arith.constant 0 : i32
    %c0_i32_0 = arith.constant 0 : i32
    %c0_i32_1 = arith.constant 0 : i32
    return %c0_i32, %c0_i32_0 : i32, i32
  }
  func.func @transform_1(%arg0: i32, %arg1: i32) -> (i32, i32, i32) {
    %c0_i32 = arith.constant 0 : i32
    %c0_i32_0 = arith.constant 0 : i32
    %c0_i32_1 = arith.constant 0 : i32
    return %c0_i32, %arg0, %c0_i32_0 : i32, i32, i32
  }
  func.func @transform_2(%arg0: i32, %arg1: i32) -> (i32, i32, i32) {
    %c0_i32 = arith.constant 0 : i32
    %c0_i32_0 = arith.constant 0 : i32
    %c0_i32_1 = arith.constant 0 : i32
    %c0_i32_2 = arith.constant 0 : i32
    return %c0_i32, %c0_i32_0, %c0_i32_1 : i32, i32, i32
  }
  func.func @transform_3(%arg0: i32, %arg1: i32) -> (i32, i32) {
    %c0_i32 = arith.constant 0 : i32
    %c0_i32_0 = arith.constant 0 : i32
    %c0_i32_1 = arith.constant 0 : i32
    return %c0_i32, %c0_i32_0 : i32, i32
  }
  func.func @transform_4(%arg0: i32, %arg1: i32) -> (i32, i32) {
    %c0_i32 = arith.constant 0 : i32
    %c0_i32_0 = arith.constant 0 : i32
    %c0_i32_1 = arith.constant 0 : i32
    return %c0_i32, %c0_i32_0 : i32, i32
  }
  func.func @transform_5(%arg0: i32, %arg1: i32) -> (i32, i32, i32) {
    %c0_i32 = arith.constant 0 : i32
    %c0_i32_0 = arith.constant 0 : i32
    return %arg1, %arg0, %c0_i32 : i32, i32, i32
  }
}

module attributes {stable_mosaic.version = 14 : i64} {
  func.func @body(%arg0: i32, %arg1: memref<1xf32, #tpu.memory_space<smem>>, %arg2: memref<2x1000x128xf32, #tpu.memory_space<vmem>>, %arg3: memref<1x128xf32, #tpu.memory_space<vmem>>, %arg4: memref<1000x128xf32, #tpu.memory_space<vmem>>) attributes {dimension_semantics = [#tpu.dimension_semantics<arbitrary>], iteration_bounds = array<i64: 10>, scalar_prefetch = 0 : i64, scratch_operands = 0 : i64, tpu.core_type = #tpu.core_type<tc>, window_params = [{transform_indices = @transform_0, window_bounds = array<i64: 1>}, {transform_indices = @transform_1, window_bounds = array<i64: 2, 1000, 128>}, {pipeline_mode = #tpu.pipeline_mode<synchronous>, transform_indices = @transform_2, window_bounds = array<i64: 1, 128>}, {transform_indices = @transform_3, window_bounds = array<i64: 1000, 128>}]} {
    %get3A = arith.constant 0 : index
    %get3A_0 = arith.constant 0 : index
    %get3A_1 = arith.constant 0 : index
    %get3A_2 = vector.load %arg2[%get3A, %get3A_0, %get3A_1] : memref<2x1000x128xf32, #tpu.memory_space<vmem>>, vector<1x1000x128xf32>
    %get3A_3 = vector.shape_cast %get3A_2 : vector<1x1000x128xf32> to vector<1000x128xf32>
    %get3A_4 = arith.constant 1 : index
    %get3A_5 = arith.constant 0 : index
    %get3A_6 = arith.constant 0 : index
    %get3A_7 = vector.load %arg2[%get3A_4, %get3A_5, %get3A_6] : memref<2x1000x128xf32, #tpu.memory_space<vmem>>, vector<1x1000x128xf32>
    %get3A_8 = vector.shape_cast %get3A_7 : vector<1x1000x128xf32> to vector<1000x128xf32>
    %add3A = arith.addf %get3A_3, %get3A_8 : vector<1000x128xf32>
    %max3A = arith.constant 0.000000e+00 : f32
    %max3A_9 = vector.broadcast %max3A : f32 to vector<1000x128xf32>
    %max3A_10 = arith.maximumf %add3A, %max3A_9 : vector<1000x128xf32>
    %get3A_11 = arith.constant 0 : index
    %get3A_12 = arith.constant 0 : index
    %get3A_13 = vector.load %arg3[%get3A_11, %get3A_12] : memref<1x128xf32, #tpu.memory_space<vmem>>, vector<1x128xf32>
    %mul3A = vector.broadcast %get3A_13 : vector<1x128xf32> to vector<1000x128xf32>
    %mul3A_14 = arith.mulf %max3A_10, %mul3A : vector<1000x128xf32>
    %reduce_sum3A = arith.constant dense<0.000000e+00> : vector<1000xf32>
    %reduce_sum3A_15 = vector.multi_reduction <add>, %mul3A_14, %reduce_sum3A [1] : vector<1000x128xf32> to vector<1000xf32>
    %broadcast_in_dim3A = vector.shape_cast %reduce_sum3A_15 : vector<1000xf32> to vector<1000x1xf32>
    %get3A_16 = arith.constant 0 : index
    %get3A_17 = memref.load %arg1[%get3A_16] : memref<1xf32, #tpu.memory_space<smem>>
    %add3A_18 = vector.broadcast %get3A_17 : f32 to vector<1000x1xf32>
    %add3A_19 = arith.addf %broadcast_in_dim3A, %add3A_18 : vector<1000x1xf32>
    %logistic3A = arith.negf %add3A_19 : vector<1000x1xf32>
    %logistic3A_20 = math.exp %logistic3A : vector<1000x1xf32>
    %logistic3A_21 = arith.constant 1.000000e+00 : f32
    %logistic3A_22 = vector.broadcast %logistic3A_21 : f32 to vector<1000x1xf32>
    %logistic3A_23 = arith.addf %logistic3A_22, %logistic3A_20 : vector<1000x1xf32>
    %logistic3A_24 = arith.divf %logistic3A_22, %logistic3A_23 : vector<1000x1xf32>
    %broadcast_in_dim3A_25 = vector.shape_cast %logistic3A_24 : vector<1000x1xf32> to vector<1000x1xf32>
    %broadcast_in_dim3A_26 = vector.broadcast %broadcast_in_dim3A_25 : vector<1000x1xf32> to vector<1000x128xf32>
    %swap3A = arith.constant 0 : index
    %swap3A_27 = arith.constant 0 : index
    %swap3A_28 = vector.load %arg4[%swap3A, %swap3A_27] : memref<1000x128xf32, #tpu.memory_space<vmem>>, vector<1000x128xf32>
    tpu.vector_store %arg4[%swap3A, %swap3A_27], %broadcast_in_dim3A_26 {strides = array<i32>} : memref<1000x128xf32, #tpu.memory_space<vmem>>, vector<1000x128xf32>,
    return
  }
  func.func @transform_0(%arg0: i32) -> i32 {
    %c0_i32 = arith.constant 0 : i32
    %c0_i32_0 = arith.constant 0 : i32
    return %c0_i32 : i32
  }
  func.func @transform_1(%arg0: i32) -> (i32, i32, i32) {
    %c0_i32 = arith.constant 0 : i32
    %c0_i32_0 = arith.constant 0 : i32
    %c0_i32_1 = arith.constant 0 : i32
    return %c0_i32, %arg0, %c0_i32_0 : i32, i32, i32
  }
  func.func @transform_2(%arg0: i32) -> (i32, i32) {
    %c0_i32 = arith.constant 0 : i32
    %c0_i32_0 = arith.constant 0 : i32
    %c0_i32_1 = arith.constant 0 : i32
    return %c0_i32, %c0_i32_0 : i32, i32
  }
  func.func @transform_3(%arg0: i32) -> (i32, i32) {
    %c0_i32 = arith.constant 0 : i32
    %c0_i32_0 = arith.constant 0 : i32
    return %arg0, %c0_i32 : i32, i32
  }
}

</mosaic_0001>

<sc_bundles>
// kernel: kernel.11.cloned.1.call-start
scs
__scs_entry_jumppad:
0x0: {  	(pc) =	sbr.rel $0x88, $3  }
0x1: {  	(tag) =	ssettag $0x0;
	lr =	simm.s32 $0x1  }
0x2: {  	[smem:$0x3F94] =	sst lr;
	_ =	strace $0xD0000000  }
0x3: {  	_ = 	snop  }
0x4: {  	_ = 	snop  }
0x5: {  	_ = 	snop  }
0x6: {  	_ = 	snop  }
0x7: {  	_ = 	snop  }
__scs_overlays_trampoline_lowered:
0x8: {  	[smem:$0x3FA3] =	sst s0  }
0x9: {  	[smem:$0x3FA4] =	sst s1  }
0xa: {  	[smem:$0x3FA5] =	sst s2  }
0xb: {  	[smem:$0x3FA6] =	sst s3  }
0xc: {  	[smem:$0x3FA7] =	sst s4  }
0xd: {  	[smem:$0x3FA8] =	sst s5  }
0xe: {  	[smem:$0x3FA9] =	sst s6  }
0xf: {  	[smem:$0x3FAA] =	sst s7  }
0x10: {  	[smem:$0x3FAB] =	sst s8  }
0x11: {  	[smem:$0x3FAC] =	sst s9;
	s0 =	simm.s32 @!p0 $0x0  }
0x12: {  	s1 =	sld [smem:$0x3F92];
	s0 =	simm.s32 @p0 $0x1  }
0x13: {  	[smem:$0x3FAD] =	sst s0;
	s0 =	simm.s32 @!p1 $0x0  }
0x14: {  	s2 =	sld [smem:$0x3F91];
	s0 =	simm.s32 @p1 $0x1  }
0x15: {  	[smem:$0x3FAE] =	sst s0;
	s0 =	simm.s32 @!p2 $0x0  }
0x16: {  	s3 =	sld [smem:$0x3FDB];
	s0 =	simm.s32 @p2 $0x1  }
0x17: {  	s4 =	simm.s32 $0x1BF5;
	[smem:$0x3FB0] =	sst s0  }
0x18: {  	s0 =	sld [smem:$0x3F93];
	_ =	swait.ge [sflag:s4], $0x0  }
0x19: {  	s7 =	sld [smem:$0x3F94]  }
0x1a: {  	s8 =	sadd.s32 $0xFFFFE003, lr  }
0x1b: {  	s9 =	sadd.s32 $0xFFFFFEF7, lr;
	s5 =	simm.s32 $0xFFFFFFFF;
	p2 =	slt.u32 s8, $0xFFFFF086  }
0x1c: {  	p1 =	slt.u32 s9, $0xF7A;
	s5 =	simm.s32 @!p2 $0x0  }
0x1d: {  	s5 =	simm.s32 @p1 $0x1;
	p0 =	seq.s32 s7, s2  }
0x1e: {  	s7 =	smul.u32 @!p0 $0xF7A, s2;
	p2 =	seq.s32 @!p0 s5, $0x0  }
0x1f: {  	s9 =	smul.u32 $0xF7A, s1;
	s8 =	simm.s32 @!p0 $0x1BF5;
	p2 =	por !p2, p0  }
0x20: {  	[sflag:s8] =	ssyncset.s32 @!p0 $0xFFFFF086;
	s6 =	sadd.s32 @!p0 s3, s7;
	s7 =	simm.s32 @!p0 $0x108  }
0x21: {  	s3 =	sadd.s32 s3, s9;
	s6 =	sadd.s32 @!p0 $0x88, s6;
	s7 =	simm.s32 @p2 $0x1082  }
0x22: {  	[simem:s7], [sflag:s8] =	dma.local @!p0 [hbm:s6], $0xF7A  }
0x23: {  	s9 =	sor.u32 $0xD0000000, s2;
	s6 =	simm.s32 $0x108;
	_ =	swait.ge @!p0 [sflag:s8], $0x0  }
0x24: {  	s3 =	sadd.s32 $0x88, s3;
	s6 =	simm.s32 @!p1 $0x1082;
	[sflag:s4] =	ssyncset.s32 $0xFFFFF086  }
0x25: {  	[simem:s6], [sflag:s4] =	dma.local [hbm:s3], $0xF7A  }
0x26: {  	[smem:$0x3F94] =	sst s1;
	(tag) =	ssettag s2;
	_ =	strace s9  }
0x27: {  	s1 =	sld [smem:$0x3FA4]  }
0x28: {  	s2 =	sld [smem:$0x3FA5]  }
0x29: {  	s4 =	sld [smem:$0x3FA7]  }
0x2a: {  	p0 =	seq.s32 s5, $0x0;
	s5 =	sld [smem:$0x3FA8]  }
0x2b: {  	s6 =	sld [smem:$0x3FA9]  }
0x2c: {  	s7 =	sld [smem:$0x3FAA]  }
0x2d: {  	s3 =	simm.s32 $0x108;
	s8 =	sld [smem:$0x3FAB]  }
0x2e: {  	s3 =	simm.s32 @!p0 $0x1082;
	s9 =	sld [smem:$0x3FAC]  }
0x2f: {  	lr =	sadd.s32 s0, s3;
	s0 =	sld [smem:$0x3FA3]  }
0x30: {  	s3 =	sld [smem:$0x3FA6]  }
0x31: {  	[smem:$0x3FAF] =	sst s10  }
0x32: {  	s10 =	sld [smem:$0x3FAD];
	_ =	sdelay $0x3  }
0x33: {  	p0 =	seq.s32 s10, $0x1;
	s10 =	sld [smem:$0x3FAF];
	_ =	sdelay $0x3  }
0x34: {  	[smem:$0x3FAF] =	sst s10  }
0x35: {  	s10 =	sld [smem:$0x3FAE];
	_ =	sdelay $0x3  }
0x36: {  	p1 =	seq.s32 s10, $0x1;
	s10 =	sld [smem:$0x3FAF];
	_ =	sdelay $0x3  }
0x37: {  	[smem:$0x3FAF] =	sst s10  }
0x38: {  	s10 =	sld [smem:$0x3FB0]  }
0x39: {  	_ = 	snop;
	(pc) =	sbr.ind lr, $3  }
0x3a: {  	_ = 	snop  }
0x3b: {  	_ = 	snop  }
0x3c: {  	p2 =	seq.s32 s10, $0x1;
	s10 =	sld [smem:$0x3FAF]  }
0x3d: {  	_ =	shalt  }
0x3e: {  	_ =	shalt  }
0x3f: {  	_ =	shalt  }
0x40: {  	_ =	shalt  }
0x41: {  	_ =	shalt  }
0x42: {  	_ =	shalt  }
0x43: {  	_ =	shalt  }
0x44: {  	_ =	shalt  }
0x45: {  	_ =	shalt  }
0x46: {  	_ =	shalt  }
0x47: {  	_ =	shalt  }
0x48: {  	_ =	shalt  }
0x49: {  	_ =	shalt  }
0x4a: {  	_ =	shalt  }
0x4b: {  	_ =	shalt  }
0x4c: {  	_ =	shalt  }
0x4d: {  	_ =	shalt  }
0x4e: {  	_ =	shalt  }
0x4f: {  	_ =	shalt  }
0x50: {  	_ =	shalt  }
0x51: {  	_ =	shalt  }
0x52: {  	_ =	shalt  }
0x53: {  	_ =	shalt  }
0x54: {  	_ =	shalt  }
0x55: {  	_ =	shalt  }
0x56: {  	_ =	shalt  }
0x57: {  	_ =	shalt  }
0x58: {  	_ =	shalt  }
0x59: {  	_ =	shalt  }
0x5a: {  	_ =	shalt  }
0x5b: {  	_ =	shalt  }
0x5c: {  	_ =	shalt  }
0x5d: {  	_ =	shalt  }
0x5e: {  	_ =	shalt  }
0x5f: {  	_ =	shalt  }
0x60: {  	_ =	shalt  }
0x61: {  	_ =	shalt  }
0x62: {  	_ =	shalt  }
0x63: {  	_ =	shalt  }
0x64: {  	_ =	shalt  }
0x65: {  	_ =	shalt  }
0x66: {  	_ =	shalt  }
0x67: {  	_ =	shalt  }
0x68: {  	_ =	shalt  }
0x69: {  	_ =	shalt  }
0x6a: {  	_ =	shalt  }
0x6b: {  	_ =	shalt  }
0x6c: {  	_ =	shalt  }
0x6d: {  	_ =	shalt  }
0x6e: {  	_ =	shalt  }
0x6f: {  	_ =	shalt  }
0x70: {  	_ =	shalt  }
0x71: {  	_ =	shalt  }
0x72: {  	_ =	shalt  }
0x73: {  	_ =	shalt  }
0x74: {  	_ =	shalt  }
0x75: {  	_ =	shalt  }
0x76: {  	_ =	shalt  }
0x77: {  	_ =	shalt  }
0x78: {  	_ =	shalt  }
0x79: {  	_ =	shalt  }
0x7a: {  	_ =	shalt  }
0x7b: {  	_ =	shalt  }
0x7c: {  	_ =	shalt  }
0x7d: {  	_ =	shalt  }
0x7e: {  	_ =	shalt  }
0x7f: {  	_ =	shalt  }
0x80: {  	_ =	shalt  }
0x81: {  	_ =	shalt  }
0x82: {  	_ =	shalt  }
0x83: {  	_ =	shalt  }
0x84: {  	_ =	shalt  }
0x85: {  	_ =	shalt  }
0x86: {  	_ =	shalt  }
0x87: {  	_ =	shalt  }
.Lfunc_end0:
.L_simem_size_0:
called_computation.1_lowered:
.L_overlay_start_0:
0x88: {  	s2 =	sld [smem:$0x3FD9]  }
0x89: {  	s3 =	sld [smem:$0x3FFE];
	_ =	sdelay $0x1  }
0x8a: {  	s1 =	srdreg.scid  }
0x8b: {  	s0 =	sand.u32 $0x1, s1  }
0x8c: {  	s16 =	sshll.u32 s0, $0xA;
	s2 =	sadd.s32 s3, s2  }
0x8d: {  	s2 =	sadd.s32 s2, s16  }
0x8e: {  	[smem:$0x3FBB] =	sst s2  }
0x8f: {  	_ = 	snop  }
0x90: {  	(tm) =	ssettm $0x1  }
0x91: {  	s17 =	sld [smem:$0x3FFB];
	_ =	sdelay $0x3  }
0x92: {  	_ =	strace s17  }
0x93: {  	s2 =	sld [smem:$0x3FFC];
	_ =	sdelay $0x3  }
0x94: {  	_ =	strace s2  }
0x95: {  	s2 =	sld [smem:$0x3FFD];
	_ =	sdelay $0x3  }
0x96: {  	_ =	strace s2  }
0x97: {  	_ =	strace $0x8FFFFFFF  }
0x98: {  	s18 =	sld [smem:$0x3FDB];
	_ =	sdelay $0x1  }
0x99: {  	s19 =	simm.s32 $_scs_section_size  }
0x9a: {  	s4 =	simm.s32 $_size__tile_overlayer_lowered;
	s5 =	simm.s32 $_tile_overlayer_lowered  }
0x9b: {  	s22 =	simm.s32 $0x1BFF;
	s21 =	sshll.u32 s5, $0x1;
	s2 =	sadd.s32 s19, s18  }
0x9c: {  	s6 =	simm.s32 $0x0;
	s20 =	sshll.u32 s4, $0x1;
	s4 =	sadd.s32 s21, s2  }
0x9d: {  	[timem:s6], [sflag:s22] =	dma.local [hbm:s4], s20  }
0x9e: {  	_ =	swait.ge [sflag:s22], s20  }
0x9f: {  	s3 =	ssub.s32 $0x0, s20;
	[sflag:s22] =	ssyncset.done $0x0  }
0xa0: {  	[sflag:s22] =	ssyncadd.s32 s3;
	_ =	sdelay $0x1  }
0xa1: {  	s23 =	simm.s32 $0x1B8B  }
0xa2: {  	_ =	swait.ge [sflag:s23], $0x1  }
0xa3: {  	[sflag:s23] =	ssyncset.done $0x0  }
0xa4: {  	s25 =	simm.s32 $0x1B8E;
	s24 =	sld [smem:$0x3FFE];
	[sflag:s23] =	ssyncadd.s32 $0xFFFFFFFF  }
0xa5: {  	s26 =	simm.s32 $execute0_lowered;
	[smem:$0x3FD2] =	sst s25  }
0xa6: {  	s4 =	sshll.u32 s26, $0x1;
	_ =	strace $0x80000049;
	[dreg:$0x1] =	wrdreg $0xFFFFFFFF  }
0xa7: {  	s28 =	simm.s32 $_size_execute0_lowered;
	s2 =	sadd.s32 s2, s4;
	[dreg:$0x0] =	wrdreg $0x0  }
0xa8: {  	s4 =	sshll.u32 s28, $0x1;
	[dreg:$0x2] =	wrdreg s2  }
0xa9: {  	[dreg:$0x3] =	wrdreg s4  }
0xaa: {  	[dreg:$0x4] =	wrdreg $0xC0  }
0xab: {  	_ =	task [dreg:s6], $0x5FFFF  }
0xac: {  	[dreg:$0x1] =	wrdreg $0xFFFFFFFF  }
0xad: {  	[dreg:$0x0] =	wrdreg $0x60  }
0xae: {  	[dreg:$0x2] =	wrdreg s24  }
0xaf: {  	[dreg:$0x3] =	wrdreg $0xA2800  }
0xb0: {  	[dreg:$0x4] =	wrdreg $0x9  }
0xb1: {  	_ =	task.clear_ibuf [dreg:s6], $0x5FFFF;
	_ =	strace $0x90000049  }
0xb2: {  	s29 =	simm.s32 $0x9;
	_ =	strace $0x8000004B  }
0xb3: {  	_ =	swait.ge [sflag:s29], $0x1  }
0xb4: {  	[sflag:s29] =	ssyncadd.s32 $0xFFFFFFFF  }
0xb5: {  	_ =	strace $0x9000004B  }
0xb6: {  	_ =	sfence  }
0xb7: {  	s30 =	sld [smem:$0x0];
	_ =	sdelay $0x2  }
0xb8: {  	s31 =	sshll.u32 s1, $0xD;
	s1 =	sshrl.u32 s1, $0x2  }
0xb9: {  	s3 =	sand.u32 $0x4000, s31;
	s1 =	sadd.s32 s1, s30  }
0xba: {  	s0 =	sor.u32 s3, s0;
	s1 =	sshll.u32 s1, $0x11  }
0xbb: {  	s0 =	sor.u32 s1, s0  }
0xbc: {  	s0 =	sadd.s32 $0x8F2B, s0  }
0xbd: {  	[sflag:s0] =	ssyncadd.remote.s32 $0x1  }
0xbe: {  	_ =	sfence.sel $0xFFFF  }
0xbf: {  	[dreg:$0x0] =	wrdreg $0xFFFFFFFF;
	(pc) =	sbr.abs _section_cstart, $3  }
0xc0: {  	[dreg:$0x1] =	wrdreg $0xFFFFFFFF  }
0xc1: {  	_ =	task.clear_ibuf [dreg:s6], $0x2FFFF;
	_ =	strace $0x9FFFFFFF  }
0xc2: {  	(tm) =	ssettm $0x7FFFFFFF  }
0xc3: {  	_ =	shalt  }
tec
execute0_lowered:
.L_overlay_start_1:
0x0: {  	(tag) =	ssettag $0x1  }
0x1: {  	s0 =	srdreg.scid;
	s1 =	rddreg [dreg:$0x0]  }
0x2: {  	s15 =	stileid.u32;
	s2 =	rddreg [dreg:$0x1];
	s5 =	simm.s32 $0x0  }
0x3: {  	s17 =	simm.s32 $0x50;
	s18 =	simm.s32 $0x2780;
	s19 =	simm.s32 $0x2A80  }
0x4: {  	s28 =	simm.s32 $0x4;
	s29 =	simm.s32 $0x5;
	s30 =	simm.s32 $0x3  }
0x5: {  	s31 =	simm.s32 $0x2A00;
	s0 =	sand.u32 $0x1, s0;
	s4 =	sshll.u32 s15, $0x7  }
0x6: {  	[smem:$0x7FF] =	sst s5;
	s20 =	smul.u32 $0x4E, s15;
	s21 =	smin.u32 s15, $0x2  }
0x7: {  	s25 =	sshll.u32 s15, $0x6;
	p0 =	sgt.u32 s15, $0x1;
	s3 =	sshll.u32 s0, $0x4  }
0x8: {  	s4 =	sand.u32 $0x380, s4;
	_ =	strace $0x8000004A;
	s6 =	smul.u32 $0x2710, s0  }
0x9: {  	s8 =	ssub.s32 $0x2, s0;
	s0 =	smul.u32 $0x138800, s0;
	s3 =	sor.u32 s15, s3  }
0xa: {  	s5 =	sadd.s32 s21, s20;
	s22 =	sshrl.u32 s8, $0x1;
	s20 =	simm.s32 $0x2800  }
0xb: {  	s21 =	simm.s32 $0x5280;
	s3 =	sshrl.u32 s3, $0x3;
	s7 =	sshll.u32 s5, $0x3  }
0xc: {  	s9 =	sshll.u32 s5, $0xA;
	s11 =	ssub.s32 s8, s22;
	s22 =	simm.s32 $0x1  }
0xd: {  	s3 =	smul.u32 $0x13C00, s3;
	s6 =	sadd.s32 s7, s6;
	s12 =	sadd.s32 s9, s2  }
0xe: {  	s13 =	sadd.s32 $0x13800, s9;
	s9 =	sadd.s32 s0, s9;
	s11 =	smax.u32 s11, $0x1  }
0xf: {  	s6 =	sshll.u32 s6, $0x4;
	s14 =	sadd.s32 $0x13800, s12;
	s0 =	sadd.s32 s0, s13  }
0x10: {  	s26 =	sshrl.u32 s9, $0x3;
	s12 =	sshrl.u32 s12, $0x3;
	s3 =	sor.u32 s4, s3  }
0x11: {  	s4 =	sadd.s32 $0xB800, s1;
	s0 =	sshrl.u32 s0, $0x3;
	s14 =	sshrl.u32 @!p0 s14, $0x3  }
0x12: {  	s3 =	sshrl.u32 s3, $0x3;
	s23 =	sadd.s32 s4, s6;
	s6 =	sor.u32 $0x1C07, s25  }
0x13: {  	s3 =	sadd.s32 s3, s1;
	s1 =	sadd.s32 $0xF5E00, s1;
	s24 =	sadd.s32 $0x9C400, s23  }
.Ltmp0:
0x14: {  	s7 =	sadd.s32 $0x9EB00, s23;
	s23 =	simm.s32 $0x2900;
	(pc) =	sbr.rel .LBB2_1-.Ltmp0, $4  }
0x15: {  	[dreg:$0x3] =	wrdreg s24;
	s8 =	sadd.s32 $0x1A00, s3;
	s9 =	sadd.s32 s1, s26  }
0x16: {  	s10 =	sadd.s32 s1, s0;
	s0 =	sadd.s32 s13, s2;
	s13 =	simm.s32 $0x7  }
0x17: {  	s24 =	simm.s32 $0x2;
	s26 =	simm.s32 $0x2980;
	s1 =	simm.s32 $0x7A80  }
0x18: {  	s3 =	simm.s32 $0x0;
	s25 =	sshrl.u32 @!p0 s0, $0x3;
	s0 =	simm.s32 $0x2880  }
.LBB2_4:
0x19: {  	_ =	swait.ge [sflag:s29], $0x2800  }
0x1a: {  	[sflag:s29] =	ssyncset.done $0x0  }
0x1b: {  	[sflag:s29] =	ssyncadd.s32 $0xFFFFD800  }
0x1c: {  	[bflag:$0x0] =	sbarrier.arrive $0xFFFF  }
0x1d: {  	[hbm:s9], [sflag:s6] =	dma.local [spmem:s12], $0x2700  }
0x1e: {  	s3 =	sadd.s32 $0x1, s3;
	_ =	swait.ge [sflag:s13], $0x2700  }
0x1f: {  	p1 =	sne.s32 s3, s11;
	[sflag:s13] =	ssyncset.done $0x0  }
.Ltmp1:
0x20: {  	s5 =	simm.s32 @!p0 $0x7;
	[sflag:s13] =	ssyncadd.s32 $0xFFFFD900;
	(pc) =	sbr.rel @!p1 .LBB2_5-.Ltmp1, $4  }
0x21: {  	[hbm:s10], [sflag:s6] =	dma.local @!p0 [spmem:s25], $0x80  }
0x22: {  	_ =	swait.ge @!p0 [sflag:s5], $0x80  }
0x23: {  	[sflag:s5] =	ssyncset.done @!p0 $0x0  }
0x24: {  	[sflag:s5] =	ssyncadd.s32 @!p0 $0xFFFFFF80  }
.LBB2_1:
0x25: {  	s5 =	rddreg [dreg:$0x3]  }
0x26: {  	[spmem:s12], [sflag:s6] =	dma.local [hbm:s5], $0x2700  }
0x27: {  	_ =	swait.ge [sflag:s13], $0x2700  }
0x28: {  	[sflag:s13] =	ssyncset.done $0x0  }
0x29: {  	s15 =	simm.s32 @!p0 $0x7;
	[sflag:s13] =	ssyncadd.s32 $0xFFFFD900  }
0x2a: {  	[spmem:s14], [sflag:s6] =	dma.local @!p0 [hbm:s7], $0x80  }
0x2b: {  	_ =	swait.ge @!p0 [sflag:s15], $0x80  }
0x2c: {  	s16 =	simm.s32 $0x400;
	[sflag:s15] =	ssyncset.done @!p0 $0x0  }
0x2d: {  	s5 =	simm.s32 $0x0;
	[sflag:s15] =	ssyncadd.s32 @!p0 $0xFFFFFF80;
	s15 =	simm.s32 $0x80  }
0x2e: {  	[tilespmem:s5], [sflag:$0x7] =	stream.strided.gather [hbm4b:s8+s15], $0x2780, s16, s15, $0x38;
	[tilespmem:$0x1DB00] =	vst v63  }
0x2f: {  	_ =	swait.ge [sflag:s13], $0x2780  }
0x30: {  	[sflag:s13] =	ssyncset.done $0x0  }
0x31: {  	[sflag:s13] =	ssyncadd.s32 $0xFFFFD880  }
0x32: {  	[bflag:$0x0] =	sbarrier.arrive $0xFFFF  }
0x33: {  	v0 =	vld [tilespmem:$0x0]  }
0x34: {  	v1 =	vld [tilespmem:$0x10]  }
0x35: {  	v2 =	vld [tilespmem:$0x20]  }
0x36: {  	v3 =	vld [tilespmem:$0x30]  }
0x37: {  	v4 =	vld [tilespmem:$0x40]  }
0x38: {  	v0 =	vand.u32 $0xFFFF, v0  }
0x39: {  	v51 =	vand.u32 $0xFFFF, v1;
	[tilespmem:$0x2780] =	vst v0  }
0x3a: {  	v52 =	vand.u32 $0xFFFF, v2;
	[tilespmem:$0x2790] =	vst v51  }
0x3b: {  	v53 =	vand.u32 $0xFFFF, v3;
	[tilespmem:$0x27A0] =	vst v52  }
0x3c: {  	v54 =	vand.u32 $0xFFFF, v4;
	[tilespmem:$0x27B0] =	vst v53  }
0x3d: {  	[tilespmem:$0x27C0] =	vst v54  }
0x3e: {  	[tilespmem:s19], [sflag:$0x1] =	stream.indirect.gather [hbm4b:s4+s17], $0x80, s18, s17, $0xb8;
	[tilespmem:$0x1DB00] =	vst v63  }
0x3f: {  	v55 =	vld [tilespmem:$0x50]  }
0x40: {  	v56 =	vld [tilespmem:$0x60]  }
0x41: {  	v57 =	vld [tilespmem:$0x70]  }
0x42: {  	v58 =	vld [tilespmem:$0x80]  }
0x43: {  	v59 =	vld [tilespmem:$0x90]  }
0x44: {  	v0 =	vand.u32 $0xFFFF, v55  }
0x45: {  	v60 =	vand.u32 $0xFFFF, v56;
	[tilespmem:$0x2800] =	vst v0  }
0x46: {  	v61 =	vand.u32 $0xFFFF, v57;
	[tilespmem:$0x2810] =	vst v60  }
0x47: {  	v62 =	vand.u32 $0xFFFF, v58;
	[tilespmem:$0x2820] =	vst v61  }
0x48: {  	v63 =	vand.u32 $0xFFFF, v59;
	[tilespmem:$0x2830] =	vst v62  }
0x49: {  	s15 =	simm.s32 $0x0;
	[tilespmem:$0x2840] =	vst v63  }
0x4a: {  	[tilespmem:s21], [sflag:$0x2] =	stream.indirect.gather [hbm4b:s4+s17], $0x80, s20, s17, $0xb8;
	[tilespmem:$0x1DB00] =	vst v63  }
.LBB2_2:
0x4b: {  	_ =	swait.ge [sflag:s22], $0x2800  }
0x4c: {  	[sflag:s22] =	ssyncset.done $0x0  }
0x4d: {  	s16 =	sshra.s32 s15, $0x2;
	[sflag:s22] =	ssyncadd.s32 $0xFFFFD800  }
0x4e: {  	v0 =	vld [tilespmem:s16+$0x0];
	_ =	sdelay $0x4  }
0x4f: {  	v0 =	vshra.s32 v0, $0x10  }
0x50: {  	[tilespmem:$0x2900] =	vst v0  }
0x51: {  	v0 =	vld [tilespmem:s16+$0x10];
	_ =	sdelay $0x4  }
0x52: {  	v0 =	vshra.s32 v0, $0x10  }
0x53: {  	[tilespmem:$0x2910] =	vst v0  }
0x54: {  	v0 =	vld [tilespmem:s16+$0x20];
	_ =	sdelay $0x4  }
0x55: {  	v0 =	vshra.s32 v0, $0x10  }
0x56: {  	[tilespmem:$0x2920] =	vst v0  }
0x57: {  	v0 =	vld [tilespmem:s16+$0x30];
	_ =	sdelay $0x4  }
0x58: {  	v0 =	vshra.s32 v0, $0x10  }
0x59: {  	[tilespmem:$0x2930] =	vst v0  }
0x5a: {  	v0 =	vld [tilespmem:s16+$0x40];
	_ =	sdelay $0x4  }
0x5b: {  	p1 =	seq.s32 s15, $0x0;
	v0 =	vshra.s32 v0, $0x10  }
0x5c: {  	s5 =	simm.s32 @!p1 $0x6;
	[tilespmem:$0x2940] =	vst v0  }
0x5d: {  	[spmem:s2] =	stream.indirect.scatter.add.f32 [tilespmem:s19], [sflag:$0x4], $0x80, s23, s17, $0xb8;
	[tilespmem:$0x1DB00] =	vst v63  }
0x5e: {  	_ =	swait.ge @!p1 [sflag:s5], $0x2800  }
0x5f: {  	p2 =	seq.s32 @!p1 s15, $0x99C0;
	[sflag:s5] =	ssyncset.done @!p1 $0x0  }
0x60: {  	p2 =	por p1, !p2;
	[sflag:s5] =	ssyncadd.s32 @!p1 $0xFFFFD800  }
0x61: {  	v0 =	vld @p2 [tilespmem:s16+$0xA0];
	_ =	sdelay $0x4  }
0x62: {  	v0 =	vand.u32 @p2 $0xFFFF, v0  }
0x63: {  	[tilespmem:$0x2880] =	vst @p2 v0  }
0x64: {  	v0 =	vld @p2 [tilespmem:s16+$0xB0];
	_ =	sdelay $0x4  }
0x65: {  	v0 =	vand.u32 @p2 $0xFFFF, v0  }
0x66: {  	[tilespmem:$0x2890] =	vst @p2 v0  }
0x67: {  	v0 =	vld @p2 [tilespmem:s16+$0xC0];
	_ =	sdelay $0x4  }
0x68: {  	v0 =	vand.u32 @p2 $0xFFFF, v0  }
0x69: {  	[tilespmem:$0x28A0] =	vst @p2 v0  }
0x6a: {  	v0 =	vld @p2 [tilespmem:s16+$0xD0];
	_ =	sdelay $0x4  }
0x6b: {  	v0 =	vand.u32 @p2 $0xFFFF, v0  }
0x6c: {  	[tilespmem:$0x28B0] =	vst @p2 v0  }
0x6d: {  	v0 =	vld @p2 [tilespmem:s16+$0xE0];
	_ =	sdelay $0x4  }
0x6e: {  	v0 =	vand.u32 @p2 $0xFFFF, v0  }
0x6f: {  	[tilespmem:$0x28C0] =	vst @p2 v0  }
0x70: {  	[tilespmem:s1], [sflag:$0x3] =	stream.indirect.gather @p2 [hbm4b:s4+s17], $0x80, s0, s17, $0xb8;
	[tilespmem:$0x1DB00] =	vst v63  }
0x71: {  	_ =	swait.ge [sflag:s24], $0x2800  }
0x72: {  	[sflag:s24] =	ssyncset.done $0x0  }
0x73: {  	[sflag:s24] =	ssyncadd.s32 $0xFFFFD800  }
0x74: {  	v63 =	vld [tilespmem:s16+$0x50];
	_ =	sdelay $0x4  }
0x75: {  	v0 =	vshra.s32 v63, $0x10  }
0x76: {  	[tilespmem:$0x2980] =	vst v0  }
0x77: {  	v0 =	vld [tilespmem:s16+$0x60];
	_ =	sdelay $0x4  }
0x78: {  	v0 =	vshra.s32 v0, $0x10  }
0x79: {  	[tilespmem:$0x2990] =	vst v0  }
0x7a: {  	v0 =	vld [tilespmem:s16+$0x70];
	_ =	sdelay $0x4  }
0x7b: {  	v0 =	vshra.s32 v0, $0x10  }
0x7c: {  	[tilespmem:$0x29A0] =	vst v0  }
0x7d: {  	v0 =	vld [tilespmem:s16+$0x80];
	_ =	sdelay $0x4  }
0x7e: {  	v0 =	vshra.s32 v0, $0x10  }
0x7f: {  	[tilespmem:$0x29B0] =	vst v0  }
0x80: {  	v0 =	vld [tilespmem:s16+$0x90];
	_ =	sdelay $0x4  }
0x81: {  	p1 =	seq.s32 s15, $0x99C0;
	v0 =	vshra.s32 v0, $0x10  }
.Ltmp2:
0x82: {  	[tilespmem:$0x29C0] =	vst v0;
	(pc) =	sbr.rel @p1 .LBB2_4-.Ltmp2, $4  }
0x83: {  	[spmem:s2] =	stream.indirect.scatter.add.f32 [tilespmem:s21], [sflag:$0x5], $0x80, s26, s17, $0xb8;
	[tilespmem:$0x1DB00] =	vst v63  }
0x84: {  	_ =	swait.ge [sflag:s28], $0x2800  }
0x85: {  	[sflag:s28] =	ssyncset.done $0x0  }
0x86: {  	[sflag:s28] =	ssyncadd.s32 $0xFFFFD800  }
0x87: {  	v0 =	vld [tilespmem:s16+$0xF0];
	_ =	sdelay $0x4  }
0x88: {  	v0 =	vand.u32 $0xFFFF, v0  }
0x89: {  	[tilespmem:$0x2780] =	vst v0  }
0x8a: {  	v0 =	vld [tilespmem:s16+$0x100];
	_ =	sdelay $0x4  }
0x8b: {  	v0 =	vand.u32 $0xFFFF, v0  }
0x8c: {  	[tilespmem:$0x2790] =	vst v0  }
0x8d: {  	v0 =	vld [tilespmem:s16+$0x110];
	_ =	sdelay $0x4  }
0x8e: {  	v0 =	vand.u32 $0xFFFF, v0  }
0x8f: {  	[tilespmem:$0x27A0] =	vst v0  }
0x90: {  	v0 =	vld [tilespmem:s16+$0x120];
	_ =	sdelay $0x4  }
0x91: {  	v0 =	vand.u32 $0xFFFF, v0  }
0x92: {  	[tilespmem:$0x27B0] =	vst v0  }
0x93: {  	v0 =	vld [tilespmem:s16+$0x130];
	_ =	sdelay $0x4  }
0x94: {  	v0 =	vand.u32 $0xFFFF, v0  }
0x95: {  	[tilespmem:$0x27C0] =	vst v0  }
0x96: {  	[tilespmem:s19], [sflag:$0x1] =	stream.indirect.gather [hbm4b:s4+s17], $0x80, s18, s17, $0xb8;
	[tilespmem:$0x1DB00] =	vst v63  }
0x97: {  	_ =	swait.ge [sflag:s30], $0x2800  }
0x98: {  	[sflag:s30] =	ssyncset.done $0x0  }
0x99: {  	[sflag:s30] =	ssyncadd.s32 $0xFFFFD800  }
0x9a: {  	v62 =	vld [tilespmem:s16+$0xA0];
	_ =	sdelay $0x4  }
0x9b: {  	v0 =	vshra.s32 v62, $0x10  }
0x9c: {  	[tilespmem:$0x2A00] =	vst v0  }
0x9d: {  	v0 =	vld [tilespmem:s16+$0xB0];
	_ =	sdelay $0x4  }
0x9e: {  	v0 =	vshra.s32 v0, $0x10  }
0x9f: {  	[tilespmem:$0x2A10] =	vst v0  }
0xa0: {  	v0 =	vld [tilespmem:s16+$0xC0];
	_ =	sdelay $0x4  }
0xa1: {  	v0 =	vshra.s32 v0, $0x10  }
0xa2: {  	[tilespmem:$0x2A20] =	vst v0  }
0xa3: {  	v0 =	vld [tilespmem:s16+$0xD0];
	_ =	sdelay $0x4  }
0xa4: {  	v0 =	vshra.s32 v0, $0x10  }
0xa5: {  	[tilespmem:$0x2A30] =	vst v0  }
0xa6: {  	v0 =	vld [tilespmem:s16+$0xE0];
	_ =	sdelay $0x4  }
0xa7: {  	v0 =	vshra.s32 v0, $0x10  }
0xa8: {  	[tilespmem:$0x2A40] =	vst v0  }
0xa9: {  	[spmem:s2] =	stream.indirect.scatter.add.f32 [tilespmem:s1], [sflag:$0x6], $0x80, s31, s17, $0xb8;
	[tilespmem:$0x1DB00] =	vst v63  }
0xaa: {  	_ =	swait.ge [sflag:s29], $0x2800  }
0xab: {  	[sflag:s29] =	ssyncset.done $0x0  }
0xac: {  	[sflag:s29] =	ssyncadd.s32 $0xFFFFD800  }
0xad: {  	v63 =	vld [tilespmem:s16+$0x140];
	_ =	sdelay $0x4  }
0xae: {  	v0 =	vand.u32 $0xFFFF, v63  }
0xaf: {  	[tilespmem:$0x2800] =	vst v0  }
0xb0: {  	v0 =	vld [tilespmem:s16+$0x150];
	_ =	sdelay $0x4  }
0xb1: {  	v0 =	vand.u32 $0xFFFF, v0  }
0xb2: {  	[tilespmem:$0x2810] =	vst v0  }
0xb3: {  	v0 =	vld [tilespmem:s16+$0x160];
	_ =	sdelay $0x4  }
0xb4: {  	v0 =	vand.u32 $0xFFFF, v0  }
0xb5: {  	[tilespmem:$0x2820] =	vst v0  }
0xb6: {  	v0 =	vld [tilespmem:s16+$0x170];
	_ =	sdelay $0x4  }
0xb7: {  	v0 =	vand.u32 $0xFFFF, v0  }
0xb8: {  	[tilespmem:$0x2830] =	vst v0  }
0xb9: {  	v0 =	vld [tilespmem:s16+$0x180];
	_ =	sdelay $0x2  }
.Ltmp3:
0xba: {  	_ = 	snop;
	(pc) =	sbr.rel .LBB2_2-.Ltmp3, $4  }
0xbb: {  	_ = 	snop  }
0xbc: {  	v0 =	vand.u32 $0xFFFF, v0  }
0xbd: {  	s15 =	sadd.s32 $0x3C0, s15;
	[tilespmem:$0x2840] =	vst v0  }
0xbe: {  	[tilespmem:s21], [sflag:$0x2] =	stream.indirect.gather [hbm4b:s4+s17], $0x80, s20, s17, $0xb8;
	[tilespmem:$0x1DB00] =	vst v63  }
.LBB2_5:
0xbf: {  	_ =	sfence.sel $0x180000  }
0xc0: {  	[bflag:$0x0] =	sbarrier.arrive $0xFFFF  }
0xc1: {  	_ =	strace $0x9000004A  }
0xc2: {  	s0 =	stileid.u32;
	[bflag:$0x2] =	sbarrier.arrive $0xFFFF  }
0xc3: {  	p0 =	sne.s32 s0, $0x0;
	s0 =	rddreg [dreg:$0x2]  }
0xc4: {  	s0 =	sadd.s32 @!p0 $0x100000, s0  }
0xc5: {  	[sflag:s0] =	ssyncadd.tile.s32 @!p0 $0x1;
	_ =	shalt  }
.Lfunc_end2:
_tile_overlayer_lowered:
.L_overlay_start_2:
0xc6: {  	(tag) =	ssettag $0x2  }
0xc7: {  	s0 =	rddreg [dreg:$0x0];
	s2 =	stileid.u32  }
0xc8: {  	s1 =	rddreg [dreg:$0x1];
	p0 =	sne.s32 s2, $0x0  }
0xc9: {  	s3 =	rddreg [dreg:$0x2];
	[bflag:$0x3] =	sbarrier.arrive $0xFFFF;
	s2 =	simm.s32 @!p0 $0x1C07  }
0xca: {  	[timem:s3], [sflag:s2] =	dma.local @!p0 [hbm:s0], s1  }
0xcb: {  	s0 =	simm.s32 @!p0 $0x7  }
0xcc: {  	_ =	swait.ge @!p0 [sflag:s0], s1  }
0xcd: {  	s1 =	ssub.s32 @!p0 $0x0, s1;
	[sflag:s0] =	ssyncset.done @!p0 $0x0  }
0xce: {  	[sflag:s0] =	ssyncadd.s32 @!p0 s1  }
0xcf: {  	[bflag:$0x3] =	sbarrier.arrive $0xFFFF  }
0xd0: {  	_ =	shalt  }

// kernel: kernel.8.cloned.1.call-start
scs
__scs_entry_jumppad:
0x0: {  	(pc) =	sbr.rel $0x88, $3  }
0x1: {  	(tag) =	ssettag $0x0;
	lr =	simm.s32 $0x1  }
0x2: {  	[smem:$0x3F94] =	sst lr;
	_ =	strace $0xD0000000  }
0x3: {  	_ = 	snop  }
0x4: {  	_ = 	snop  }
0x5: {  	_ = 	snop  }
0x6: {  	_ = 	snop  }
0x7: {  	_ = 	snop  }
__scs_overlays_trampoline_lowered:
0x8: {  	[smem:$0x3FA3] =	sst s0  }
0x9: {  	[smem:$0x3FA4] =	sst s1  }
0xa: {  	[smem:$0x3FA5] =	sst s2  }
0xb: {  	[smem:$0x3FA6] =	sst s3  }
0xc: {  	[smem:$0x3FA7] =	sst s4  }
0xd: {  	[smem:$0x3FA8] =	sst s5  }
0xe: {  	[smem:$0x3FA9] =	sst s6  }
0xf: {  	[smem:$0x3FAA] =	sst s7  }
0x10: {  	[smem:$0x3FAB] =	sst s8  }
0x11: {  	[smem:$0x3FAC] =	sst s9;
	s0 =	simm.s32 @!p0 $0x0  }
0x12: {  	s1 =	sld [smem:$0x3F92];
	s0 =	simm.s32 @p0 $0x1  }
0x13: {  	[smem:$0x3FAD] =	sst s0;
	s0 =	simm.s32 @!p1 $0x0  }
0x14: {  	s2 =	sld [smem:$0x3F91];
	s0 =	simm.s32 @p1 $0x1  }
0x15: {  	[smem:$0x3FAE] =	sst s0;
	s0 =	simm.s32 @!p2 $0x0  }
0x16: {  	s3 =	sld [smem:$0x3FDB];
	s0 =	simm.s32 @p2 $0x1  }
0x17: {  	s4 =	simm.s32 $0x1BF5;
	[smem:$0x3FB0] =	sst s0  }
0x18: {  	s0 =	sld [smem:$0x3F93];
	_ =	swait.ge [sflag:s4], $0x0  }
0x19: {  	s7 =	sld [smem:$0x3F94]  }
0x1a: {  	s8 =	sadd.s32 $0xFFFFE003, lr  }
0x1b: {  	s9 =	sadd.s32 $0xFFFFFEF7, lr;
	s5 =	simm.s32 $0xFFFFFFFF;
	p2 =	slt.u32 s8, $0xFFFFF086  }
0x1c: {  	p1 =	slt.u32 s9, $0xF7A;
	s5 =	simm.s32 @!p2 $0x0  }
0x1d: {  	s5 =	simm.s32 @p1 $0x1;
	p0 =	seq.s32 s7, s2  }
0x1e: {  	s7 =	smul.u32 @!p0 $0xF7A, s2;
	p2 =	seq.s32 @!p0 s5, $0x0  }
0x1f: {  	s9 =	smul.u32 $0xF7A, s1;
	s8 =	simm.s32 @!p0 $0x1BF5;
	p2 =	por !p2, p0  }
0x20: {  	[sflag:s8] =	ssyncset.s32 @!p0 $0xFFFFF086;
	s6 =	sadd.s32 @!p0 s3, s7;
	s7 =	simm.s32 @!p0 $0x108  }
0x21: {  	s3 =	sadd.s32 s3, s9;
	s6 =	sadd.s32 @!p0 $0x88, s6;
	s7 =	simm.s32 @p2 $0x1082  }
0x22: {  	[simem:s7], [sflag:s8] =	dma.local @!p0 [hbm:s6], $0xF7A  }
0x23: {  	s9 =	sor.u32 $0xD0000000, s2;
	s6 =	simm.s32 $0x108;
	_ =	swait.ge @!p0 [sflag:s8], $0x0  }
0x24: {  	s3 =	sadd.s32 $0x88, s3;
	s6 =	simm.s32 @!p1 $0x1082;
	[sflag:s4] =	ssyncset.s32 $0xFFFFF086  }
0x25: {  	[simem:s6], [sflag:s4] =	dma.local [hbm:s3], $0xF7A  }
0x26: {  	[smem:$0x3F94] =	sst s1;
	(tag) =	ssettag s2;
	_ =	strace s9  }
0x27: {  	s1 =	sld [smem:$0x3FA4]  }
0x28: {  	s2 =	sld [smem:$0x3FA5]  }
0x29: {  	s4 =	sld [smem:$0x3FA7]  }
0x2a: {  	p0 =	seq.s32 s5, $0x0;
	s5 =	sld [smem:$0x3FA8]  }
0x2b: {  	s6 =	sld [smem:$0x3FA9]  }
0x2c: {  	s7 =	sld [smem:$0x3FAA]  }
0x2d: {  	s3 =	simm.s32 $0x108;
	s8 =	sld [smem:$0x3FAB]  }
0x2e: {  	s3 =	simm.s32 @!p0 $0x1082;
	s9 =	sld [smem:$0x3FAC]  }
0x2f: {  	lr =	sadd.s32 s0, s3;
	s0 =	sld [smem:$0x3FA3]  }
0x30: {  	s3 =	sld [smem:$0x3FA6]  }
0x31: {  	[smem:$0x3FAF] =	sst s10  }
0x32: {  	s10 =	sld [smem:$0x3FAD];
	_ =	sdelay $0x3  }
0x33: {  	p0 =	seq.s32 s10, $0x1;
	s10 =	sld [smem:$0x3FAF];
	_ =	sdelay $0x3  }
0x34: {  	[smem:$0x3FAF] =	sst s10  }
0x35: {  	s10 =	sld [smem:$0x3FAE];
	_ =	sdelay $0x3  }
0x36: {  	p1 =	seq.s32 s10, $0x1;
	s10 =	sld [smem:$0x3FAF];
	_ =	sdelay $0x3  }
0x37: {  	[smem:$0x3FAF] =	sst s10  }
0x38: {  	s10 =	sld [smem:$0x3FB0]  }
0x39: {  	_ = 	snop;
	(pc) =	sbr.ind lr, $3  }
0x3a: {  	_ = 	snop  }
0x3b: {  	_ = 	snop  }
0x3c: {  	p2 =	seq.s32 s10, $0x1;
	s10 =	sld [smem:$0x3FAF]  }
0x3d: {  	_ =	shalt  }
0x3e: {  	_ =	shalt  }
0x3f: {  	_ =	shalt  }
0x40: {  	_ =	shalt  }
0x41: {  	_ =	shalt  }
0x42: {  	_ =	shalt  }
0x43: {  	_ =	shalt  }
0x44: {  	_ =	shalt  }
0x45: {  	_ =	shalt  }
0x46: {  	_ =	shalt  }
0x47: {  	_ =	shalt  }
0x48: {  	_ =	shalt  }
0x49: {  	_ =	shalt  }
0x4a: {  	_ =	shalt  }
0x4b: {  	_ =	shalt  }
0x4c: {  	_ =	shalt  }
0x4d: {  	_ =	shalt  }
0x4e: {  	_ =	shalt  }
0x4f: {  	_ =	shalt  }
0x50: {  	_ =	shalt  }
0x51: {  	_ =	shalt  }
0x52: {  	_ =	shalt  }
0x53: {  	_ =	shalt  }
0x54: {  	_ =	shalt  }
0x55: {  	_ =	shalt  }
0x56: {  	_ =	shalt  }
0x57: {  	_ =	shalt  }
0x58: {  	_ =	shalt  }
0x59: {  	_ =	shalt  }
0x5a: {  	_ =	shalt  }
0x5b: {  	_ =	shalt  }
0x5c: {  	_ =	shalt  }
0x5d: {  	_ =	shalt  }
0x5e: {  	_ =	shalt  }
0x5f: {  	_ =	shalt  }
0x60: {  	_ =	shalt  }
0x61: {  	_ =	shalt  }
0x62: {  	_ =	shalt  }
0x63: {  	_ =	shalt  }
0x64: {  	_ =	shalt  }
0x65: {  	_ =	shalt  }
0x66: {  	_ =	shalt  }
0x67: {  	_ =	shalt  }
0x68: {  	_ =	shalt  }
0x69: {  	_ =	shalt  }
0x6a: {  	_ =	shalt  }
0x6b: {  	_ =	shalt  }
0x6c: {  	_ =	shalt  }
0x6d: {  	_ =	shalt  }
0x6e: {  	_ =	shalt  }
0x6f: {  	_ =	shalt  }
0x70: {  	_ =	shalt  }
0x71: {  	_ =	shalt  }
0x72: {  	_ =	shalt  }
0x73: {  	_ =	shalt  }
0x74: {  	_ =	shalt  }
0x75: {  	_ =	shalt  }
0x76: {  	_ =	shalt  }
0x77: {  	_ =	shalt  }
0x78: {  	_ =	shalt  }
0x79: {  	_ =	shalt  }
0x7a: {  	_ =	shalt  }
0x7b: {  	_ =	shalt  }
0x7c: {  	_ =	shalt  }
0x7d: {  	_ =	shalt  }
0x7e: {  	_ =	shalt  }
0x7f: {  	_ =	shalt  }
0x80: {  	_ =	shalt  }
0x81: {  	_ =	shalt  }
0x82: {  	_ =	shalt  }
0x83: {  	_ =	shalt  }
0x84: {  	_ =	shalt  }
0x85: {  	_ =	shalt  }
0x86: {  	_ =	shalt  }
0x87: {  	_ =	shalt  }
.Lfunc_end0:
.L_simem_size_0:
called_computation_lowered:
.L_overlay_start_0:
0x88: {  	s2 =	sld [smem:$0x3FD9]  }
0x89: {  	s3 =	sld [smem:$0x3FFE];
	_ =	sdelay $0x1  }
0x8a: {  	s1 =	srdreg.scid  }
0x8b: {  	s0 =	sand.u32 $0x1, s1  }
0x8c: {  	s16 =	sshll.u32 s0, $0xA;
	s2 =	sadd.s32 s3, s2  }
0x8d: {  	s2 =	sadd.s32 s2, s16  }
0x8e: {  	[smem:$0x3FBB] =	sst s2  }
0x8f: {  	_ = 	snop  }
0x90: {  	(tm) =	ssettm $0x1  }
0x91: {  	s17 =	sld [smem:$0x3FFB];
	_ =	sdelay $0x3  }
0x92: {  	_ =	strace s17  }
0x93: {  	s2 =	sld [smem:$0x3FFC];
	_ =	sdelay $0x3  }
0x94: {  	_ =	strace s2  }
0x95: {  	s2 =	sld [smem:$0x3FFD];
	_ =	sdelay $0x3  }
0x96: {  	_ =	strace s2  }
0x97: {  	_ =	strace $0x8FFFFFFF  }
0x98: {  	s18 =	sld [smem:$0x3FDB];
	_ =	sdelay $0x1  }
0x99: {  	s19 =	simm.s32 $_scs_section_size  }
0x9a: {  	s4 =	simm.s32 $_size__tile_overlayer_lowered;
	s5 =	simm.s32 $_tile_overlayer_lowered  }
0x9b: {  	s22 =	simm.s32 $0x1BFF;
	s21 =	sshll.u32 s5, $0x1;
	s2 =	sadd.s32 s19, s18  }
0x9c: {  	s6 =	simm.s32 $0x0;
	s20 =	sshll.u32 s4, $0x1;
	s4 =	sadd.s32 s21, s2  }
0x9d: {  	[timem:s6], [sflag:s22] =	dma.local [hbm:s4], s20  }
0x9e: {  	_ =	swait.ge [sflag:s22], s20  }
0x9f: {  	s3 =	ssub.s32 $0x0, s20;
	[sflag:s22] =	ssyncset.done $0x0  }
0xa0: {  	[sflag:s22] =	ssyncadd.s32 s3;
	_ =	sdelay $0x1  }
0xa1: {  	s23 =	simm.s32 $0x1B8B  }
0xa2: {  	_ =	swait.ge [sflag:s23], $0x1  }
0xa3: {  	[sflag:s23] =	ssyncset.done $0x0  }
0xa4: {  	s25 =	simm.s32 $0x1B8E;
	s24 =	sld [smem:$0x3FFE];
	[sflag:s23] =	ssyncadd.s32 $0xFFFFFFFF  }
0xa5: {  	s26 =	simm.s32 $execute0_lowered;
	[smem:$0x3FD2] =	sst s25  }
0xa6: {  	s4 =	sshll.u32 s26, $0x1;
	_ =	strace $0x80000046;
	[dreg:$0x1] =	wrdreg $0xFFFFFFFF  }
0xa7: {  	s28 =	simm.s32 $_size_execute0_lowered;
	s2 =	sadd.s32 s2, s4;
	[dreg:$0x0] =	wrdreg $0x0  }
0xa8: {  	s4 =	sshll.u32 s28, $0x1;
	[dreg:$0x2] =	wrdreg s2  }
0xa9: {  	[dreg:$0x3] =	wrdreg s4  }
0xaa: {  	[dreg:$0x4] =	wrdreg $0xC0  }
0xab: {  	_ =	task [dreg:s6], $0x5FFFF  }
0xac: {  	[dreg:$0x1] =	wrdreg $0xFFFFFFFF  }
0xad: {  	[dreg:$0x0] =	wrdreg $0x60  }
0xae: {  	[dreg:$0x2] =	wrdreg s24  }
0xaf: {  	[dreg:$0x3] =	wrdreg $0xA2800  }
0xb0: {  	[dreg:$0x4] =	wrdreg $0x9  }
0xb1: {  	_ =	task.clear_ibuf [dreg:s6], $0x5FFFF;
	_ =	strace $0x90000046  }
0xb2: {  	s29 =	simm.s32 $0x9;
	_ =	strace $0x80000048  }
0xb3: {  	_ =	swait.ge [sflag:s29], $0x1  }
0xb4: {  	[sflag:s29] =	ssyncadd.s32 $0xFFFFFFFF  }
0xb5: {  	_ =	strace $0x90000048  }
0xb6: {  	_ =	sfence  }
0xb7: {  	s30 =	sld [smem:$0x0];
	_ =	sdelay $0x2  }
0xb8: {  	s31 =	sshll.u32 s1, $0xD;
	s1 =	sshrl.u32 s1, $0x2  }
0xb9: {  	s3 =	sand.u32 $0x4000, s31;
	s1 =	sadd.s32 s1, s30  }
0xba: {  	s0 =	sor.u32 s3, s0;
	s1 =	sshll.u32 s1, $0x11  }
0xbb: {  	s0 =	sor.u32 s1, s0  }
0xbc: {  	s0 =	sadd.s32 $0x8F2B, s0  }
0xbd: {  	[sflag:s0] =	ssyncadd.remote.s32 $0x1  }
0xbe: {  	_ =	sfence.sel $0xFFFF  }
0xbf: {  	[dreg:$0x0] =	wrdreg $0xFFFFFFFF;
	(pc) =	sbr.abs _section_cstart, $3  }
0xc0: {  	[dreg:$0x1] =	wrdreg $0xFFFFFFFF  }
0xc1: {  	_ =	task.clear_ibuf [dreg:s6], $0x2FFFF;
	_ =	strace $0x9FFFFFFF  }
0xc2: {  	(tm) =	ssettm $0x7FFFFFFF  }
0xc3: {  	_ =	shalt  }
tec
execute0_lowered:
.L_overlay_start_1:
0x0: {  	(tag) =	ssettag $0x1  }
0x1: {  	s0 =	srdreg.scid;
	s1 =	rddreg [dreg:$0x0]  }
0x2: {  	s15 =	stileid.u32;
	s2 =	rddreg [dreg:$0x1];
	s5 =	simm.s32 $0x0  }
0x3: {  	s17 =	simm.s32 $0x50;
	s18 =	simm.s32 $0x2780;
	s19 =	simm.s32 $0x2A80  }
0x4: {  	s28 =	simm.s32 $0x4;
	s29 =	simm.s32 $0x5;
	s30 =	simm.s32 $0x3  }
0x5: {  	s31 =	simm.s32 $0x2A00;
	s0 =	sand.u32 $0x1, s0;
	s4 =	sshll.u32 s15, $0x7  }
0x6: {  	[smem:$0x7FF] =	sst s5;
	s20 =	smul.u32 $0x4E, s15;
	s21 =	smin.u32 s15, $0x2  }
0x7: {  	s25 =	sshll.u32 s15, $0x6;
	p0 =	sgt.u32 s15, $0x1;
	s3 =	sshll.u32 s0, $0x4  }
0x8: {  	s4 =	sand.u32 $0x380, s4;
	_ =	strace $0x80000047;
	s6 =	smul.u32 $0x2710, s0  }
0x9: {  	s8 =	ssub.s32 $0x2, s0;
	s0 =	smul.u32 $0x138800, s0;
	s3 =	sor.u32 s15, s3  }
0xa: {  	s5 =	sadd.s32 s21, s20;
	s22 =	sshrl.u32 s8, $0x1;
	s20 =	simm.s32 $0x2800  }
0xb: {  	s21 =	simm.s32 $0x5280;
	s3 =	sshrl.u32 s3, $0x3;
	s7 =	sshll.u32 s5, $0x3  }
0xc: {  	s9 =	sshll.u32 s5, $0xA;
	s11 =	ssub.s32 s8, s22;
	s22 =	simm.s32 $0x1  }
0xd: {  	s3 =	smul.u32 $0x13C00, s3;
	s6 =	sadd.s32 s7, s6;
	s12 =	sadd.s32 s9, s2  }
0xe: {  	s13 =	sadd.s32 $0x13800, s9;
	s9 =	sadd.s32 s0, s9;
	s11 =	smax.u32 s11, $0x1  }
0xf: {  	s6 =	sshll.u32 s6, $0x4;
	s14 =	sadd.s32 $0x13800, s12;
	s0 =	sadd.s32 s0, s13  }
0x10: {  	s26 =	sshrl.u32 s9, $0x3;
	s12 =	sshrl.u32 s12, $0x3;
	s3 =	sor.u32 s4, s3  }
0x11: {  	s4 =	sadd.s32 $0xB800, s1;
	s0 =	sshrl.u32 s0, $0x3;
	s14 =	sshrl.u32 @!p0 s14, $0x3  }
0x12: {  	s3 =	sshrl.u32 s3, $0x3;
	s23 =	sadd.s32 s4, s6;
	s6 =	sor.u32 $0x1C07, s25  }
0x13: {  	s3 =	sadd.s32 s3, s1;
	s1 =	sadd.s32 $0xF5E00, s1;
	s24 =	sadd.s32 $0x9C400, s23  }
.Ltmp0:
0x14: {  	s7 =	sadd.s32 $0x9EB00, s23;
	s23 =	simm.s32 $0x2900;
	(pc) =	sbr.rel .LBB2_1-.Ltmp0, $4  }
0x15: {  	[dreg:$0x3] =	wrdreg s24;
	s8 =	sadd.s32 $0x1A00, s3;
	s9 =	sadd.s32 s1, s26  }
0x16: {  	s10 =	sadd.s32 s1, s0;
	s0 =	sadd.s32 s13, s2;
	s13 =	simm.s32 $0x7  }
0x17: {  	s24 =	simm.s32 $0x2;
	s26 =	simm.s32 $0x2980;
	s1 =	simm.s32 $0x7A80  }
0x18: {  	s3 =	simm.s32 $0x0;
	s25 =	sshrl.u32 @!p0 s0, $0x3;
	s0 =	simm.s32 $0x2880  }
.LBB2_4:
0x19: {  	_ =	swait.ge [sflag:s29], $0x2800  }
0x1a: {  	[sflag:s29] =	ssyncset.done $0x0  }
0x1b: {  	[sflag:s29] =	ssyncadd.s32 $0xFFFFD800  }
0x1c: {  	[bflag:$0x0] =	sbarrier.arrive $0xFFFF  }
0x1d: {  	[hbm:s9], [sflag:s6] =	dma.local [spmem:s12], $0x2700  }
0x1e: {  	s3 =	sadd.s32 $0x1, s3;
	_ =	swait.ge [sflag:s13], $0x2700  }
0x1f: {  	p1 =	sne.s32 s3, s11;
	[sflag:s13] =	ssyncset.done $0x0  }
.Ltmp1:
0x20: {  	s5 =	simm.s32 @!p0 $0x7;
	[sflag:s13] =	ssyncadd.s32 $0xFFFFD900;
	(pc) =	sbr.rel @!p1 .LBB2_5-.Ltmp1, $4  }
0x21: {  	[hbm:s10], [sflag:s6] =	dma.local @!p0 [spmem:s25], $0x80  }
0x22: {  	_ =	swait.ge @!p0 [sflag:s5], $0x80  }
0x23: {  	[sflag:s5] =	ssyncset.done @!p0 $0x0  }
0x24: {  	[sflag:s5] =	ssyncadd.s32 @!p0 $0xFFFFFF80  }
.LBB2_1:
0x25: {  	s5 =	rddreg [dreg:$0x3]  }
0x26: {  	[spmem:s12], [sflag:s6] =	dma.local [hbm:s5], $0x2700  }
0x27: {  	_ =	swait.ge [sflag:s13], $0x2700  }
0x28: {  	[sflag:s13] =	ssyncset.done $0x0  }
0x29: {  	s15 =	simm.s32 @!p0 $0x7;
	[sflag:s13] =	ssyncadd.s32 $0xFFFFD900  }
0x2a: {  	[spmem:s14], [sflag:s6] =	dma.local @!p0 [hbm:s7], $0x80  }
0x2b: {  	_ =	swait.ge @!p0 [sflag:s15], $0x80  }
0x2c: {  	s16 =	simm.s32 $0x400;
	[sflag:s15] =	ssyncset.done @!p0 $0x0  }
0x2d: {  	s5 =	simm.s32 $0x0;
	[sflag:s15] =	ssyncadd.s32 @!p0 $0xFFFFFF80;
	s15 =	simm.s32 $0x80  }
0x2e: {  	[tilespmem:s5], [sflag:$0x7] =	stream.strided.gather [hbm4b:s8+s15], $0x2780, s16, s15, $0x38;
	[tilespmem:$0x1DB00] =	vst v63  }
0x2f: {  	_ =	swait.ge [sflag:s13], $0x2780  }
0x30: {  	[sflag:s13] =	ssyncset.done $0x0  }
0x31: {  	[sflag:s13] =	ssyncadd.s32 $0xFFFFD880  }
0x32: {  	[bflag:$0x0] =	sbarrier.arrive $0xFFFF  }
0x33: {  	v0 =	vld [tilespmem:$0x0]  }
0x34: {  	v1 =	vld [tilespmem:$0x10]  }
0x35: {  	v2 =	vld [tilespmem:$0x20]  }
0x36: {  	v3 =	vld [tilespmem:$0x30]  }
0x37: {  	v4 =	vld [tilespmem:$0x40]  }
0x38: {  	v0 =	vand.u32 $0xFFFF, v0  }
0x39: {  	v51 =	vand.u32 $0xFFFF, v1;
	[tilespmem:$0x2780] =	vst v0  }
0x3a: {  	v52 =	vand.u32 $0xFFFF, v2;
	[tilespmem:$0x2790] =	vst v51  }
0x3b: {  	v53 =	vand.u32 $0xFFFF, v3;
	[tilespmem:$0x27A0] =	vst v52  }
0x3c: {  	v54 =	vand.u32 $0xFFFF, v4;
	[tilespmem:$0x27B0] =	vst v53  }
0x3d: {  	[tilespmem:$0x27C0] =	vst v54  }
0x3e: {  	[tilespmem:s19], [sflag:$0x1] =	stream.indirect.gather [hbm4b:s4+s17], $0x80, s18, s17, $0xb8;
	[tilespmem:$0x1DB00] =	vst v63  }
0x3f: {  	v55 =	vld [tilespmem:$0x50]  }
0x40: {  	v56 =	vld [tilespmem:$0x60]  }
0x41: {  	v57 =	vld [tilespmem:$0x70]  }
0x42: {  	v58 =	vld [tilespmem:$0x80]  }
0x43: {  	v59 =	vld [tilespmem:$0x90]  }
0x44: {  	v0 =	vand.u32 $0xFFFF, v55  }
0x45: {  	v60 =	vand.u32 $0xFFFF, v56;
	[tilespmem:$0x2800] =	vst v0  }
0x46: {  	v61 =	vand.u32 $0xFFFF, v57;
	[tilespmem:$0x2810] =	vst v60  }
0x47: {  	v62 =	vand.u32 $0xFFFF, v58;
	[tilespmem:$0x2820] =	vst v61  }
0x48: {  	v63 =	vand.u32 $0xFFFF, v59;
	[tilespmem:$0x2830] =	vst v62  }
0x49: {  	s15 =	simm.s32 $0x0;
	[tilespmem:$0x2840] =	vst v63  }
0x4a: {  	[tilespmem:s21], [sflag:$0x2] =	stream.indirect.gather [hbm4b:s4+s17], $0x80, s20, s17, $0xb8;
	[tilespmem:$0x1DB00] =	vst v63  }
.LBB2_2:
0x4b: {  	_ =	swait.ge [sflag:s22], $0x2800  }
0x4c: {  	[sflag:s22] =	ssyncset.done $0x0  }
0x4d: {  	s16 =	sshra.s32 s15, $0x2;
	[sflag:s22] =	ssyncadd.s32 $0xFFFFD800  }
0x4e: {  	v0 =	vld [tilespmem:s16+$0x0];
	_ =	sdelay $0x4  }
0x4f: {  	v0 =	vshra.s32 v0, $0x10  }
0x50: {  	[tilespmem:$0x2900] =	vst v0  }
0x51: {  	v0 =	vld [tilespmem:s16+$0x10];
	_ =	sdelay $0x4  }
0x52: {  	v0 =	vshra.s32 v0, $0x10  }
0x53: {  	[tilespmem:$0x2910] =	vst v0  }
0x54: {  	v0 =	vld [tilespmem:s16+$0x20];
	_ =	sdelay $0x4  }
0x55: {  	v0 =	vshra.s32 v0, $0x10  }
0x56: {  	[tilespmem:$0x2920] =	vst v0  }
0x57: {  	v0 =	vld [tilespmem:s16+$0x30];
	_ =	sdelay $0x4  }
0x58: {  	v0 =	vshra.s32 v0, $0x10  }
0x59: {  	[tilespmem:$0x2930] =	vst v0  }
0x5a: {  	v0 =	vld [tilespmem:s16+$0x40];
	_ =	sdelay $0x4  }
0x5b: {  	p1 =	seq.s32 s15, $0x0;
	v0 =	vshra.s32 v0, $0x10  }
0x5c: {  	s5 =	simm.s32 @!p1 $0x6;
	[tilespmem:$0x2940] =	vst v0  }
0x5d: {  	[spmem:s2] =	stream.indirect.scatter.add.f32 [tilespmem:s19], [sflag:$0x4], $0x80, s23, s17, $0xb8;
	[tilespmem:$0x1DB00] =	vst v63  }
0x5e: {  	_ =	swait.ge @!p1 [sflag:s5], $0x2800  }
0x5f: {  	p2 =	seq.s32 @!p1 s15, $0x99C0;
	[sflag:s5] =	ssyncset.done @!p1 $0x0  }
0x60: {  	p2 =	por p1, !p2;
	[sflag:s5] =	ssyncadd.s32 @!p1 $0xFFFFD800  }
0x61: {  	v0 =	vld @p2 [tilespmem:s16+$0xA0];
	_ =	sdelay $0x4  }
0x62: {  	v0 =	vand.u32 @p2 $0xFFFF, v0  }
0x63: {  	[tilespmem:$0x2880] =	vst @p2 v0  }
0x64: {  	v0 =	vld @p2 [tilespmem:s16+$0xB0];
	_ =	sdelay $0x4  }
0x65: {  	v0 =	vand.u32 @p2 $0xFFFF, v0  }
0x66: {  	[tilespmem:$0x2890] =	vst @p2 v0  }
0x67: {  	v0 =	vld @p2 [tilespmem:s16+$0xC0];
	_ =	sdelay $0x4  }
0x68: {  	v0 =	vand.u32 @p2 $0xFFFF, v0  }
0x69: {  	[tilespmem:$0x28A0] =	vst @p2 v0  }
0x6a: {  	v0 =	vld @p2 [tilespmem:s16+$0xD0];
	_ =	sdelay $0x4  }
0x6b: {  	v0 =	vand.u32 @p2 $0xFFFF, v0  }
0x6c: {  	[tilespmem:$0x28B0] =	vst @p2 v0  }
0x6d: {  	v0 =	vld @p2 [tilespmem:s16+$0xE0];
	_ =	sdelay $0x4  }
0x6e: {  	v0 =	vand.u32 @p2 $0xFFFF, v0  }
0x6f: {  	[tilespmem:$0x28C0] =	vst @p2 v0  }
0x70: {  	[tilespmem:s1], [sflag:$0x3] =	stream.indirect.gather @p2 [hbm4b:s4+s17], $0x80, s0, s17, $0xb8;
	[tilespmem:$0x1DB00] =	vst v63  }
0x71: {  	_ =	swait.ge [sflag:s24], $0x2800  }
0x72: {  	[sflag:s24] =	ssyncset.done $0x0  }
0x73: {  	[sflag:s24] =	ssyncadd.s32 $0xFFFFD800  }
0x74: {  	v63 =	vld [tilespmem:s16+$0x50];
	_ =	sdelay $0x4  }
0x75: {  	v0 =	vshra.s32 v63, $0x10  }
0x76: {  	[tilespmem:$0x2980] =	vst v0  }
0x77: {  	v0 =	vld [tilespmem:s16+$0x60];
	_ =	sdelay $0x4  }
0x78: {  	v0 =	vshra.s32 v0, $0x10  }
0x79: {  	[tilespmem:$0x2990] =	vst v0  }
0x7a: {  	v0 =	vld [tilespmem:s16+$0x70];
	_ =	sdelay $0x4  }
0x7b: {  	v0 =	vshra.s32 v0, $0x10  }
0x7c: {  	[tilespmem:$0x29A0] =	vst v0  }
0x7d: {  	v0 =	vld [tilespmem:s16+$0x80];
	_ =	sdelay $0x4  }
0x7e: {  	v0 =	vshra.s32 v0, $0x10  }
0x7f: {  	[tilespmem:$0x29B0] =	vst v0  }
0x80: {  	v0 =	vld [tilespmem:s16+$0x90];
	_ =	sdelay $0x4  }
0x81: {  	p1 =	seq.s32 s15, $0x99C0;
	v0 =	vshra.s32 v0, $0x10  }
.Ltmp2:
0x82: {  	[tilespmem:$0x29C0] =	vst v0;
	(pc) =	sbr.rel @p1 .LBB2_4-.Ltmp2, $4  }
0x83: {  	[spmem:s2] =	stream.indirect.scatter.add.f32 [tilespmem:s21], [sflag:$0x5], $0x80, s26, s17, $0xb8;
	[tilespmem:$0x1DB00] =	vst v63  }
0x84: {  	_ =	swait.ge [sflag:s28], $0x2800  }
0x85: {  	[sflag:s28] =	ssyncset.done $0x0  }
0x86: {  	[sflag:s28] =	ssyncadd.s32 $0xFFFFD800  }
0x87: {  	v0 =	vld [tilespmem:s16+$0xF0];
	_ =	sdelay $0x4  }
0x88: {  	v0 =	vand.u32 $0xFFFF, v0  }
0x89: {  	[tilespmem:$0x2780] =	vst v0  }
0x8a: {  	v0 =	vld [tilespmem:s16+$0x100];
	_ =	sdelay $0x4  }
0x8b: {  	v0 =	vand.u32 $0xFFFF, v0  }
0x8c: {  	[tilespmem:$0x2790] =	vst v0  }
0x8d: {  	v0 =	vld [tilespmem:s16+$0x110];
	_ =	sdelay $0x4  }
0x8e: {  	v0 =	vand.u32 $0xFFFF, v0  }
0x8f: {  	[tilespmem:$0x27A0] =	vst v0  }
0x90: {  	v0 =	vld [tilespmem:s16+$0x120];
	_ =	sdelay $0x4  }
0x91: {  	v0 =	vand.u32 $0xFFFF, v0  }
0x92: {  	[tilespmem:$0x27B0] =	vst v0  }
0x93: {  	v0 =	vld [tilespmem:s16+$0x130];
	_ =	sdelay $0x4  }
0x94: {  	v0 =	vand.u32 $0xFFFF, v0  }
0x95: {  	[tilespmem:$0x27C0] =	vst v0  }
0x96: {  	[tilespmem:s19], [sflag:$0x1] =	stream.indirect.gather [hbm4b:s4+s17], $0x80, s18, s17, $0xb8;
	[tilespmem:$0x1DB00] =	vst v63  }
0x97: {  	_ =	swait.ge [sflag:s30], $0x2800  }
0x98: {  	[sflag:s30] =	ssyncset.done $0x0  }
0x99: {  	[sflag:s30] =	ssyncadd.s32 $0xFFFFD800  }
0x9a: {  	v62 =	vld [tilespmem:s16+$0xA0];
	_ =	sdelay $0x4  }
0x9b: {  	v0 =	vshra.s32 v62, $0x10  }
0x9c: {  	[tilespmem:$0x2A00] =	vst v0  }
0x9d: {  	v0 =	vld [tilespmem:s16+$0xB0];
	_ =	sdelay $0x4  }
0x9e: {  	v0 =	vshra.s32 v0, $0x10  }
0x9f: {  	[tilespmem:$0x2A10] =	vst v0  }
0xa0: {  	v0 =	vld [tilespmem:s16+$0xC0];
	_ =	sdelay $0x4  }
0xa1: {  	v0 =	vshra.s32 v0, $0x10  }
0xa2: {  	[tilespmem:$0x2A20] =	vst v0  }
0xa3: {  	v0 =	vld [tilespmem:s16+$0xD0];
	_ =	sdelay $0x4  }
0xa4: {  	v0 =	vshra.s32 v0, $0x10  }
0xa5: {  	[tilespmem:$0x2A30] =	vst v0  }
0xa6: {  	v0 =	vld [tilespmem:s16+$0xE0];
	_ =	sdelay $0x4  }
0xa7: {  	v0 =	vshra.s32 v0, $0x10  }
0xa8: {  	[tilespmem:$0x2A40] =	vst v0  }
0xa9: {  	[spmem:s2] =	stream.indirect.scatter.add.f32 [tilespmem:s1], [sflag:$0x6], $0x80, s31, s17, $0xb8;
	[tilespmem:$0x1DB00] =	vst v63  }
0xaa: {  	_ =	swait.ge [sflag:s29], $0x2800  }
0xab: {  	[sflag:s29] =	ssyncset.done $0x0  }
0xac: {  	[sflag:s29] =	ssyncadd.s32 $0xFFFFD800  }
0xad: {  	v63 =	vld [tilespmem:s16+$0x140];
	_ =	sdelay $0x4  }
0xae: {  	v0 =	vand.u32 $0xFFFF, v63  }
0xaf: {  	[tilespmem:$0x2800] =	vst v0  }
0xb0: {  	v0 =	vld [tilespmem:s16+$0x150];
	_ =	sdelay $0x4  }
0xb1: {  	v0 =	vand.u32 $0xFFFF, v0  }
0xb2: {  	[tilespmem:$0x2810] =	vst v0  }
0xb3: {  	v0 =	vld [tilespmem:s16+$0x160];
	_ =	sdelay $0x4  }
0xb4: {  	v0 =	vand.u32 $0xFFFF, v0  }
0xb5: {  	[tilespmem:$0x2820] =	vst v0  }
0xb6: {  	v0 =	vld [tilespmem:s16+$0x170];
	_ =	sdelay $0x4  }
0xb7: {  	v0 =	vand.u32 $0xFFFF, v0  }
0xb8: {  	[tilespmem:$0x2830] =	vst v0  }
0xb9: {  	v0 =	vld [tilespmem:s16+$0x180];
	_ =	sdelay $0x2  }
.Ltmp3:
0xba: {  	_ = 	snop;
	(pc) =	sbr.rel .LBB2_2-.Ltmp3, $4  }
0xbb: {  	_ = 	snop  }
0xbc: {  	v0 =	vand.u32 $0xFFFF, v0  }
0xbd: {  	s15 =	sadd.s32 $0x3C0, s15;
	[tilespmem:$0x2840] =	vst v0  }
0xbe: {  	[tilespmem:s21], [sflag:$0x2] =	stream.indirect.gather [hbm4b:s4+s17], $0x80, s20, s17, $0xb8;
	[tilespmem:$0x1DB00] =	vst v63  }
.LBB2_5:
0xbf: {  	_ =	sfence.sel $0x180000  }
0xc0: {  	[bflag:$0x0] =	sbarrier.arrive $0xFFFF  }
0xc1: {  	_ =	strace $0x90000047  }
0xc2: {  	s0 =	stileid.u32;
	[bflag:$0x2] =	sbarrier.arrive $0xFFFF  }
0xc3: {  	p0 =	sne.s32 s0, $0x0;
	s0 =	rddreg [dreg:$0x2]  }
0xc4: {  	s0 =	sadd.s32 @!p0 $0x100000, s0  }
0xc5: {  	[sflag:s0] =	ssyncadd.tile.s32 @!p0 $0x1;
	_ =	shalt  }
.Lfunc_end2:
_tile_overlayer_lowered:
.L_overlay_start_2:
0xc6: {  	(tag) =	ssettag $0x2  }
0xc7: {  	s0 =	rddreg [dreg:$0x0];
	s2 =	stileid.u32  }
0xc8: {  	s1 =	rddreg [dreg:$0x1];
	p0 =	sne.s32 s2, $0x0  }
0xc9: {  	s3 =	rddreg [dreg:$0x2];
	[bflag:$0x3] =	sbarrier.arrive $0xFFFF;
	s2 =	simm.s32 @!p0 $0x1C07  }
0xca: {  	[timem:s3], [sflag:s2] =	dma.local @!p0 [hbm:s0], s1  }
0xcb: {  	s0 =	simm.s32 @!p0 $0x7  }
0xcc: {  	_ =	swait.ge @!p0 [sflag:s0], s1  }
0xcd: {  	s1 =	ssub.s32 @!p0 $0x0, s1;
	[sflag:s0] =	ssyncset.done @!p0 $0x0  }
0xce: {  	[sflag:s0] =	ssyncadd.s32 @!p0 s1  }
0xcf: {  	[bflag:$0x3] =	sbarrier.arrive $0xFFFF  }
0xd0: {  	_ =	shalt  }

</sc_bundles>
